<compile_context>
chip_gen: v7x
topology: tpu7x:2x2x1
jax: 0.10.2.dev20260603
libtpu: 0.0.44.dev20260713+nightly
codegen_flags: <defaults>
</compile_context>

<pallas_src>
import functools

import jax
import jax.numpy as jnp
import numpy as np
from jax import lax
from jax.experimental import pallas as pl
from jax.experimental.pallas import tpu as pltpu
from jax.experimental.pallas import tpu_sc as plsc

_N = 10000
_E = 320000
_D = 128

_NC = 2
_NS = 16
_CHUNK = 80
_CPC = _E // _CHUNK // _NC
_TPT = _CPC // _NS
_PAIRS = (_TPT - 1) // 2
_RPT = 624

_BE = 1280


@functools.partial(
    pl.kernel,
    out_type=jax.ShapeDtypeStruct((_NC, _N, _D), jnp.float32),
    mesh=plsc.VectorSubcoreMesh(core_axis_name="c", subcore_axis_name="s"),
    compiler_params=pltpu.CompilerParams(needs_layout_passes=False),
    scratch_types=[
        pltpu.VMEM((_CHUNK,), jnp.int32),
        pltpu.VMEM((_CHUNK,), jnp.int32),
        pltpu.VMEM((_CHUNK,), jnp.int32),
        pltpu.VMEM((_CHUNK,), jnp.int32),
        pltpu.VMEM((_CHUNK, _D), jnp.float32),
        pltpu.VMEM((_CHUNK, _D), jnp.float32),
        pltpu.VMEM((_CHUNK, _D), jnp.float32),
        pltpu.VMEM((_CHUNK, _D), jnp.float32),
        pltpu.SemaphoreType.DMA,
        pltpu.SemaphoreType.DMA,
        pltpu.SemaphoreType.DMA,
        pltpu.SemaphoreType.DMA,
        pltpu.SemaphoreType.DMA,
        pltpu.SemaphoreType.DMA,
        pltpu.SemaphoreType.DMA,
        pltpu.SemaphoreType.DMA,
        pltpu.VMEM_SHARED((_N, _D), jnp.float32),
    ],
)
def _sc_aggregate(h_hbm, ea_hbm, src_hbm, dst_hbm, out_hbm,
                  src0, src1, dst0, dst1, rows0, rows1, eab0, eab1,
                  si0, si1, sg0, sg1, se0, se1, ss0, ss1, acc):
    c = lax.axis_index("c")
    s = lax.axis_index("s")
    srcv = (src0, src1)
    dstv = (dst0, dst1)
    rows = (rows0, rows1)
    eab = (eab0, eab1)
    si = (si0, si1)
    sg = (sg0, sg1)
    se = (se0, se1)
    ss = (ss0, ss1)
    zero = jnp.zeros((16,), jnp.float32)

    def _zrow(r, carry):
        for j in range(8):
            rows0[r, pl.ds(j * 16, 16)] = zero
        return carry
    lax.fori_loop(0, _CHUNK, _zrow, 0)

    base = s * _RPT
    for j in range(_RPT // _CHUNK):
        pltpu.sync_copy(rows0, acc.at[pl.ds(base + j * _CHUNK, _CHUNK)])
    _REM = _RPT - (_RPT // _CHUNK) * _CHUNK
    pltpu.sync_copy(rows0.at[pl.ds(0, _REM)],
                    acc.at[pl.ds(base + _RPT - _REM, _REM)])

    @pl.when(s == _NS - 1)
    def _ztail():
        pltpu.sync_copy(rows0.at[pl.ds(0, _N - _NS * _RPT)],
                        acc.at[pl.ds(_NS * _RPT, _N - _NS * _RPT)])
    plsc.subcore_barrier()

    def _echunk(t):
        return (c * _CPC + t * _NS + s) * _CHUNK

    def _issue_idx(t, b):
        e0 = _echunk(t)
        pltpu.async_copy(src_hbm.at[pl.ds(e0, _CHUNK)], srcv[b], si[b])
        pltpu.async_copy(dst_hbm.at[pl.ds(e0, _CHUNK)], dstv[b], si[b])

    def _drain_idx(b):
        pltpu.make_async_copy(src_hbm.at[pl.ds(0, _CHUNK)], srcv[b], si[b]).wait()
        pltpu.make_async_copy(dst_hbm.at[pl.ds(0, _CHUNK)], dstv[b], si[b]).wait()

    def _issue_dat(t, b):
        pltpu.async_copy(h_hbm.at[srcv[b]], rows[b], sg[b])
        pltpu.async_copy(ea_hbm.at[pl.ds(_echunk(t), _CHUNK)], eab[b], se[b])

    def _drain_dat(b):
        pltpu.make_async_copy(h_hbm.at[pl.ds(0, _CHUNK)], rows[b], sg[b]).wait()
        pltpu.make_async_copy(ea_hbm.at[pl.ds(0, _CHUNK)], eab[b], se[b]).wait()

    def _compute(b):
        def _qrow(q, carry2):
            for k in range(8):
                sl = pl.ds(16 * k, 16)
                eab[b][q, sl] = jnp.maximum(rows[b][q, sl] + eab[b][q, sl], 0.0)
            return carry2
        lax.fori_loop(0, _CHUNK, _qrow, 0)

    def _issue_scat(b):
        pltpu.async_copy(eab[b], acc.at[dstv[b]], ss[b], add=True)

    def _drain_scat(b):
        pltpu.make_async_copy(ea_hbm.at[pl.ds(0, _CHUNK)], eab[b], ss[b]).wait()

    _issue_idx(0, 0)
    _drain_idx(0)
    _issue_dat(0, 0)
    _issue_idx(1, 1)

    def _pair(j, carry):
        for b in (0, 1):
            t = 2 * j + b
            nb = 1 - b
            _drain_idx(nb)
            if b == 0:
                @pl.when(j > 0)
                def _():
                    _drain_scat(nb)
            else:
                _drain_scat(nb)
            _issue_dat(t + 1, nb)
            _drain_dat(b)
            _compute(b)
            _issue_scat(b)
            if b == 0:
                _issue_idx(t + 2, b)
            else:
                @pl.when(j < _PAIRS - 1)
                def _():
                    _issue_idx(t + 2, b)
        return carry
    lax.fori_loop(0, _PAIRS, _pair, 0)

    _drain_scat(1)
    _drain_dat(0)
    _compute(0)
    pltpu.sync_copy(eab0, acc.at[dstv[0]], add=True)
    plsc.subcore_barrier()

    pltpu.sync_copy(acc.at[pl.ds(base, _RPT)],
                    out_hbm.at[c, pl.ds(base, _RPT)])

    @pl.when(s == _NS - 1)
    def _dtail():
        pltpu.sync_copy(acc.at[pl.ds(_NS * _RPT, _N - _NS * _RPT)],
                        out_hbm.at[c, pl.ds(_NS * _RPT, _N - _NS * _RPT)])


def _edge_mm_body(a_ref, w_ref, b_ref, o_ref):
    a = a_ref[...]
    o_ref[...] = jnp.dot(a, w_ref[...], preferred_element_type=jnp.float32) + b_ref[...]


def _edge_mm(edge_attr, wt, b):
    grid = (_E // _BE,)
    blk = pl.BlockSpec((_BE, _D), lambda i: (i, 0))
    wblk = pl.BlockSpec((_D, _D), lambda i: (0, 0))
    bblk = pl.BlockSpec((1, _D), lambda i: (0, 0))
    return pl.pallas_call(
        _edge_mm_body,
        grid=grid,
        in_specs=[blk, wblk, bblk],
        out_specs=blk,
        out_shape=jax.ShapeDtypeStruct((_E, _D), jnp.float32),
    )(edge_attr, wt, b)


def _bn(x, g, b):
    m = jnp.mean(x, axis=0, keepdims=True)
    xc = x - m
    v = jnp.mean(xc * xc, axis=0, keepdims=True)
    return xc * lax.rsqrt(v + 1e-5) * g + b


def _bn_in_body(x_ref, g_ref, b_ref, o_ref):
    o_ref[...] = _bn(x_ref[...], g_ref[...], b_ref[...])


def _bn_in(x, g, b):
    return pl.pallas_call(
        _bn_in_body,
        out_shape=jax.ShapeDtypeStruct((_N, _D), jnp.float32),
    )(x, g.reshape(1, _D), b.reshape(1, _D))


def _node0_body(h_ref, p0_ref, p1_ref, w_ref, b_ref, g_ref, bb_ref, o_ref):
    u = h_ref[...] + p0_ref[...] + p1_ref[...]
    t = jnp.tanh(jnp.dot(u, w_ref[...], preferred_element_type=jnp.float32) + b_ref[...])
    o_ref[...] = _bn(t, g_ref[...], bb_ref[...])


def _node0(h, p0, p1, wt, b, g, bb):
    return pl.pallas_call(
        _node0_body,
        out_shape=jax.ShapeDtypeStruct((_N, _D), jnp.float32),
    )(h, p0, p1, wt, b.reshape(1, _D), g.reshape(1, _D), bb.reshape(1, _D))


def _node1_body(h1_ref, p0_ref, p1_ref, w_ref, b_ref, g_ref, bb_ref, fc_ref, o_ref):
    h1 = h1_ref[...]
    u = h1 + p0_ref[...] + p1_ref[...]
    t = jnp.tanh(jnp.dot(u, w_ref[...], preferred_element_type=jnp.float32) + b_ref[...])
    h2 = _bn(t, g_ref[...], bb_ref[...])
    h3 = jnp.tanh(jnp.dot(h2, fc_ref[...], preferred_element_type=jnp.float32))
    o_ref[:, 0:_D] = h1
    o_ref[:, _D:2 * _D] = h2
    o_ref[:, 2 * _D:3 * _D] = h3


def _node1(h1, p0, p1, wt, b, g, bb, fct):
    return pl.pallas_call(
        _node1_body,
        out_shape=jax.ShapeDtypeStruct((_N, 3 * _D), jnp.float32),
    )(h1, p0, p1, wt, b.reshape(1, _D), g.reshape(1, _D), bb.reshape(1, _D), fct)


def kernel(x, edge_index, edge_attr, bn_in_g, bn_in_b,
           lin_e0_W, lin_e0_b, nn0_W, nn0_b, bn0_g, bn0_b,
           lin_e1_W, lin_e1_b, nn1_W, nn1_b, bn1_g, bn1_b,
           fc_W):
    ea0 = _edge_mm(edge_attr, lin_e0_W.T, lin_e0_b.reshape(1, _D))
    ea1 = _edge_mm(edge_attr, lin_e1_W.T, lin_e1_b.reshape(1, _D))
    h = _bn_in(x, bn_in_g, bn_in_b)
    src = edge_index[0]
    dst = edge_index[1]

    parts0 = _sc_aggregate(h, ea0, src, dst)
    h1 = _node0(h, parts0[0], parts0[1], nn0_W.T, nn0_b, bn0_g, bn0_b)

    parts1 = _sc_aggregate(h1, ea1, src, dst)
    return _node1(h1, parts1[0], parts1[1], nn1_W.T, nn1_b, bn1_g, bn1_b, fc_W.T)

# --- scband reference (transcript-rebuilt; emitter-appended) ---
"""Pipeline reference for scband-gine-13426067767699 (READ-ONLY COPY).

The authoritative reference and input builder live on the scoring server;
editing this copy changes nothing except your own understanding.
"""

import jax, jax.numpy as jnp
import numpy as np

N = 10000
E = 320000
D = 128   # in_channels == dim == edge_dim
OUT = 128

def setup_inputs(seed: int = 0) -> dict:
    key = jax.random.key(seed)
    ks = jax.random.split(key, 24)
    def w(k, shape):
        return (jax.random.normal(k, shape, jnp.float32) * 0.05)
    inp = {
        "x": jax.random.normal(ks[0], (N, D), jnp.float32),
        "edge_index": jax.random.randint(ks[1], (2, E), 0, N, jnp.int32),
        "edge_attr": jax.random.normal(ks[2], (E, D), jnp.float32),
        # bn_in
        "bn_in_g": jnp.ones((D,), jnp.float32),
        "bn_in_b": jnp.zeros((D,), jnp.float32),
        # conv layer 0: GINEConv(lin_edge: D->D, nn: Linear(D->D)+Tanh)
        "lin_e0_W": w(ks[3], (D, D)), "lin_e0_b": w(ks[4], (D,)),
        "nn0_W": w(ks[5], (D, D)), "nn0_b": w(ks[6], (D,)),
        "bn0_g": jnp.ones((D,), jnp.float32), "bn0_b": jnp.zeros((D,), jnp.float32),
        # conv layer 1
        "lin_e1_W": w(ks[7], (D, D)), "lin_e1_b": w(ks[8], (D,)),
        "nn1_W": w(ks[9], (D, D)), "nn1_b": w(ks[10], (D,)),
        "bn1_g": jnp.ones((D,), jnp.float32), "bn1_b": jnp.zeros((D,), jnp.float32),
        # fc (no bias)
        "fc_W": w(ks[11], (OUT, D)),
    }
    return inp

def _bn(h, g, b):
    # BatchNorm1d in training mode: batch statistics, biased variance
    m = jnp.mean(h, axis=0)
    v = jnp.mean((h - m) ** 2, axis=0)
    return (h - m) / jnp.sqrt(v + 1e-5) * g + b

def reference(x, edge_index, edge_attr,
              bn_in_g, bn_in_b,
              lin_e0_W, lin_e0_b, nn0_W, nn0_b, bn0_g, bn0_b,
              lin_e1_W, lin_e1_b, nn1_W, nn1_b, bn1_g, bn1_b,
              fc_W):
    src = edge_index[0]
    dst = edge_index[1]

    def conv(h, leW, leb, nW, nb):
        # GINEConv: msg = relu(x_j + lin_edge(edge_attr)); aggr=add; eps=0
        ea = edge_attr @ leW.T + leb
        msg = jax.nn.relu(h[src] + ea)
        agg = jax.ops.segment_sum(msg, dst, num_segments=h.shape[0])
        out = h + agg  # (1 + eps) * x + agg, eps = 0
        return jnp.tanh(out @ nW.T + nb)  # Sequential(Linear, Tanh)

    h = _bn(x, bn_in_g, bn_in_b)
    h1 = _bn(conv(h, lin_e0_W, lin_e0_b, nn0_W, nn0_b), bn0_g, bn0_b)
    h2 = _bn(conv(h1, lin_e1_W, lin_e1_b, nn1_W, nn1_b), bn1_g, bn1_b)
    h3 = jnp.tanh(h2 @ fc_W.T)
    return jnp.concatenate([h1, h2, h3], axis=-1)

if __name__ == "__main__":
    import jax
    _d = setup_inputs()
    print(jax.jit(kernel)(*tuple(_d.values())))

</pallas_src>

<mosaic_0001>
#map = affine_map<(d0, d1) -> (0, 0)>
#map1 = affine_map<(d0, d1) -> (0)>
#map2 = affine_map<(d0, d1) -> (0, 0, 0)>
module attributes {stable_mosaic.version = 14 : i64} {
  func.func @_sc_aggregate(%arg0: i32, %arg1: i32, %arg2: memref<10000x128xf32, #tpu.memory_space<hbm>>, %arg3: memref<320000x128xf32, #tpu.memory_space<hbm>>, %arg4: memref<320000xi32, #tpu.memory_space<hbm>>, %arg5: memref<320000xi32, #tpu.memory_space<hbm>>, %arg6: memref<2x10000x128xf32, #tpu.memory_space<hbm>>, %arg7: memref<80xi32, #tpu.memory_space<vmem>>, %arg8: memref<80xi32, #tpu.memory_space<vmem>>, %arg9: memref<80xi32, #tpu.memory_space<vmem>>, %arg10: memref<80xi32, #tpu.memory_space<vmem>>, %arg11: memref<80x128xf32, #tpu.memory_space<vmem>>, %arg12: memref<80x128xf32, #tpu.memory_space<vmem>>, %arg13: memref<80x128xf32, #tpu.memory_space<vmem>>, %arg14: memref<80x128xf32, #tpu.memory_space<vmem>>, %arg15: memref<!tpu.dma_semaphore, #tpu.memory_space<semaphore_mem>>, %arg16: memref<!tpu.dma_semaphore, #tpu.memory_space<semaphore_mem>>, %arg17: memref<!tpu.dma_semaphore, #tpu.memory_space<semaphore_mem>>, %arg18: memref<!tpu.dma_semaphore, #tpu.memory_space<semaphore_mem>>, %arg19: memref<!tpu.dma_semaphore, #tpu.memory_space<semaphore_mem>>, %arg20: memref<!tpu.dma_semaphore, #tpu.memory_space<semaphore_mem>>, %arg21: memref<!tpu.dma_semaphore, #tpu.memory_space<semaphore_mem>>, %arg22: memref<!tpu.dma_semaphore, #tpu.memory_space<semaphore_mem>>, %arg23: memref<10000x128xf32, #tpu.memory_space<vmem_shared>>) attributes {dimension_semantics = [#tpu.dimension_semantics<core_parallel>, #tpu.dimension_semantics<subcore_parallel>], iteration_bounds = array<i64: 2, 16>, scalar_prefetch = 0 : i64, scratch_operands = 17 : i64, tpu.core_type = #tpu.core_type<sc_vector_subcore>, window_params = [{transform_indices = #map}, {transform_indices = #map}, {transform_indices = #map1}, {transform_indices = #map1}, {transform_indices = #map2}]} {
    %broadcast_in_dim3A = arith.constant 0.000000e+00 : f32
    %broadcast_in_dim3A_0 = vector.broadcast %broadcast_in_dim3A : f32 to vector<16xf32>
    %scan3A = arith.constant 0 : i32
    %scan3A_1 = arith.constant 0 : i32
    %scan3A_2 = arith.constant 80 : i32
    %scan3A_3 = arith.addi %scan3A_1, %scan3A_2 : i32
    %scan3A_4 = arith.constant 1 : i32
    scf.for %scan3A_103 = %scan3A_1 to %scan3A_3 step %scan3A_4  : i32 {
      %swap3A = arith.index_cast %scan3A_103 : i32 to index
      %swap3A_104 = arith.constant 0 : index
      %swap3A_105 = tpu.vector_load %arg11[%swap3A, %swap3A_104] {strides = array<i32>} : memref<80x128xf32, #tpu.memory_space<vmem>>, vector<16xf32>,
      tpu.vector_store %arg11[%swap3A, %swap3A_104], %broadcast_in_dim3A_0 {strides = array<i32>} : memref<80x128xf32, #tpu.memory_space<vmem>>, vector<16xf32>,
      %swap3A_106 = arith.index_cast %scan3A_103 : i32 to index
      %swap3A_107 = arith.constant 16 : index
      %swap3A_108 = tpu.vector_load %arg11[%swap3A_106, %swap3A_107] {strides = array<i32>} : memref<80x128xf32, #tpu.memory_space<vmem>>, vector<16xf32>,
      tpu.vector_store %arg11[%swap3A_106, %swap3A_107], %broadcast_in_dim3A_0 {strides = array<i32>} : memref<80x128xf32, #tpu.memory_space<vmem>>, vector<16xf32>,
      %swap3A_109 = arith.index_cast %scan3A_103 : i32 to index
      %swap3A_110 = arith.constant 32 : index
      %swap3A_111 = tpu.vector_load %arg11[%swap3A_109, %swap3A_110] {strides = array<i32>} : memref<80x128xf32, #tpu.memory_space<vmem>>, vector<16xf32>,
      tpu.vector_store %arg11[%swap3A_109, %swap3A_110], %broadcast_in_dim3A_0 {strides = array<i32>} : memref<80x128xf32, #tpu.memory_space<vmem>>, vector<16xf32>,
      %swap3A_112 = arith.index_cast %scan3A_103 : i32 to index
      %swap3A_113 = arith.constant 48 : index
      %swap3A_114 = tpu.vector_load %arg11[%swap3A_112, %swap3A_113] {strides = array<i32>} : memref<80x128xf32, #tpu.memory_space<vmem>>, vector<16xf32>,
      tpu.vector_store %arg11[%swap3A_112, %swap3A_113], %broadcast_in_dim3A_0 {strides = array<i32>} : memref<80x128xf32, #tpu.memory_space<vmem>>, vector<16xf32>,
      %swap3A_115 = arith.index_cast %scan3A_103 : i32 to index
      %swap3A_116 = arith.constant 64 : index
      %swap3A_117 = tpu.vector_load %arg11[%swap3A_115, %swap3A_116] {strides = array<i32>} : memref<80x128xf32, #tpu.memory_space<vmem>>, vector<16xf32>,
      tpu.vector_store %arg11[%swap3A_115, %swap3A_116], %broadcast_in_dim3A_0 {strides = array<i32>} : memref<80x128xf32, #tpu.memory_space<vmem>>, vector<16xf32>,
      %swap3A_118 = arith.index_cast %scan3A_103 : i32 to index
      %swap3A_119 = arith.constant 80 : index
      %swap3A_120 = tpu.vector_load %arg11[%swap3A_118, %swap3A_119] {strides = array<i32>} : memref<80x128xf32, #tpu.memory_space<vmem>>, vector<16xf32>,
      tpu.vector_store %arg11[%swap3A_118, %swap3A_119], %broadcast_in_dim3A_0 {strides = array<i32>} : memref<80x128xf32, #tpu.memory_space<vmem>>, vector<16xf32>,
      %swap3A_121 = arith.index_cast %scan3A_103 : i32 to index
      %swap3A_122 = arith.constant 96 : index
      %swap3A_123 = tpu.vector_load %arg11[%swap3A_121, %swap3A_122] {strides = array<i32>} : memref<80x128xf32, #tpu.memory_space<vmem>>, vector<16xf32>,
      tpu.vector_store %arg11[%swap3A_121, %swap3A_122], %broadcast_in_dim3A_0 {strides = array<i32>} : memref<80x128xf32, #tpu.memory_space<vmem>>, vector<16xf32>,
      %swap3A_124 = arith.index_cast %scan3A_103 : i32 to index
      %swap3A_125 = arith.constant 112 : index
      %swap3A_126 = tpu.vector_load %arg11[%swap3A_124, %swap3A_125] {strides = array<i32>} : memref<80x128xf32, #tpu.memory_space<vmem>>, vector<16xf32>,
      tpu.vector_store %arg11[%swap3A_124, %swap3A_125], %broadcast_in_dim3A_0 {strides = array<i32>} : memref<80x128xf32, #tpu.memory_space<vmem>>, vector<16xf32>,
    }
    %scan3A_5 = arith.constant 80 : i32
    %mul3A = arith.constant 624 : i32
    %mul3A_6 = arith.muli %arg1, %mul3A : i32
    %add3A = arith.constant 0 : i32
    %add3A_7 = arith.addi %mul3A_6, %add3A : i32
    "tpu.region"() ({
      %run_scoped3A = tpu.sem_alloc : memref<!tpu.dma_semaphore, #tpu.memory_space<semaphore_mem>>
      %dma_start3A_103 = arith.constant 0 : i32
      %dma_start3A_104 = tpu.memref_slice %arg23[%add3A_7, %dma_start3A_103] : memref<10000x128xf32, #tpu.memory_space<vmem_shared>> -> memref<80x128xf32, #tpu.memory_space<vmem_shared>>
      %dma_start3A_105 = arith.constant 0 : i32
      %dma_start3A_106 = tpu.memref_slice %arg23[%add3A_7, %dma_start3A_105] : memref<10000x128xf32, #tpu.memory_space<vmem_shared>> -> memref<80x128xf32, #tpu.memory_space<vmem_shared>>
      tpu.enqueue_dma source(%arg11 : memref<80x128xf32, #tpu.memory_space<vmem>>) target(%dma_start3A_106 : memref<80x128xf32, #tpu.memory_space<vmem_shared>>) target_semaphore(%run_scoped3A : memref<!tpu.dma_semaphore, #tpu.memory_space<semaphore_mem>>)
      %dma_wait3A_107 = arith.constant 0 : i32
      %dma_wait3A_108 = tpu.memref_slice %arg23[%add3A_7, %dma_wait3A_107] : memref<10000x128xf32, #tpu.memory_space<vmem_shared>> -> memref<80x128xf32, #tpu.memory_space<vmem_shared>>
      %dma_wait3A_109 = arith.constant 0 : i32
      %dma_wait3A_110 = tpu.memref_slice %arg23[%add3A_7, %dma_wait3A_109] : memref<10000x128xf32, #tpu.memory_space<vmem_shared>> -> memref<80x128xf32, #tpu.memory_space<vmem_shared>>
      tpu.wait_dma2 semaphore(%run_scoped3A : memref<!tpu.dma_semaphore, #tpu.memory_space<semaphore_mem>>) src(%arg11 : memref<80x128xf32, #tpu.memory_space<vmem>>) dst(%dma_wait3A_110 : memref<80x128xf32, #tpu.memory_space<vmem_shared>>)
      tpu.yield
    }) : () -> ()
    %add3A_8 = arith.constant 80 : i32
    %add3A_9 = arith.addi %mul3A_6, %add3A_8 : i32
    "tpu.region"() ({
      %run_scoped3A = tpu.sem_alloc : memref<!tpu.dma_semaphore, #tpu.memory_space<semaphore_mem>>
      %dma_start3A_103 = arith.constant 0 : i32
      %dma_start3A_104 = tpu.memref_slice %arg23[%add3A_9, %dma_start3A_103] : memref<10000x128xf32, #tpu.memory_space<vmem_shared>> -> memref<80x128xf32, #tpu.memory_space<vmem_shared>>
      %dma_start3A_105 = arith.constant 0 : i32
      %dma_start3A_106 = tpu.memref_slice %arg23[%add3A_9, %dma_start3A_105] : memref<10000x128xf32, #tpu.memory_space<vmem_shared>> -> memref<80x128xf32, #tpu.memory_space<vmem_shared>>
      tpu.enqueue_dma source(%arg11 : memref<80x128xf32, #tpu.memory_space<vmem>>) target(%dma_start3A_106 : memref<80x128xf32, #tpu.memory_space<vmem_shared>>) target_semaphore(%run_scoped3A : memref<!tpu.dma_semaphore, #tpu.memory_space<semaphore_mem>>)
      %dma_wait3A_107 = arith.constant 0 : i32
      %dma_wait3A_108 = tpu.memref_slice %arg23[%add3A_9, %dma_wait3A_107] : memref<10000x128xf32, #tpu.memory_space<vmem_shared>> -> memref<80x128xf32, #tpu.memory_space<vmem_shared>>
      %dma_wait3A_109 = arith.constant 0 : i32
      %dma_wait3A_110 = tpu.memref_slice %arg23[%add3A_9, %dma_wait3A_109] : memref<10000x128xf32, #tpu.memory_space<vmem_shared>> -> memref<80x128xf32, #tpu.memory_space<vmem_shared>>
      tpu.wait_dma2 semaphore(%run_scoped3A : memref<!tpu.dma_semaphore, #tpu.memory_space<semaphore_mem>>) src(%arg11 : memref<80x128xf32, #tpu.memory_space<vmem>>) dst(%dma_wait3A_110 : memref<80x128xf32, #tpu.memory_space<vmem_shared>>)
      tpu.yield
    }) : () -> ()
    %add3A_10 = arith.constant 160 : i32
    %add3A_11 = arith.addi %mul3A_6, %add3A_10 : i32
    "tpu.region"() ({
      %run_scoped3A = tpu.sem_alloc : memref<!tpu.dma_semaphore, #tpu.memory_space<semaphore_mem>>
      %dma_start3A_103 = arith.constant 0 : i32
      %dma_start3A_104 = tpu.memref_slice %arg23[%add3A_11, %dma_start3A_103] : memref<10000x128xf32, #tpu.memory_space<vmem_shared>> -> memref<80x128xf32, #tpu.memory_space<vmem_shared>>
      %dma_start3A_105 = arith.constant 0 : i32
      %dma_start3A_106 = tpu.memref_slice %arg23[%add3A_11, %dma_start3A_105] : memref<10000x128xf32, #tpu.memory_space<vmem_shared>> -> memref<80x128xf32, #tpu.memory_space<vmem_shared>>
      tpu.enqueue_dma source(%arg11 : memref<80x128xf32, #tpu.memory_space<vmem>>) target(%dma_start3A_106 : memref<80x128xf32, #tpu.memory_space<vmem_shared>>) target_semaphore(%run_scoped3A : memref<!tpu.dma_semaphore, #tpu.memory_space<semaphore_mem>>)
      %dma_wait3A_107 = arith.constant 0 : i32
      %dma_wait3A_108 = tpu.memref_slice %arg23[%add3A_11, %dma_wait3A_107] : memref<10000x128xf32, #tpu.memory_space<vmem_shared>> -> memref<80x128xf32, #tpu.memory_space<vmem_shared>>
      %dma_wait3A_109 = arith.constant 0 : i32
      %dma_wait3A_110 = tpu.memref_slice %arg23[%add3A_11, %dma_wait3A_109] : memref<10000x128xf32, #tpu.memory_space<vmem_shared>> -> memref<80x128xf32, #tpu.memory_space<vmem_shared>>
      tpu.wait_dma2 semaphore(%run_scoped3A : memref<!tpu.dma_semaphore, #tpu.memory_space<semaphore_mem>>) src(%arg11 : memref<80x128xf32, #tpu.memory_space<vmem>>) dst(%dma_wait3A_110 : memref<80x128xf32, #tpu.memory_space<vmem_shared>>)
      tpu.yield
    }) : () -> ()
    %add3A_12 = arith.constant 240 : i32
    %add3A_13 = arith.addi %mul3A_6, %add3A_12 : i32
    "tpu.region"() ({
      %run_scoped3A = tpu.sem_alloc : memref<!tpu.dma_semaphore, #tpu.memory_space<semaphore_mem>>
      %dma_start3A_103 = arith.constant 0 : i32
      %dma_start3A_104 = tpu.memref_slice %arg23[%add3A_13, %dma_start3A_103] : memref<10000x128xf32, #tpu.memory_space<vmem_shared>> -> memref<80x128xf32, #tpu.memory_space<vmem_shared>>
      %dma_start3A_105 = arith.constant 0 : i32
      %dma_start3A_106 = tpu.memref_slice %arg23[%add3A_13, %dma_start3A_105] : memref<10000x128xf32, #tpu.memory_space<vmem_shared>> -> memref<80x128xf32, #tpu.memory_space<vmem_shared>>
      tpu.enqueue_dma source(%arg11 : memref<80x128xf32, #tpu.memory_space<vmem>>) target(%dma_start3A_106 : memref<80x128xf32, #tpu.memory_space<vmem_shared>>) target_semaphore(%run_scoped3A : memref<!tpu.dma_semaphore, #tpu.memory_space<semaphore_mem>>)
      %dma_wait3A_107 = arith.constant 0 : i32
      %dma_wait3A_108 = tpu.memref_slice %arg23[%add3A_13, %dma_wait3A_107] : memref<10000x128xf32, #tpu.memory_space<vmem_shared>> -> memref<80x128xf32, #tpu.memory_space<vmem_shared>>
      %dma_wait3A_109 = arith.constant 0 : i32
      %dma_wait3A_110 = tpu.memref_slice %arg23[%add3A_13, %dma_wait3A_109] : memref<10000x128xf32, #tpu.memory_space<vmem_shared>> -> memref<80x128xf32, #tpu.memory_space<vmem_shared>>
      tpu.wait_dma2 semaphore(%run_scoped3A : memref<!tpu.dma_semaphore, #tpu.memory_space<semaphore_mem>>) src(%arg11 : memref<80x128xf32, #tpu.memory_space<vmem>>) dst(%dma_wait3A_110 : memref<80x128xf32, #tpu.memory_space<vmem_shared>>)
      tpu.yield
    }) : () -> ()
    %add3A_14 = arith.constant 320 : i32
    %add3A_15 = arith.addi %mul3A_6, %add3A_14 : i32
    "tpu.region"() ({
      %run_scoped3A = tpu.sem_alloc : memref<!tpu.dma_semaphore, #tpu.memory_space<semaphore_mem>>
      %dma_start3A_103 = arith.constant 0 : i32
      %dma_start3A_104 = tpu.memref_slice %arg23[%add3A_15, %dma_start3A_103] : memref<10000x128xf32, #tpu.memory_space<vmem_shared>> -> memref<80x128xf32, #tpu.memory_space<vmem_shared>>
      %dma_start3A_105 = arith.constant 0 : i32
      %dma_start3A_106 = tpu.memref_slice %arg23[%add3A_15, %dma_start3A_105] : memref<10000x128xf32, #tpu.memory_space<vmem_shared>> -> memref<80x128xf32, #tpu.memory_space<vmem_shared>>
      tpu.enqueue_dma source(%arg11 : memref<80x128xf32, #tpu.memory_space<vmem>>) target(%dma_start3A_106 : memref<80x128xf32, #tpu.memory_space<vmem_shared>>) target_semaphore(%run_scoped3A : memref<!tpu.dma_semaphore, #tpu.memory_space<semaphore_mem>>)
      %dma_wait3A_107 = arith.constant 0 : i32
      %dma_wait3A_108 = tpu.memref_slice %arg23[%add3A_15, %dma_wait3A_107] : memref<10000x128xf32, #tpu.memory_space<vmem_shared>> -> memref<80x128xf32, #tpu.memory_space<vmem_shared>>
      %dma_wait3A_109 = arith.constant 0 : i32
      %dma_wait3A_110 = tpu.memref_slice %arg23[%add3A_15, %dma_wait3A_109] : memref<10000x128xf32, #tpu.memory_space<vmem_shared>> -> memref<80x128xf32, #tpu.memory_space<vmem_shared>>
      tpu.wait_dma2 semaphore(%run_scoped3A : memref<!tpu.dma_semaphore, #tpu.memory_space<semaphore_mem>>) src(%arg11 : memref<80x128xf32, #tpu.memory_space<vmem>>) dst(%dma_wait3A_110 : memref<80x128xf32, #tpu.memory_space<vmem_shared>>)
      tpu.yield
    }) : () -> ()
    %add3A_16 = arith.constant 400 : i32
    %add3A_17 = arith.addi %mul3A_6, %add3A_16 : i32
    "tpu.region"() ({
      %run_scoped3A = tpu.sem_alloc : memref<!tpu.dma_semaphore, #tpu.memory_space<semaphore_mem>>
      %dma_start3A_103 = arith.constant 0 : i32
      %dma_start3A_104 = tpu.memref_slice %arg23[%add3A_17, %dma_start3A_103] : memref<10000x128xf32, #tpu.memory_space<vmem_shared>> -> memref<80x128xf32, #tpu.memory_space<vmem_shared>>
      %dma_start3A_105 = arith.constant 0 : i32
      %dma_start3A_106 = tpu.memref_slice %arg23[%add3A_17, %dma_start3A_105] : memref<10000x128xf32, #tpu.memory_space<vmem_shared>> -> memref<80x128xf32, #tpu.memory_space<vmem_shared>>
      tpu.enqueue_dma source(%arg11 : memref<80x128xf32, #tpu.memory_space<vmem>>) target(%dma_start3A_106 : memref<80x128xf32, #tpu.memory_space<vmem_shared>>) target_semaphore(%run_scoped3A : memref<!tpu.dma_semaphore, #tpu.memory_space<semaphore_mem>>)
      %dma_wait3A_107 = arith.constant 0 : i32
      %dma_wait3A_108 = tpu.memref_slice %arg23[%add3A_17, %dma_wait3A_107] : memref<10000x128xf32, #tpu.memory_space<vmem_shared>> -> memref<80x128xf32, #tpu.memory_space<vmem_shared>>
      %dma_wait3A_109 = arith.constant 0 : i32
      %dma_wait3A_110 = tpu.memref_slice %arg23[%add3A_17, %dma_wait3A_109] : memref<10000x128xf32, #tpu.memory_space<vmem_shared>> -> memref<80x128xf32, #tpu.memory_space<vmem_shared>>
      tpu.wait_dma2 semaphore(%run_scoped3A : memref<!tpu.dma_semaphore, #tpu.memory_space<semaphore_mem>>) src(%arg11 : memref<80x128xf32, #tpu.memory_space<vmem>>) dst(%dma_wait3A_110 : memref<80x128xf32, #tpu.memory_space<vmem_shared>>)
      tpu.yield
    }) : () -> ()
    %add3A_18 = arith.constant 480 : i32
    %add3A_19 = arith.addi %mul3A_6, %add3A_18 : i32
    "tpu.region"() ({
      %run_scoped3A = tpu.sem_alloc : memref<!tpu.dma_semaphore, #tpu.memory_space<semaphore_mem>>
      %dma_start3A_103 = arith.constant 0 : i32
      %dma_start3A_104 = tpu.memref_slice %arg23[%add3A_19, %dma_start3A_103] : memref<10000x128xf32, #tpu.memory_space<vmem_shared>> -> memref<80x128xf32, #tpu.memory_space<vmem_shared>>
      %dma_start3A_105 = arith.constant 0 : i32
      %dma_start3A_106 = tpu.memref_slice %arg23[%add3A_19, %dma_start3A_105] : memref<10000x128xf32, #tpu.memory_space<vmem_shared>> -> memref<80x128xf32, #tpu.memory_space<vmem_shared>>
      tpu.enqueue_dma source(%arg11 : memref<80x128xf32, #tpu.memory_space<vmem>>) target(%dma_start3A_106 : memref<80x128xf32, #tpu.memory_space<vmem_shared>>) target_semaphore(%run_scoped3A : memref<!tpu.dma_semaphore, #tpu.memory_space<semaphore_mem>>)
      %dma_wait3A_107 = arith.constant 0 : i32
      %dma_wait3A_108 = tpu.memref_slice %arg23[%add3A_19, %dma_wait3A_107] : memref<10000x128xf32, #tpu.memory_space<vmem_shared>> -> memref<80x128xf32, #tpu.memory_space<vmem_shared>>
      %dma_wait3A_109 = arith.constant 0 : i32
      %dma_wait3A_110 = tpu.memref_slice %arg23[%add3A_19, %dma_wait3A_109] : memref<10000x128xf32, #tpu.memory_space<vmem_shared>> -> memref<80x128xf32, #tpu.memory_space<vmem_shared>>
      tpu.wait_dma2 semaphore(%run_scoped3A : memref<!tpu.dma_semaphore, #tpu.memory_space<semaphore_mem>>) src(%arg11 : memref<80x128xf32, #tpu.memory_space<vmem>>) dst(%dma_wait3A_110 : memref<80x128xf32, #tpu.memory_space<vmem_shared>>)
      tpu.yield
    }) : () -> ()
    %add3A_20 = arith.constant 624 : i32
    %add3A_21 = arith.addi %mul3A_6, %add3A_20 : i32
    %sub3A = arith.constant 64 : i32
    %sub3A_22 = arith.subi %add3A_21, %sub3A : i32
    "tpu.region"() ({
      %run_scoped3A = tpu.sem_alloc : memref<!tpu.dma_semaphore, #tpu.memory_space<semaphore_mem>>
      %dma_start3A_103 = arith.constant 0 : i32
      %dma_start3A_104 = arith.constant 0 : i32
      %dma_start3A_105 = tpu.memref_slice %arg11[%dma_start3A_103, %dma_start3A_104] : memref<80x128xf32, #tpu.memory_space<vmem>> -> memref<64x128xf32, #tpu.memory_space<vmem>>
      %dma_start3A_106 = arith.constant 0 : i32
      %dma_start3A_107 = tpu.memref_slice %arg23[%sub3A_22, %dma_start3A_106] : memref<10000x128xf32, #tpu.memory_space<vmem_shared>> -> memref<64x128xf32, #tpu.memory_space<vmem_shared>>
      %dma_start3A_108 = arith.constant 0 : i32
      %dma_start3A_109 = tpu.memref_slice %arg23[%sub3A_22, %dma_start3A_108] : memref<10000x128xf32, #tpu.memory_space<vmem_shared>> -> memref<64x128xf32, #tpu.memory_space<vmem_shared>>
      %dma_start3A_110 = arith.constant 0 : i32
      %dma_start3A_111 = arith.constant 0 : i32
      %dma_start3A_112 = tpu.memref_slice %arg11[%dma_start3A_110, %dma_start3A_111] : memref<80x128xf32, #tpu.memory_space<vmem>> -> memref<64x128xf32, #tpu.memory_space<vmem>>
      tpu.enqueue_dma source(%dma_start3A_112 : memref<64x128xf32, #tpu.memory_space<vmem>>) target(%dma_start3A_109 : memref<64x128xf32, #tpu.memory_space<vmem_shared>>) target_semaphore(%run_scoped3A : memref<!tpu.dma_semaphore, #tpu.memory_space<semaphore_mem>>)
      %dma_wait3A_113 = arith.constant 0 : i32
      %dma_wait3A_114 = arith.constant 0 : i32
      %dma_wait3A_115 = tpu.memref_slice %arg11[%dma_wait3A_113, %dma_wait3A_114] : memref<80x128xf32, #tpu.memory_space<vmem>> -> memref<64x128xf32, #tpu.memory_space<vmem>>
      %dma_wait3A_116 = arith.constant 0 : i32
      %dma_wait3A_117 = tpu.memref_slice %arg23[%sub3A_22, %dma_wait3A_116] : memref<10000x128xf32, #tpu.memory_space<vmem_shared>> -> memref<64x128xf32, #tpu.memory_space<vmem_shared>>
      %dma_wait3A_118 = arith.constant 0 : i32
      %dma_wait3A_119 = tpu.memref_slice %arg23[%sub3A_22, %dma_wait3A_118] : memref<10000x128xf32, #tpu.memory_space<vmem_shared>> -> memref<64x128xf32, #tpu.memory_space<vmem_shared>>
      %dma_wait3A_120 = arith.constant 0 : i32
      %dma_wait3A_121 = arith.constant 0 : i32
      %dma_wait3A_122 = tpu.memref_slice %arg11[%dma_wait3A_120, %dma_wait3A_121] : memref<80x128xf32, #tpu.memory_space<vmem>> -> memref<64x128xf32, #tpu.memory_space<vmem>>
      tpu.wait_dma2 semaphore(%run_scoped3A : memref<!tpu.dma_semaphore, #tpu.memory_space<semaphore_mem>>) src(%dma_wait3A_122 : memref<64x128xf32, #tpu.memory_space<vmem>>) dst(%dma_wait3A_119 : memref<64x128xf32, #tpu.memory_space<vmem_shared>>)
      tpu.yield
    }) : () -> ()
    %eq3A = arith.constant 15 : i32
    %eq3A_23 = arith.cmpi eq, %arg1, %eq3A : i32
    %convert_element_type3A = arith.extui %eq3A_23 : i1 to i32
    %cond3A = arith.constant 0 : i32
    %cond3A_24 = arith.cmpi ne, %convert_element_type3A, %cond3A : i32
    scf.if %cond3A_24 {
      "tpu.region"() ({
        %run_scoped3A = tpu.sem_alloc : memref<!tpu.dma_semaphore, #tpu.memory_space<semaphore_mem>>
        %dma_start3A_103 = arith.constant 0 : i32
        %dma_start3A_104 = arith.constant 0 : i32
        %dma_start3A_105 = tpu.memref_slice %arg11[%dma_start3A_103, %dma_start3A_104] : memref<80x128xf32, #tpu.memory_space<vmem>> -> memref<16x128xf32, #tpu.memory_space<vmem>>
        %dma_start3A_106 = arith.constant 9984 : i32
        %dma_start3A_107 = arith.constant 0 : i32
        %dma_start3A_108 = tpu.memref_slice %arg23[%dma_start3A_106, %dma_start3A_107] : memref<10000x128xf32, #tpu.memory_space<vmem_shared>> -> memref<16x128xf32, #tpu.memory_space<vmem_shared>>
        %dma_start3A_109 = arith.constant 9984 : i32
        %dma_start3A_110 = arith.constant 0 : i32
        %dma_start3A_111 = tpu.memref_slice %arg23[%dma_start3A_109, %dma_start3A_110] : memref<10000x128xf32, #tpu.memory_space<vmem_shared>> -> memref<16x128xf32, #tpu.memory_space<vmem_shared>>
        %dma_start3A_112 = arith.constant 0 : i32
        %dma_start3A_113 = arith.constant 0 : i32
        %dma_start3A_114 = tpu.memref_slice %arg11[%dma_start3A_112, %dma_start3A_113] : memref<80x128xf32, #tpu.memory_space<vmem>> -> memref<16x128xf32, #tpu.memory_space<vmem>>
        tpu.enqueue_dma source(%dma_start3A_114 : memref<16x128xf32, #tpu.memory_space<vmem>>) target(%dma_start3A_111 : memref<16x128xf32, #tpu.memory_space<vmem_shared>>) target_semaphore(%run_scoped3A : memref<!tpu.dma_semaphore, #tpu.memory_space<semaphore_mem>>)
        %dma_wait3A_115 = arith.constant 0 : i32
        %dma_wait3A_116 = arith.constant 0 : i32
        %dma_wait3A_117 = tpu.memref_slice %arg11[%dma_wait3A_115, %dma_wait3A_116] : memref<80x128xf32, #tpu.memory_space<vmem>> -> memref<16x128xf32, #tpu.memory_space<vmem>>
        %dma_wait3A_118 = arith.constant 9984 : i32
        %dma_wait3A_119 = arith.constant 0 : i32
        %dma_wait3A_120 = tpu.memref_slice %arg23[%dma_wait3A_118, %dma_wait3A_119] : memref<10000x128xf32, #tpu.memory_space<vmem_shared>> -> memref<16x128xf32, #tpu.memory_space<vmem_shared>>
        %dma_wait3A_121 = arith.constant 9984 : i32
        %dma_wait3A_122 = arith.constant 0 : i32
        %dma_wait3A_123 = tpu.memref_slice %arg23[%dma_wait3A_121, %dma_wait3A_122] : memref<10000x128xf32, #tpu.memory_space<vmem_shared>> -> memref<16x128xf32, #tpu.memory_space<vmem_shared>>
        %dma_wait3A_124 = arith.constant 0 : i32
        %dma_wait3A_125 = arith.constant 0 : i32
        %dma_wait3A_126 = tpu.memref_slice %arg11[%dma_wait3A_124, %dma_wait3A_125] : memref<80x128xf32, #tpu.memory_space<vmem>> -> memref<16x128xf32, #tpu.memory_space<vmem>>
        tpu.wait_dma2 semaphore(%run_scoped3A : memref<!tpu.dma_semaphore, #tpu.memory_space<semaphore_mem>>) src(%dma_wait3A_126 : memref<16x128xf32, #tpu.memory_space<vmem>>) dst(%dma_wait3A_123 : memref<16x128xf32, #tpu.memory_space<vmem_shared>>)
        tpu.yield
      }) : () -> ()
    } else {
    }
    %barrier3A = arith.constant 0 : index
    tpu.barrier barrier_id(%barrier3A)
    %mul3A_25 = arith.constant 2000 : i32
    %mul3A_26 = arith.muli %arg0, %mul3A_25 : i32
    %add3A_27 = arith.constant 0 : i32
    %add3A_28 = arith.addi %mul3A_26, %add3A_27 : i32
    %add3A_29 = arith.addi %add3A_28, %arg1 : i32
    %mul3A_30 = arith.constant 80 : i32
    %mul3A_31 = arith.muli %add3A_29, %mul3A_30 : i32
    %dma_start3A = tpu.memref_slice %arg4[%mul3A_31] : memref<320000xi32, #tpu.memory_space<hbm>> -> memref<80xi32, #tpu.memory_space<hbm>>
    %dma_start3A_32 = tpu.memref_slice %arg4[%mul3A_31] : memref<320000xi32, #tpu.memory_space<hbm>> -> memref<80xi32, #tpu.memory_space<hbm>>
    tpu.enqueue_dma source(%dma_start3A_32 : memref<80xi32, #tpu.memory_space<hbm>>) target(%arg7 : memref<80xi32, #tpu.memory_space<vmem>>) target_semaphore(%arg15 : memref<!tpu.dma_semaphore, #tpu.memory_space<semaphore_mem>>)
    %dma_start3A_33 = tpu.memref_slice %arg5[%mul3A_31] : memref<320000xi32, #tpu.memory_space<hbm>> -> memref<80xi32, #tpu.memory_space<hbm>>
    %dma_start3A_34 = tpu.memref_slice %arg5[%mul3A_31] : memref<320000xi32, #tpu.memory_space<hbm>> -> memref<80xi32, #tpu.memory_space<hbm>>
    tpu.enqueue_dma source(%dma_start3A_34 : memref<80xi32, #tpu.memory_space<hbm>>) target(%arg9 : memref<80xi32, #tpu.memory_space<vmem>>) target_semaphore(%arg15 : memref<!tpu.dma_semaphore, #tpu.memory_space<semaphore_mem>>)
    %dma_wait3A = arith.constant 0 : i32
    %dma_wait3A_35 = tpu.memref_slice %arg4[%dma_wait3A] : memref<320000xi32, #tpu.memory_space<hbm>> -> memref<80xi32, #tpu.memory_space<hbm>>
    %dma_wait3A_36 = arith.constant 0 : i32
    %dma_wait3A_37 = tpu.memref_slice %arg4[%dma_wait3A_36] : memref<320000xi32, #tpu.memory_space<hbm>> -> memref<80xi32, #tpu.memory_space<hbm>>
    tpu.wait_dma2 semaphore(%arg15 : memref<!tpu.dma_semaphore, #tpu.memory_space<semaphore_mem>>) src(%dma_wait3A_37 : memref<80xi32, #tpu.memory_space<hbm>>) dst(%arg7 : memref<80xi32, #tpu.memory_space<vmem>>)
    %dma_wait3A_38 = arith.constant 0 : i32
    %dma_wait3A_39 = tpu.memref_slice %arg5[%dma_wait3A_38] : memref<320000xi32, #tpu.memory_space<hbm>> -> memref<80xi32, #tpu.memory_space<hbm>>
    %dma_wait3A_40 = arith.constant 0 : i32
    %dma_wait3A_41 = tpu.memref_slice %arg5[%dma_wait3A_40] : memref<320000xi32, #tpu.memory_space<hbm>> -> memref<80xi32, #tpu.memory_space<hbm>>
    tpu.wait_dma2 semaphore(%arg15 : memref<!tpu.dma_semaphore, #tpu.memory_space<semaphore_mem>>) src(%dma_wait3A_41 : memref<80xi32, #tpu.memory_space<hbm>>) dst(%arg9 : memref<80xi32, #tpu.memory_space<vmem>>)
    %dma_start3A_42 = arith.constant 0 : i32
    %dma_start3A_43 = arith.constant 0 : i32
    %dma_start3A_44 = tpu.memref_slice %arg2[%dma_start3A_42, %dma_start3A_43] : memref<10000x128xf32, #tpu.memory_space<hbm>> -> memref<10000x128xf32, #tpu.memory_space<hbm>>
    tpu.enqueue_indirect_dma source(%dma_start3A_44 : memref<10000x128xf32, #tpu.memory_space<hbm>>) target(%arg11 : memref<80x128xf32, #tpu.memory_space<vmem>>) offsets(%arg7 : memref<80xi32, #tpu.memory_space<vmem>>) semaphore(%arg17 : memref<!tpu.dma_semaphore, #tpu.memory_space<semaphore_mem>>)
    %mul3A_45 = arith.constant 2000 : i32
    %mul3A_46 = arith.muli %arg0, %mul3A_45 : i32
    %add3A_47 = arith.constant 0 : i32
    %add3A_48 = arith.addi %mul3A_46, %add3A_47 : i32
    %add3A_49 = arith.addi %add3A_48, %arg1 : i32
    %mul3A_50 = arith.constant 80 : i32
    %mul3A_51 = arith.muli %add3A_49, %mul3A_50 : i32
    %dma_start3A_52 = arith.constant 0 : i32
    %dma_start3A_53 = tpu.memref_slice %arg3[%mul3A_51, %dma_start3A_52] : memref<320000x128xf32, #tpu.memory_space<hbm>> -> memref<80x128xf32, #tpu.memory_space<hbm>>
    %dma_start3A_54 = arith.constant 0 : i32
    %dma_start3A_55 = tpu.memref_slice %arg3[%mul3A_51, %dma_start3A_54] : memref<320000x128xf32, #tpu.memory_space<hbm>> -> memref<80x128xf32, #tpu.memory_space<hbm>>
    tpu.enqueue_dma source(%dma_start3A_55 : memref<80x128xf32, #tpu.memory_space<hbm>>) target(%arg13 : memref<80x128xf32, #tpu.memory_space<vmem>>) target_semaphore(%arg19 : memref<!tpu.dma_semaphore, #tpu.memory_space<semaphore_mem>>)
    %mul3A_56 = arith.constant 2000 : i32
    %mul3A_57 = arith.muli %arg0, %mul3A_56 : i32
    %add3A_58 = arith.constant 16 : i32
    %add3A_59 = arith.addi %mul3A_57, %add3A_58 : i32
    %add3A_60 = arith.addi %add3A_59, %arg1 : i32
    %mul3A_61 = arith.constant 80 : i32
    %mul3A_62 = arith.muli %add3A_60, %mul3A_61 : i32
    %dma_start3A_63 = tpu.memref_slice %arg4[%mul3A_62] : memref<320000xi32, #tpu.memory_space<hbm>> -> memref<80xi32, #tpu.memory_space<hbm>>
    %dma_start3A_64 = tpu.memref_slice %arg4[%mul3A_62] : memref<320000xi32, #tpu.memory_space<hbm>> -> memref<80xi32, #tpu.memory_space<hbm>>
    tpu.enqueue_dma source(%dma_start3A_64 : memref<80xi32, #tpu.memory_space<hbm>>) target(%arg8 : memref<80xi32, #tpu.memory_space<vmem>>) target_semaphore(%arg16 : memref<!tpu.dma_semaphore, #tpu.memory_space<semaphore_mem>>)
    %dma_start3A_65 = tpu.memref_slice %arg5[%mul3A_62] : memref<320000xi32, #tpu.memory_space<hbm>> -> memref<80xi32, #tpu.memory_space<hbm>>
    %dma_start3A_66 = tpu.memref_slice %arg5[%mul3A_62] : memref<320000xi32, #tpu.memory_space<hbm>> -> memref<80xi32, #tpu.memory_space<hbm>>
    tpu.enqueue_dma source(%dma_start3A_66 : memref<80xi32, #tpu.memory_space<hbm>>) target(%arg10 : memref<80xi32, #tpu.memory_space<vmem>>) target_semaphore(%arg16 : memref<!tpu.dma_semaphore, #tpu.memory_space<semaphore_mem>>)
    %scan3A_67 = arith.constant 0 : i32
    %scan3A_68 = arith.constant 0 : i32
    %scan3A_69 = arith.constant 62 : i32
    %scan3A_70 = arith.addi %scan3A_68, %scan3A_69 : i32
    %scan3A_71 = arith.constant 1 : i32
    scf.for %scan3A_103 = %scan3A_68 to %scan3A_70 step %scan3A_71  : i32 {
      %mul3A_104 = arith.constant 2 : i32
      %mul3A_105 = arith.muli %mul3A_104, %scan3A_103 : i32
      %add3A_106 = arith.constant 0 : i32
      %add3A_107 = arith.addi %mul3A_105, %add3A_106 : i32
      %dma_wait3A_108 = arith.constant 0 : i32
      %dma_wait3A_109 = tpu.memref_slice %arg4[%dma_wait3A_108] : memref<320000xi32, #tpu.memory_space<hbm>> -> memref<80xi32, #tpu.memory_space<hbm>>
      %dma_wait3A_110 = arith.constant 0 : i32
      %dma_wait3A_111 = tpu.memref_slice %arg4[%dma_wait3A_110] : memref<320000xi32, #tpu.memory_space<hbm>> -> memref<80xi32, #tpu.memory_space<hbm>>
      tpu.wait_dma2 semaphore(%arg16 : memref<!tpu.dma_semaphore, #tpu.memory_space<semaphore_mem>>) src(%dma_wait3A_111 : memref<80xi32, #tpu.memory_space<hbm>>) dst(%arg8 : memref<80xi32, #tpu.memory_space<vmem>>)
      %dma_wait3A_112 = arith.constant 0 : i32
      %dma_wait3A_113 = tpu.memref_slice %arg5[%dma_wait3A_112] : memref<320000xi32, #tpu.memory_space<hbm>> -> memref<80xi32, #tpu.memory_space<hbm>>
      %dma_wait3A_114 = arith.constant 0 : i32
      %dma_wait3A_115 = tpu.memref_slice %arg5[%dma_wait3A_114] : memref<320000xi32, #tpu.memory_space<hbm>> -> memref<80xi32, #tpu.memory_space<hbm>>
      tpu.wait_dma2 semaphore(%arg16 : memref<!tpu.dma_semaphore, #tpu.memory_space<semaphore_mem>>) src(%dma_wait3A_115 : memref<80xi32, #tpu.memory_space<hbm>>) dst(%arg10 : memref<80xi32, #tpu.memory_space<vmem>>)
      %gt3A = arith.constant 0 : i32
      %gt3A_116 = arith.cmpi sgt, %scan3A_103, %gt3A : i32
      %convert_element_type3A_117 = arith.extui %gt3A_116 : i1 to i32
      %cond3A_118 = arith.constant 0 : i32
      %cond3A_119 = arith.cmpi ne, %convert_element_type3A_117, %cond3A_118 : i32
      scf.if %cond3A_119 {
        %dma_wait3A_232 = arith.constant 0 : i32
        %dma_wait3A_233 = arith.constant 0 : i32
        %dma_wait3A_234 = tpu.memref_slice %arg3[%dma_wait3A_232, %dma_wait3A_233] : memref<320000x128xf32, #tpu.memory_space<hbm>> -> memref<80x128xf32, #tpu.memory_space<hbm>>
        %dma_wait3A_235 = arith.constant 0 : i32
        %dma_wait3A_236 = arith.constant 0 : i32
        %dma_wait3A_237 = tpu.memref_slice %arg3[%dma_wait3A_235, %dma_wait3A_236] : memref<320000x128xf32, #tpu.memory_space<hbm>> -> memref<80x128xf32, #tpu.memory_space<hbm>>
        tpu.wait_dma2 semaphore(%arg22 : memref<!tpu.dma_semaphore, #tpu.memory_space<semaphore_mem>>) src(%dma_wait3A_237 : memref<80x128xf32, #tpu.memory_space<hbm>>) dst(%arg14 : memref<80x128xf32, #tpu.memory_space<vmem>>)
      } else {
      }
      %add3A_120 = arith.constant 1 : i32
      %add3A_121 = arith.addi %add3A_107, %add3A_120 : i32
      %dma_start3A_122 = arith.constant 0 : i32
      %dma_start3A_123 = arith.constant 0 : i32
      %dma_start3A_124 = tpu.memref_slice %arg2[%dma_start3A_122, %dma_start3A_123] : memref<10000x128xf32, #tpu.memory_space<hbm>> -> memref<10000x128xf32, #tpu.memory_space<hbm>>
      tpu.enqueue_indirect_dma source(%dma_start3A_124 : memref<10000x128xf32, #tpu.memory_space<hbm>>) target(%arg12 : memref<80x128xf32, #tpu.memory_space<vmem>>) offsets(%arg8 : memref<80xi32, #tpu.memory_space<vmem>>) semaphore(%arg18 : memref<!tpu.dma_semaphore, #tpu.memory_space<semaphore_mem>>)
      %mul3A_125 = arith.constant 2000 : i32
      %mul3A_126 = arith.muli %arg0, %mul3A_125 : i32
      %mul3A_127 = arith.constant 16 : i32
      %mul3A_128 = arith.muli %add3A_121, %mul3A_127 : i32
      %add3A_129 = arith.addi %mul3A_126, %mul3A_128 : i32
      %add3A_130 = arith.addi %add3A_129, %arg1 : i32
      %mul3A_131 = arith.constant 80 : i32
      %mul3A_132 = arith.muli %add3A_130, %mul3A_131 : i32
      %dma_start3A_133 = arith.constant 0 : i32
      %dma_start3A_134 = tpu.memref_slice %arg3[%mul3A_132, %dma_start3A_133] : memref<320000x128xf32, #tpu.memory_space<hbm>> -> memref<80x128xf32, #tpu.memory_space<hbm>>
      %dma_start3A_135 = arith.constant 0 : i32
      %dma_start3A_136 = tpu.memref_slice %arg3[%mul3A_132, %dma_start3A_135] : memref<320000x128xf32, #tpu.memory_space<hbm>> -> memref<80x128xf32, #tpu.memory_space<hbm>>
      tpu.enqueue_dma source(%dma_start3A_136 : memref<80x128xf32, #tpu.memory_space<hbm>>) target(%arg14 : memref<80x128xf32, #tpu.memory_space<vmem>>) target_semaphore(%arg20 : memref<!tpu.dma_semaphore, #tpu.memory_space<semaphore_mem>>)
      %dma_wait3A_137 = arith.constant 0 : i32
      %dma_wait3A_138 = arith.constant 0 : i32
      %dma_wait3A_139 = tpu.memref_slice %arg2[%dma_wait3A_137, %dma_wait3A_138] : memref<10000x128xf32, #tpu.memory_space<hbm>> -> memref<80x128xf32, #tpu.memory_space<hbm>>
      %dma_wait3A_140 = arith.constant 0 : i32
      %dma_wait3A_141 = arith.constant 0 : i32
      %dma_wait3A_142 = tpu.memref_slice %arg2[%dma_wait3A_140, %dma_wait3A_141] : memref<10000x128xf32, #tpu.memory_space<hbm>> -> memref<80x128xf32, #tpu.memory_space<hbm>>
      tpu.wait_dma2 semaphore(%arg17 : memref<!tpu.dma_semaphore, #tpu.memory_space<semaphore_mem>>) src(%dma_wait3A_142 : memref<80x128xf32, #tpu.memory_space<hbm>>) dst(%arg11 : memref<80x128xf32, #tpu.memory_space<vmem>>)
      %dma_wait3A_143 = arith.constant 0 : i32
      %dma_wait3A_144 = arith.constant 0 : i32
      %dma_wait3A_145 = tpu.memref_slice %arg3[%dma_wait3A_143, %dma_wait3A_144] : memref<320000x128xf32, #tpu.memory_space<hbm>> -> memref<80x128xf32, #tpu.memory_space<hbm>>
      %dma_wait3A_146 = arith.constant 0 : i32
      %dma_wait3A_147 = arith.constant 0 : i32
      %dma_wait3A_148 = tpu.memref_slice %arg3[%dma_wait3A_146, %dma_wait3A_147] : memref<320000x128xf32, #tpu.memory_space<hbm>> -> memref<80x128xf32, #tpu.memory_space<hbm>>
      tpu.wait_dma2 semaphore(%arg19 : memref<!tpu.dma_semaphore, #tpu.memory_space<semaphore_mem>>) src(%dma_wait3A_148 : memref<80x128xf32, #tpu.memory_space<hbm>>) dst(%arg13 : memref<80x128xf32, #tpu.memory_space<vmem>>)
      %scan3A_149 = arith.constant 0 : i32
      %scan3A_150 = arith.constant 0 : i32
      %scan3A_151 = arith.constant 80 : i32
      %scan3A_152 = arith.addi %scan3A_150, %scan3A_151 : i32
      %scan3A_153 = arith.constant 1 : i32
      scf.for %scan3A_232 = %scan3A_150 to %scan3A_152 step %scan3A_153  : i32 {
        %get3A = arith.index_cast %scan3A_232 : i32 to index
        %get3A_233 = arith.constant 0 : index
        %get3A_234 = tpu.vector_load %arg11[%get3A, %get3A_233] {strides = array<i32>} : memref<80x128xf32, #tpu.memory_space<vmem>>, vector<16xf32>,
        %get3A_235 = arith.index_cast %scan3A_232 : i32 to index
        %get3A_236 = arith.constant 0 : index
        %get3A_237 = tpu.vector_load %arg13[%get3A_235, %get3A_236] {strides = array<i32>} : memref<80x128xf32, #tpu.memory_space<vmem>>, vector<16xf32>,
        %add3A_238 = arith.addf %get3A_234, %get3A_237 : vector<16xf32>
        %max3A = arith.constant 0.000000e+00 : f32
        %max3A_239 = vector.broadcast %max3A : f32 to vector<16xf32>
        %max3A_240 = arith.maximumf %add3A_238, %max3A_239 : vector<16xf32>
        %swap3A = arith.index_cast %scan3A_232 : i32 to index
        %swap3A_241 = arith.constant 0 : index
        %swap3A_242 = tpu.vector_load %arg13[%swap3A, %swap3A_241] {strides = array<i32>} : memref<80x128xf32, #tpu.memory_space<vmem>>, vector<16xf32>,
        tpu.vector_store %arg13[%swap3A, %swap3A_241], %max3A_240 {strides = array<i32>} : memref<80x128xf32, #tpu.memory_space<vmem>>, vector<16xf32>,
        %get3A_243 = arith.index_cast %scan3A_232 : i32 to index
        %get3A_244 = arith.constant 16 : index
        %get3A_245 = tpu.vector_load %arg11[%get3A_243, %get3A_244] {strides = array<i32>} : memref<80x128xf32, #tpu.memory_space<vmem>>, vector<16xf32>,
        %get3A_246 = arith.index_cast %scan3A_232 : i32 to index
        %get3A_247 = arith.constant 16 : index
        %get3A_248 = tpu.vector_load %arg13[%get3A_246, %get3A_247] {strides = array<i32>} : memref<80x128xf32, #tpu.memory_space<vmem>>, vector<16xf32>,
        %add3A_249 = arith.addf %get3A_245, %get3A_248 : vector<16xf32>
        %max3A_250 = arith.constant 0.000000e+00 : f32
        %max3A_251 = vector.broadcast %max3A_250 : f32 to vector<16xf32>
        %max3A_252 = arith.maximumf %add3A_249, %max3A_251 : vector<16xf32>
        %swap3A_253 = arith.index_cast %scan3A_232 : i32 to index
        %swap3A_254 = arith.constant 16 : index
        %swap3A_255 = tpu.vector_load %arg13[%swap3A_253, %swap3A_254] {strides = array<i32>} : memref<80x128xf32, #tpu.memory_space<vmem>>, vector<16xf32>,
        tpu.vector_store %arg13[%swap3A_253, %swap3A_254], %max3A_252 {strides = array<i32>} : memref<80x128xf32, #tpu.memory_space<vmem>>, vector<16xf32>,
        %get3A_256 = arith.index_cast %scan3A_232 : i32 to index
        %get3A_257 = arith.constant 32 : index
        %get3A_258 = tpu.vector_load %arg11[%get3A_256, %get3A_257] {strides = array<i32>} : memref<80x128xf32, #tpu.memory_space<vmem>>, vector<16xf32>,
        %get3A_259 = arith.index_cast %scan3A_232 : i32 to index
        %get3A_260 = arith.constant 32 : index
        %get3A_261 = tpu.vector_load %arg13[%get3A_259, %get3A_260] {strides = array<i32>} : memref<80x128xf32, #tpu.memory_space<vmem>>, vector<16xf32>,
        %add3A_262 = arith.addf %get3A_258, %get3A_261 : vector<16xf32>
        %max3A_263 = arith.constant 0.000000e+00 : f32
        %max3A_264 = vector.broadcast %max3A_263 : f32 to vector<16xf32>
        %max3A_265 = arith.maximumf %add3A_262, %max3A_264 : vector<16xf32>
        %swap3A_266 = arith.index_cast %scan3A_232 : i32 to index
        %swap3A_267 = arith.constant 32 : index
        %swap3A_268 = tpu.vector_load %arg13[%swap3A_266, %swap3A_267] {strides = array<i32>} : memref<80x128xf32, #tpu.memory_space<vmem>>, vector<16xf32>,
        tpu.vector_store %arg13[%swap3A_266, %swap3A_267], %max3A_265 {strides = array<i32>} : memref<80x128xf32, #tpu.memory_space<vmem>>, vector<16xf32>,
        %get3A_269 = arith.index_cast %scan3A_232 : i32 to index
        %get3A_270 = arith.constant 48 : index
        %get3A_271 = tpu.vector_load %arg11[%get3A_269, %get3A_270] {strides = array<i32>} : memref<80x128xf32, #tpu.memory_space<vmem>>, vector<16xf32>,
        %get3A_272 = arith.index_cast %scan3A_232 : i32 to index
        %get3A_273 = arith.constant 48 : index
        %get3A_274 = tpu.vector_load %arg13[%get3A_272, %get3A_273] {strides = array<i32>} : memref<80x128xf32, #tpu.memory_space<vmem>>, vector<16xf32>,
        %add3A_275 = arith.addf %get3A_271, %get3A_274 : vector<16xf32>
        %max3A_276 = arith.constant 0.000000e+00 : f32
        %max3A_277 = vector.broadcast %max3A_276 : f32 to vector<16xf32>
        %max3A_278 = arith.maximumf %add3A_275, %max3A_277 : vector<16xf32>
        %swap3A_279 = arith.index_cast %scan3A_232 : i32 to index
        %swap3A_280 = arith.constant 48 : index
        %swap3A_281 = tpu.vector_load %arg13[%swap3A_279, %swap3A_280] {strides = array<i32>} : memref<80x128xf32, #tpu.memory_space<vmem>>, vector<16xf32>,
        tpu.vector_store %arg13[%swap3A_279, %swap3A_280], %max3A_278 {strides = array<i32>} : memref<80x128xf32, #tpu.memory_space<vmem>>, vector<16xf32>,
        %get3A_282 = arith.index_cast %scan3A_232 : i32 to index
        %get3A_283 = arith.constant 64 : index
        %get3A_284 = tpu.vector_load %arg11[%get3A_282, %get3A_283] {strides = array<i32>} : memref<80x128xf32, #tpu.memory_space<vmem>>, vector<16xf32>,
        %get3A_285 = arith.index_cast %scan3A_232 : i32 to index
        %get3A_286 = arith.constant 64 : index
        %get3A_287 = tpu.vector_load %arg13[%get3A_285, %get3A_286] {strides = array<i32>} : memref<80x128xf32, #tpu.memory_space<vmem>>, vector<16xf32>,
        %add3A_288 = arith.addf %get3A_284, %get3A_287 : vector<16xf32>
        %max3A_289 = arith.constant 0.000000e+00 : f32
        %max3A_290 = vector.broadcast %max3A_289 : f32 to vector<16xf32>
        %max3A_291 = arith.maximumf %add3A_288, %max3A_290 : vector<16xf32>
        %swap3A_292 = arith.index_cast %scan3A_232 : i32 to index
        %swap3A_293 = arith.constant 64 : index
        %swap3A_294 = tpu.vector_load %arg13[%swap3A_292, %swap3A_293] {strides = array<i32>} : memref<80x128xf32, #tpu.memory_space<vmem>>, vector<16xf32>,
        tpu.vector_store %arg13[%swap3A_292, %swap3A_293], %max3A_291 {strides = array<i32>} : memref<80x128xf32, #tpu.memory_space<vmem>>, vector<16xf32>,
        %get3A_295 = arith.index_cast %scan3A_232 : i32 to index
        %get3A_296 = arith.constant 80 : index
        %get3A_297 = tpu.vector_load %arg11[%get3A_295, %get3A_296] {strides = array<i32>} : memref<80x128xf32, #tpu.memory_space<vmem>>, vector<16xf32>,
        %get3A_298 = arith.index_cast %scan3A_232 : i32 to index
        %get3A_299 = arith.constant 80 : index
        %get3A_300 = tpu.vector_load %arg13[%get3A_298, %get3A_299] {strides = array<i32>} : memref<80x128xf32, #tpu.memory_space<vmem>>, vector<16xf32>,
        %add3A_301 = arith.addf %get3A_297, %get3A_300 : vector<16xf32>
        %max3A_302 = arith.constant 0.000000e+00 : f32
        %max3A_303 = vector.broadcast %max3A_302 : f32 to vector<16xf32>
        %max3A_304 = arith.maximumf %add3A_301, %max3A_303 : vector<16xf32>
        %swap3A_305 = arith.index_cast %scan3A_232 : i32 to index
        %swap3A_306 = arith.constant 80 : index
        %swap3A_307 = tpu.vector_load %arg13[%swap3A_305, %swap3A_306] {strides = array<i32>} : memref<80x128xf32, #tpu.memory_space<vmem>>, vector<16xf32>,
        tpu.vector_store %arg13[%swap3A_305, %swap3A_306], %max3A_304 {strides = array<i32>} : memref<80x128xf32, #tpu.memory_space<vmem>>, vector<16xf32>,
        %get3A_308 = arith.index_cast %scan3A_232 : i32 to index
        %get3A_309 = arith.constant 96 : index
        %get3A_310 = tpu.vector_load %arg11[%get3A_308, %get3A_309] {strides = array<i32>} : memref<80x128xf32, #tpu.memory_space<vmem>>, vector<16xf32>,
        %get3A_311 = arith.index_cast %scan3A_232 : i32 to index
        %get3A_312 = arith.constant 96 : index
        %get3A_313 = tpu.vector_load %arg13[%get3A_311, %get3A_312] {strides = array<i32>} : memref<80x128xf32, #tpu.memory_space<vmem>>, vector<16xf32>,
        %add3A_314 = arith.addf %get3A_310, %get3A_313 : vector<16xf32>
        %max3A_315 = arith.constant 0.000000e+00 : f32
        %max3A_316 = vector.broadcast %max3A_315 : f32 to vector<16xf32>
        %max3A_317 = arith.maximumf %add3A_314, %max3A_316 : vector<16xf32>
        %swap3A_318 = arith.index_cast %scan3A_232 : i32 to index
        %swap3A_319 = arith.constant 96 : index
        %swap3A_320 = tpu.vector_load %arg13[%swap3A_318, %swap3A_319] {strides = array<i32>} : memref<80x128xf32, #tpu.memory_space<vmem>>, vector<16xf32>,
        tpu.vector_store %arg13[%swap3A_318, %swap3A_319], %max3A_317 {strides = array<i32>} : memref<80x128xf32, #tpu.memory_space<vmem>>, vector<16xf32>,
        %get3A_321 = arith.index_cast %scan3A_232 : i32 to index
        %get3A_322 = arith.constant 112 : index
        %get3A_323 = tpu.vector_load %arg11[%get3A_321, %get3A_322] {strides = array<i32>} : memref<80x128xf32, #tpu.memory_space<vmem>>, vector<16xf32>,
        %get3A_324 = arith.index_cast %scan3A_232 : i32 to index
        %get3A_325 = arith.constant 112 : index
        %get3A_326 = tpu.vector_load %arg13[%get3A_324, %get3A_325] {strides = array<i32>} : memref<80x128xf32, #tpu.memory_space<vmem>>, vector<16xf32>,
        %add3A_327 = arith.addf %get3A_323, %get3A_326 : vector<16xf32>
        %max3A_328 = arith.constant 0.000000e+00 : f32
        %max3A_329 = vector.broadcast %max3A_328 : f32 to vector<16xf32>
        %max3A_330 = arith.maximumf %add3A_327, %max3A_329 : vector<16xf32>
        %swap3A_331 = arith.index_cast %scan3A_232 : i32 to index
        %swap3A_332 = arith.constant 112 : index
        %swap3A_333 = tpu.vector_load %arg13[%swap3A_331, %swap3A_332] {strides = array<i32>} : memref<80x128xf32, #tpu.memory_space<vmem>>, vector<16xf32>,
        tpu.vector_store %arg13[%swap3A_331, %swap3A_332], %max3A_330 {strides = array<i32>} : memref<80x128xf32, #tpu.memory_space<vmem>>, vector<16xf32>,
      }
      %scan3A_154 = arith.constant 80 : i32
      %dma_start3A_155 = arith.constant 0 : i32
      %dma_start3A_156 = arith.constant 0 : i32
      %dma_start3A_157 = tpu.memref_slice %arg23[%dma_start3A_155, %dma_start3A_156] : memref<10000x128xf32, #tpu.memory_space<vmem_shared>> -> memref<10000x128xf32, #tpu.memory_space<vmem_shared>>
      tpu.enqueue_indirect_dma source(%arg13 : memref<80x128xf32, #tpu.memory_space<vmem>>) target(%dma_start3A_157 : memref<10000x128xf32, #tpu.memory_space<vmem_shared>>) offsets(%arg9 : memref<80xi32, #tpu.memory_space<vmem>>) semaphore(%arg21 : memref<!tpu.dma_semaphore, #tpu.memory_space<semaphore_mem>>) {add = true}
      %add3A_158 = arith.constant 2 : i32
      %add3A_159 = arith.addi %add3A_107, %add3A_158 : i32
      %mul3A_160 = arith.constant 2000 : i32
      %mul3A_161 = arith.muli %arg0, %mul3A_160 : i32
      %mul3A_162 = arith.constant 16 : i32
      %mul3A_163 = arith.muli %add3A_159, %mul3A_162 : i32
      %add3A_164 = arith.addi %mul3A_161, %mul3A_163 : i32
      %add3A_165 = arith.addi %add3A_164, %arg1 : i32
      %mul3A_166 = arith.constant 80 : i32
      %mul3A_167 = arith.muli %add3A_165, %mul3A_166 : i32
      %dma_start3A_168 = tpu.memref_slice %arg4[%mul3A_167] : memref<320000xi32, #tpu.memory_space<hbm>> -> memref<80xi32, #tpu.memory_space<hbm>>
      %dma_start3A_169 = tpu.memref_slice %arg4[%mul3A_167] : memref<320000xi32, #tpu.memory_space<hbm>> -> memref<80xi32, #tpu.memory_space<hbm>>
      tpu.enqueue_dma source(%dma_start3A_169 : memref<80xi32, #tpu.memory_space<hbm>>) target(%arg7 : memref<80xi32, #tpu.memory_space<vmem>>) target_semaphore(%arg15 : memref<!tpu.dma_semaphore, #tpu.memory_space<semaphore_mem>>)
      %dma_start3A_170 = tpu.memref_slice %arg5[%mul3A_167] : memref<320000xi32, #tpu.memory_space<hbm>> -> memref<80xi32, #tpu.memory_space<hbm>>
      %dma_start3A_171 = tpu.memref_slice %arg5[%mul3A_167] : memref<320000xi32, #tpu.memory_space<hbm>> -> memref<80xi32, #tpu.memory_space<hbm>>
      tpu.enqueue_dma source(%dma_start3A_171 : memref<80xi32, #tpu.memory_space<hbm>>) target(%arg9 : memref<80xi32, #tpu.memory_space<vmem>>) target_semaphore(%arg15 : memref<!tpu.dma_semaphore, #tpu.memory_space<semaphore_mem>>)
      %mul3A_172 = arith.constant 2 : i32
      %mul3A_173 = arith.muli %mul3A_172, %scan3A_103 : i32
      %add3A_174 = arith.constant 1 : i32
      %add3A_175 = arith.addi %mul3A_173, %add3A_174 : i32
      %dma_wait3A_176 = arith.constant 0 : i32
      %dma_wait3A_177 = tpu.memref_slice %arg4[%dma_wait3A_176] : memref<320000xi32, #tpu.memory_space<hbm>> -> memref<80xi32, #tpu.memory_space<hbm>>
      %dma_wait3A_178 = arith.constant 0 : i32
      %dma_wait3A_179 = tpu.memref_slice %arg4[%dma_wait3A_178] : memref<320000xi32, #tpu.memory_space<hbm>> -> memref<80xi32, #tpu.memory_space<hbm>>
      tpu.wait_dma2 semaphore(%arg15 : memref<!tpu.dma_semaphore, #tpu.memory_space<semaphore_mem>>) src(%dma_wait3A_179 : memref<80xi32, #tpu.memory_space<hbm>>) dst(%arg7 : memref<80xi32, #tpu.memory_space<vmem>>)
      %dma_wait3A_180 = arith.constant 0 : i32
      %dma_wait3A_181 = tpu.memref_slice %arg5[%dma_wait3A_180] : memref<320000xi32, #tpu.memory_space<hbm>> -> memref<80xi32, #tpu.memory_space<hbm>>
      %dma_wait3A_182 = arith.constant 0 : i32
      %dma_wait3A_183 = tpu.memref_slice %arg5[%dma_wait3A_182] : memref<320000xi32, #tpu.memory_space<hbm>> -> memref<80xi32, #tpu.memory_space<hbm>>
      tpu.wait_dma2 semaphore(%arg15 : memref<!tpu.dma_semaphore, #tpu.memory_space<semaphore_mem>>) src(%dma_wait3A_183 : memref<80xi32, #tpu.memory_space<hbm>>) dst(%arg9 : memref<80xi32, #tpu.memory_space<vmem>>)
      %dma_wait3A_184 = arith.constant 0 : i32
      %dma_wait3A_185 = arith.constant 0 : i32
      %dma_wait3A_186 = tpu.memref_slice %arg3[%dma_wait3A_184, %dma_wait3A_185] : memref<320000x128xf32, #tpu.memory_space<hbm>> -> memref<80x128xf32, #tpu.memory_space<hbm>>
      %dma_wait3A_187 = arith.constant 0 : i32
      %dma_wait3A_188 = arith.constant 0 : i32
      %dma_wait3A_189 = tpu.memref_slice %arg3[%dma_wait3A_187, %dma_wait3A_188] : memref<320000x128xf32, #tpu.memory_space<hbm>> -> memref<80x128xf32, #tpu.memory_space<hbm>>
      tpu.wait_dma2 semaphore(%arg21 : memref<!tpu.dma_semaphore, #tpu.memory_space<semaphore_mem>>) src(%dma_wait3A_189 : memref<80x128xf32, #tpu.memory_space<hbm>>) dst(%arg13 : memref<80x128xf32, #tpu.memory_space<vmem>>)
      %add3A_190 = arith.constant 1 : i32
      %add3A_191 = arith.addi %add3A_175, %add3A_190 : i32
      %dma_start3A_192 = arith.constant 0 : i32
      %dma_start3A_193 = arith.constant 0 : i32
      %dma_start3A_194 = tpu.memref_slice %arg2[%dma_start3A_192, %dma_start3A_193] : memref<10000x128xf32, #tpu.memory_space<hbm>> -> memref<10000x128xf32, #tpu.memory_space<hbm>>
      tpu.enqueue_indirect_dma source(%dma_start3A_194 : memref<10000x128xf32, #tpu.memory_space<hbm>>) target(%arg11 : memref<80x128xf32, #tpu.memory_space<vmem>>) offsets(%arg7 : memref<80xi32, #tpu.memory_space<vmem>>) semaphore(%arg17 : memref<!tpu.dma_semaphore, #tpu.memory_space<semaphore_mem>>)
      %mul3A_195 = arith.constant 2000 : i32
      %mul3A_196 = arith.muli %arg0, %mul3A_195 : i32
      %mul3A_197 = arith.constant 16 : i32
      %mul3A_198 = arith.muli %add3A_191, %mul3A_197 : i32
      %add3A_199 = arith.addi %mul3A_196, %mul3A_198 : i32
      %add3A_200 = arith.addi %add3A_199, %arg1 : i32
      %mul3A_201 = arith.constant 80 : i32
      %mul3A_202 = arith.muli %add3A_200, %mul3A_201 : i32
      %dma_start3A_203 = arith.constant 0 : i32
      %dma_start3A_204 = tpu.memref_slice %arg3[%mul3A_202, %dma_start3A_203] : memref<320000x128xf32, #tpu.memory_space<hbm>> -> memref<80x128xf32, #tpu.memory_space<hbm>>
      %dma_start3A_205 = arith.constant 0 : i32
      %dma_start3A_206 = tpu.memref_slice %arg3[%mul3A_202, %dma_start3A_205] : memref<320000x128xf32, #tpu.memory_space<hbm>> -> memref<80x128xf32, #tpu.memory_space<hbm>>
      tpu.enqueue_dma source(%dma_start3A_206 : memref<80x128xf32, #tpu.memory_space<hbm>>) target(%arg13 : memref<80x128xf32, #tpu.memory_space<vmem>>) target_semaphore(%arg19 : memref<!tpu.dma_semaphore, #tpu.memory_space<semaphore_mem>>)
      %dma_wait3A_207 = arith.constant 0 : i32
      %dma_wait3A_208 = arith.constant 0 : i32
      %dma_wait3A_209 = tpu.memref_slice %arg2[%dma_wait3A_207, %dma_wait3A_208] : memref<10000x128xf32, #tpu.memory_space<hbm>> -> memref<80x128xf32, #tpu.memory_space<hbm>>
      %dma_wait3A_210 = arith.constant 0 : i32
      %dma_wait3A_211 = arith.constant 0 : i32
      %dma_wait3A_212 = tpu.memref_slice %arg2[%dma_wait3A_210, %dma_wait3A_211] : memref<10000x128xf32, #tpu.memory_space<hbm>> -> memref<80x128xf32, #tpu.memory_space<hbm>>
      tpu.wait_dma2 semaphore(%arg18 : memref<!tpu.dma_semaphore, #tpu.memory_space<semaphore_mem>>) src(%dma_wait3A_212 : memref<80x128xf32, #tpu.memory_space<hbm>>) dst(%arg12 : memref<80x128xf32, #tpu.memory_space<vmem>>)
      %dma_wait3A_213 = arith.constant 0 : i32
      %dma_wait3A_214 = arith.constant 0 : i32
      %dma_wait3A_215 = tpu.memref_slice %arg3[%dma_wait3A_213, %dma_wait3A_214] : memref<320000x128xf32, #tpu.memory_space<hbm>> -> memref<80x128xf32, #tpu.memory_space<hbm>>
      %dma_wait3A_216 = arith.constant 0 : i32
      %dma_wait3A_217 = arith.constant 0 : i32
      %dma_wait3A_218 = tpu.memref_slice %arg3[%dma_wait3A_216, %dma_wait3A_217] : memref<320000x128xf32, #tpu.memory_space<hbm>> -> memref<80x128xf32, #tpu.memory_space<hbm>>
      tpu.wait_dma2 semaphore(%arg20 : memref<!tpu.dma_semaphore, #tpu.memory_space<semaphore_mem>>) src(%dma_wait3A_218 : memref<80x128xf32, #tpu.memory_space<hbm>>) dst(%arg14 : memref<80x128xf32, #tpu.memory_space<vmem>>)
      %scan3A_219 = arith.constant 0 : i32
      %scan3A_220 = arith.constant 0 : i32
      %scan3A_221 = arith.constant 80 : i32
      %scan3A_222 = arith.addi %scan3A_220, %scan3A_221 : i32
      %scan3A_223 = arith.constant 1 : i32
      scf.for %scan3A_232 = %scan3A_220 to %scan3A_222 step %scan3A_223  : i32 {
        %get3A = arith.index_cast %scan3A_232 : i32 to index
        %get3A_233 = arith.constant 0 : index
        %get3A_234 = tpu.vector_load %arg12[%get3A, %get3A_233] {strides = array<i32>} : memref<80x128xf32, #tpu.memory_space<vmem>>, vector<16xf32>,
        %get3A_235 = arith.index_cast %scan3A_232 : i32 to index
        %get3A_236 = arith.constant 0 : index
        %get3A_237 = tpu.vector_load %arg14[%get3A_235, %get3A_236] {strides = array<i32>} : memref<80x128xf32, #tpu.memory_space<vmem>>, vector<16xf32>,
        %add3A_238 = arith.addf %get3A_234, %get3A_237 : vector<16xf32>
        %max3A = arith.constant 0.000000e+00 : f32
        %max3A_239 = vector.broadcast %max3A : f32 to vector<16xf32>
        %max3A_240 = arith.maximumf %add3A_238, %max3A_239 : vector<16xf32>
        %swap3A = arith.index_cast %scan3A_232 : i32 to index
        %swap3A_241 = arith.constant 0 : index
        %swap3A_242 = tpu.vector_load %arg14[%swap3A, %swap3A_241] {strides = array<i32>} : memref<80x128xf32, #tpu.memory_space<vmem>>, vector<16xf32>,
        tpu.vector_store %arg14[%swap3A, %swap3A_241], %max3A_240 {strides = array<i32>} : memref<80x128xf32, #tpu.memory_space<vmem>>, vector<16xf32>,
        %get3A_243 = arith.index_cast %scan3A_232 : i32 to index
        %get3A_244 = arith.constant 16 : index
        %get3A_245 = tpu.vector_load %arg12[%get3A_243, %get3A_244] {strides = array<i32>} : memref<80x128xf32, #tpu.memory_space<vmem>>, vector<16xf32>,
        %get3A_246 = arith.index_cast %scan3A_232 : i32 to index
        %get3A_247 = arith.constant 16 : index
        %get3A_248 = tpu.vector_load %arg14[%get3A_246, %get3A_247] {strides = array<i32>} : memref<80x128xf32, #tpu.memory_space<vmem>>, vector<16xf32>,
        %add3A_249 = arith.addf %get3A_245, %get3A_248 : vector<16xf32>
        %max3A_250 = arith.constant 0.000000e+00 : f32
        %max3A_251 = vector.broadcast %max3A_250 : f32 to vector<16xf32>
        %max3A_252 = arith.maximumf %add3A_249, %max3A_251 : vector<16xf32>
        %swap3A_253 = arith.index_cast %scan3A_232 : i32 to index
        %swap3A_254 = arith.constant 16 : index
        %swap3A_255 = tpu.vector_load %arg14[%swap3A_253, %swap3A_254] {strides = array<i32>} : memref<80x128xf32, #tpu.memory_space<vmem>>, vector<16xf32>,
        tpu.vector_store %arg14[%swap3A_253, %swap3A_254], %max3A_252 {strides = array<i32>} : memref<80x128xf32, #tpu.memory_space<vmem>>, vector<16xf32>,
        %get3A_256 = arith.index_cast %scan3A_232 : i32 to index
        %get3A_257 = arith.constant 32 : index
        %get3A_258 = tpu.vector_load %arg12[%get3A_256, %get3A_257] {strides = array<i32>} : memref<80x128xf32, #tpu.memory_space<vmem>>, vector<16xf32>,
        %get3A_259 = arith.index_cast %scan3A_232 : i32 to index
        %get3A_260 = arith.constant 32 : index
        %get3A_261 = tpu.vector_load %arg14[%get3A_259, %get3A_260] {strides = array<i32>} : memref<80x128xf32, #tpu.memory_space<vmem>>, vector<16xf32>,
        %add3A_262 = arith.addf %get3A_258, %get3A_261 : vector<16xf32>
        %max3A_263 = arith.constant 0.000000e+00 : f32
        %max3A_264 = vector.broadcast %max3A_263 : f32 to vector<16xf32>
        %max3A_265 = arith.maximumf %add3A_262, %max3A_264 : vector<16xf32>
        %swap3A_266 = arith.index_cast %scan3A_232 : i32 to index
        %swap3A_267 = arith.constant 32 : index
        %swap3A_268 = tpu.vector_load %arg14[%swap3A_266, %swap3A_267] {strides = array<i32>} : memref<80x128xf32, #tpu.memory_space<vmem>>, vector<16xf32>,
        tpu.vector_store %arg14[%swap3A_266, %swap3A_267], %max3A_265 {strides = array<i32>} : memref<80x128xf32, #tpu.memory_space<vmem>>, vector<16xf32>,
        %get3A_269 = arith.index_cast %scan3A_232 : i32 to index
        %get3A_270 = arith.constant 48 : index
        %get3A_271 = tpu.vector_load %arg12[%get3A_269, %get3A_270] {strides = array<i32>} : memref<80x128xf32, #tpu.memory_space<vmem>>, vector<16xf32>,
        %get3A_272 = arith.index_cast %scan3A_232 : i32 to index
        %get3A_273 = arith.constant 48 : index
        %get3A_274 = tpu.vector_load %arg14[%get3A_272, %get3A_273] {strides = array<i32>} : memref<80x128xf32, #tpu.memory_space<vmem>>, vector<16xf32>,
        %add3A_275 = arith.addf %get3A_271, %get3A_274 : vector<16xf32>
        %max3A_276 = arith.constant 0.000000e+00 : f32
        %max3A_277 = vector.broadcast %max3A_276 : f32 to vector<16xf32>
        %max3A_278 = arith.maximumf %add3A_275, %max3A_277 : vector<16xf32>
        %swap3A_279 = arith.index_cast %scan3A_232 : i32 to index
        %swap3A_280 = arith.constant 48 : index
        %swap3A_281 = tpu.vector_load %arg14[%swap3A_279, %swap3A_280] {strides = array<i32>} : memref<80x128xf32, #tpu.memory_space<vmem>>, vector<16xf32>,
        tpu.vector_store %arg14[%swap3A_279, %swap3A_280], %max3A_278 {strides = array<i32>} : memref<80x128xf32, #tpu.memory_space<vmem>>, vector<16xf32>,
        %get3A_282 = arith.index_cast %scan3A_232 : i32 to index
        %get3A_283 = arith.constant 64 : index
        %get3A_284 = tpu.vector_load %arg12[%get3A_282, %get3A_283] {strides = array<i32>} : memref<80x128xf32, #tpu.memory_space<vmem>>, vector<16xf32>,
        %get3A_285 = arith.index_cast %scan3A_232 : i32 to index
        %get3A_286 = arith.constant 64 : index
        %get3A_287 = tpu.vector_load %arg14[%get3A_285, %get3A_286] {strides = array<i32>} : memref<80x128xf32, #tpu.memory_space<vmem>>, vector<16xf32>,
        %add3A_288 = arith.addf %get3A_284, %get3A_287 : vector<16xf32>
        %max3A_289 = arith.constant 0.000000e+00 : f32
        %max3A_290 = vector.broadcast %max3A_289 : f32 to vector<16xf32>
        %max3A_291 = arith.maximumf %add3A_288, %max3A_290 : vector<16xf32>
        %swap3A_292 = arith.index_cast %scan3A_232 : i32 to index
        %swap3A_293 = arith.constant 64 : index
        %swap3A_294 = tpu.vector_load %arg14[%swap3A_292, %swap3A_293] {strides = array<i32>} : memref<80x128xf32, #tpu.memory_space<vmem>>, vector<16xf32>,
        tpu.vector_store %arg14[%swap3A_292, %swap3A_293], %max3A_291 {strides = array<i32>} : memref<80x128xf32, #tpu.memory_space<vmem>>, vector<16xf32>,
        %get3A_295 = arith.index_cast %scan3A_232 : i32 to index
        %get3A_296 = arith.constant 80 : index
        %get3A_297 = tpu.vector_load %arg12[%get3A_295, %get3A_296] {strides = array<i32>} : memref<80x128xf32, #tpu.memory_space<vmem>>, vector<16xf32>,
        %get3A_298 = arith.index_cast %scan3A_232 : i32 to index
        %get3A_299 = arith.constant 80 : index
        %get3A_300 = tpu.vector_load %arg14[%get3A_298, %get3A_299] {strides = array<i32>} : memref<80x128xf32, #tpu.memory_space<vmem>>, vector<16xf32>,
        %add3A_301 = arith.addf %get3A_297, %get3A_300 : vector<16xf32>
        %max3A_302 = arith.constant 0.000000e+00 : f32
        %max3A_303 = vector.broadcast %max3A_302 : f32 to vector<16xf32>
        %max3A_304 = arith.maximumf %add3A_301, %max3A_303 : vector<16xf32>
        %swap3A_305 = arith.index_cast %scan3A_232 : i32 to index
        %swap3A_306 = arith.constant 80 : index
        %swap3A_307 = tpu.vector_load %arg14[%swap3A_305, %swap3A_306] {strides = array<i32>} : memref<80x128xf32, #tpu.memory_space<vmem>>, vector<16xf32>,
        tpu.vector_store %arg14[%swap3A_305, %swap3A_306], %max3A_304 {strides = array<i32>} : memref<80x128xf32, #tpu.memory_space<vmem>>, vector<16xf32>,
        %get3A_308 = arith.index_cast %scan3A_232 : i32 to index
        %get3A_309 = arith.constant 96 : index
        %get3A_310 = tpu.vector_load %arg12[%get3A_308, %get3A_309] {strides = array<i32>} : memref<80x128xf32, #tpu.memory_space<vmem>>, vector<16xf32>,
        %get3A_311 = arith.index_cast %scan3A_232 : i32 to index
        %get3A_312 = arith.constant 96 : index
        %get3A_313 = tpu.vector_load %arg14[%get3A_311, %get3A_312] {strides = array<i32>} : memref<80x128xf32, #tpu.memory_space<vmem>>, vector<16xf32>,
        %add3A_314 = arith.addf %get3A_310, %get3A_313 : vector<16xf32>
        %max3A_315 = arith.constant 0.000000e+00 : f32
        %max3A_316 = vector.broadcast %max3A_315 : f32 to vector<16xf32>
        %max3A_317 = arith.maximumf %add3A_314, %max3A_316 : vector<16xf32>
        %swap3A_318 = arith.index_cast %scan3A_232 : i32 to index
        %swap3A_319 = arith.constant 96 : index
        %swap3A_320 = tpu.vector_load %arg14[%swap3A_318, %swap3A_319] {strides = array<i32>} : memref<80x128xf32, #tpu.memory_space<vmem>>, vector<16xf32>,
        tpu.vector_store %arg14[%swap3A_318, %swap3A_319], %max3A_317 {strides = array<i32>} : memref<80x128xf32, #tpu.memory_space<vmem>>, vector<16xf32>,
        %get3A_321 = arith.index_cast %scan3A_232 : i32 to index
        %get3A_322 = arith.constant 112 : index
        %get3A_323 = tpu.vector_load %arg12[%get3A_321, %get3A_322] {strides = array<i32>} : memref<80x128xf32, #tpu.memory_space<vmem>>, vector<16xf32>,
        %get3A_324 = arith.index_cast %scan3A_232 : i32 to index
        %get3A_325 = arith.constant 112 : index
        %get3A_326 = tpu.vector_load %arg14[%get3A_324, %get3A_325] {strides = array<i32>} : memref<80x128xf32, #tpu.memory_space<vmem>>, vector<16xf32>,
        %add3A_327 = arith.addf %get3A_323, %get3A_326 : vector<16xf32>
        %max3A_328 = arith.constant 0.000000e+00 : f32
        %max3A_329 = vector.broadcast %max3A_328 : f32 to vector<16xf32>
        %max3A_330 = arith.maximumf %add3A_327, %max3A_329 : vector<16xf32>
        %swap3A_331 = arith.index_cast %scan3A_232 : i32 to index
        %swap3A_332 = arith.constant 112 : index
        %swap3A_333 = tpu.vector_load %arg14[%swap3A_331, %swap3A_332] {strides = array<i32>} : memref<80x128xf32, #tpu.memory_space<vmem>>, vector<16xf32>,
        tpu.vector_store %arg14[%swap3A_331, %swap3A_332], %max3A_330 {strides = array<i32>} : memref<80x128xf32, #tpu.memory_space<vmem>>, vector<16xf32>,
      }
      %scan3A_224 = arith.constant 80 : i32
      %dma_start3A_225 = arith.constant 0 : i32
      %dma_start3A_226 = arith.constant 0 : i32
      %dma_start3A_227 = tpu.memref_slice %arg23[%dma_start3A_225, %dma_start3A_226] : memref<10000x128xf32, #tpu.memory_space<vmem_shared>> -> memref<10000x128xf32, #tpu.memory_space<vmem_shared>>
      tpu.enqueue_indirect_dma source(%arg14 : memref<80x128xf32, #tpu.memory_space<vmem>>) target(%dma_start3A_227 : memref<10000x128xf32, #tpu.memory_space<vmem_shared>>) offsets(%arg10 : memref<80xi32, #tpu.memory_space<vmem>>) semaphore(%arg22 : memref<!tpu.dma_semaphore, #tpu.memory_space<semaphore_mem>>) {add = true}
      %lt3A = arith.constant 61 : i32
      %lt3A_228 = arith.cmpi slt, %scan3A_103, %lt3A : i32
      %convert_element_type3A_229 = arith.extui %lt3A_228 : i1 to i32
      %cond3A_230 = arith.constant 0 : i32
      %cond3A_231 = arith.cmpi ne, %convert_element_type3A_229, %cond3A_230 : i32
      scf.if %cond3A_231 {
        %add3A_232 = arith.constant 2 : i32
        %add3A_233 = arith.addi %add3A_175, %add3A_232 : i32
        %mul3A_234 = arith.constant 2000 : i32
        %mul3A_235 = arith.muli %arg0, %mul3A_234 : i32
        %mul3A_236 = arith.constant 16 : i32
        %mul3A_237 = arith.muli %add3A_233, %mul3A_236 : i32
        %add3A_238 = arith.addi %mul3A_235, %mul3A_237 : i32
        %add3A_239 = arith.addi %add3A_238, %arg1 : i32
        %mul3A_240 = arith.constant 80 : i32
        %mul3A_241 = arith.muli %add3A_239, %mul3A_240 : i32
        %dma_start3A_242 = tpu.memref_slice %arg4[%mul3A_241] : memref<320000xi32, #tpu.memory_space<hbm>> -> memref<80xi32, #tpu.memory_space<hbm>>
        %dma_start3A_243 = tpu.memref_slice %arg4[%mul3A_241] : memref<320000xi32, #tpu.memory_space<hbm>> -> memref<80xi32, #tpu.memory_space<hbm>>
        tpu.enqueue_dma source(%dma_start3A_243 : memref<80xi32, #tpu.memory_space<hbm>>) target(%arg8 : memref<80xi32, #tpu.memory_space<vmem>>) target_semaphore(%arg16 : memref<!tpu.dma_semaphore, #tpu.memory_space<semaphore_mem>>)
        %dma_start3A_244 = tpu.memref_slice %arg5[%mul3A_241] : memref<320000xi32, #tpu.memory_space<hbm>> -> memref<80xi32, #tpu.memory_space<hbm>>
        %dma_start3A_245 = tpu.memref_slice %arg5[%mul3A_241] : memref<320000xi32, #tpu.memory_space<hbm>> -> memref<80xi32, #tpu.memory_space<hbm>>
        tpu.enqueue_dma source(%dma_start3A_245 : memref<80xi32, #tpu.memory_space<hbm>>) target(%arg10 : memref<80xi32, #tpu.memory_space<vmem>>) target_semaphore(%arg16 : memref<!tpu.dma_semaphore, #tpu.memory_space<semaphore_mem>>)
      } else {
      }
    }
    %scan3A_72 = arith.constant 62 : i32
    %dma_wait3A_73 = arith.constant 0 : i32
    %dma_wait3A_74 = arith.constant 0 : i32
    %dma_wait3A_75 = tpu.memref_slice %arg3[%dma_wait3A_73, %dma_wait3A_74] : memref<320000x128xf32, #tpu.memory_space<hbm>> -> memref<80x128xf32, #tpu.memory_space<hbm>>
    %dma_wait3A_76 = arith.constant 0 : i32
    %dma_wait3A_77 = arith.constant 0 : i32
    %dma_wait3A_78 = tpu.memref_slice %arg3[%dma_wait3A_76, %dma_wait3A_77] : memref<320000x128xf32, #tpu.memory_space<hbm>> -> memref<80x128xf32, #tpu.memory_space<hbm>>
    tpu.wait_dma2 semaphore(%arg22 : memref<!tpu.dma_semaphore, #tpu.memory_space<semaphore_mem>>) src(%dma_wait3A_78 : memref<80x128xf32, #tpu.memory_space<hbm>>) dst(%arg14 : memref<80x128xf32, #tpu.memory_space<vmem>>)
    %dma_wait3A_79 = arith.constant 0 : i32
    %dma_wait3A_80 = arith.constant 0 : i32
    %dma_wait3A_81 = tpu.memref_slice %arg2[%dma_wait3A_79, %dma_wait3A_80] : memref<10000x128xf32, #tpu.memory_space<hbm>> -> memref<80x128xf32, #tpu.memory_space<hbm>>
    %dma_wait3A_82 = arith.constant 0 : i32
    %dma_wait3A_83 = arith.constant 0 : i32
    %dma_wait3A_84 = tpu.memref_slice %arg2[%dma_wait3A_82, %dma_wait3A_83] : memref<10000x128xf32, #tpu.memory_space<hbm>> -> memref<80x128xf32, #tpu.memory_space<hbm>>
    tpu.wait_dma2 semaphore(%arg17 : memref<!tpu.dma_semaphore, #tpu.memory_space<semaphore_mem>>) src(%dma_wait3A_84 : memref<80x128xf32, #tpu.memory_space<hbm>>) dst(%arg11 : memref<80x128xf32, #tpu.memory_space<vmem>>)
    %dma_wait3A_85 = arith.constant 0 : i32
    %dma_wait3A_86 = arith.constant 0 : i32
    %dma_wait3A_87 = tpu.memref_slice %arg3[%dma_wait3A_85, %dma_wait3A_86] : memref<320000x128xf32, #tpu.memory_space<hbm>> -> memref<80x128xf32, #tpu.memory_space<hbm>>
    %dma_wait3A_88 = arith.constant 0 : i32
    %dma_wait3A_89 = arith.constant 0 : i32
    %dma_wait3A_90 = tpu.memref_slice %arg3[%dma_wait3A_88, %dma_wait3A_89] : memref<320000x128xf32, #tpu.memory_space<hbm>> -> memref<80x128xf32, #tpu.memory_space<hbm>>
    tpu.wait_dma2 semaphore(%arg19 : memref<!tpu.dma_semaphore, #tpu.memory_space<semaphore_mem>>) src(%dma_wait3A_90 : memref<80x128xf32, #tpu.memory_space<hbm>>) dst(%arg13 : memref<80x128xf32, #tpu.memory_space<vmem>>)
    %scan3A_91 = arith.constant 0 : i32
    %scan3A_92 = arith.constant 0 : i32
    %scan3A_93 = arith.constant 80 : i32
    %scan3A_94 = arith.addi %scan3A_92, %scan3A_93 : i32
    %scan3A_95 = arith.constant 1 : i32
    scf.for %scan3A_103 = %scan3A_92 to %scan3A_94 step %scan3A_95  : i32 {
      %get3A = arith.index_cast %scan3A_103 : i32 to index
      %get3A_104 = arith.constant 0 : index
      %get3A_105 = tpu.vector_load %arg11[%get3A, %get3A_104] {strides = array<i32>} : memref<80x128xf32, #tpu.memory_space<vmem>>, vector<16xf32>,
      %get3A_106 = arith.index_cast %scan3A_103 : i32 to index
      %get3A_107 = arith.constant 0 : index
      %get3A_108 = tpu.vector_load %arg13[%get3A_106, %get3A_107] {strides = array<i32>} : memref<80x128xf32, #tpu.memory_space<vmem>>, vector<16xf32>,
      %add3A_109 = arith.addf %get3A_105, %get3A_108 : vector<16xf32>
      %max3A = arith.constant 0.000000e+00 : f32
      %max3A_110 = vector.broadcast %max3A : f32 to vector<16xf32>
      %max3A_111 = arith.maximumf %add3A_109, %max3A_110 : vector<16xf32>
      %swap3A = arith.index_cast %scan3A_103 : i32 to index
      %swap3A_112 = arith.constant 0 : index
      %swap3A_113 = tpu.vector_load %arg13[%swap3A, %swap3A_112] {strides = array<i32>} : memref<80x128xf32, #tpu.memory_space<vmem>>, vector<16xf32>,
      tpu.vector_store %arg13[%swap3A, %swap3A_112], %max3A_111 {strides = array<i32>} : memref<80x128xf32, #tpu.memory_space<vmem>>, vector<16xf32>,
      %get3A_114 = arith.index_cast %scan3A_103 : i32 to index
      %get3A_115 = arith.constant 16 : index
      %get3A_116 = tpu.vector_load %arg11[%get3A_114, %get3A_115] {strides = array<i32>} : memref<80x128xf32, #tpu.memory_space<vmem>>, vector<16xf32>,
      %get3A_117 = arith.index_cast %scan3A_103 : i32 to index
      %get3A_118 = arith.constant 16 : index
      %get3A_119 = tpu.vector_load %arg13[%get3A_117, %get3A_118] {strides = array<i32>} : memref<80x128xf32, #tpu.memory_space<vmem>>, vector<16xf32>,
      %add3A_120 = arith.addf %get3A_116, %get3A_119 : vector<16xf32>
      %max3A_121 = arith.constant 0.000000e+00 : f32
      %max3A_122 = vector.broadcast %max3A_121 : f32 to vector<16xf32>
      %max3A_123 = arith.maximumf %add3A_120, %max3A_122 : vector<16xf32>
      %swap3A_124 = arith.index_cast %scan3A_103 : i32 to index
      %swap3A_125 = arith.constant 16 : index
      %swap3A_126 = tpu.vector_load %arg13[%swap3A_124, %swap3A_125] {strides = array<i32>} : memref<80x128xf32, #tpu.memory_space<vmem>>, vector<16xf32>,
      tpu.vector_store %arg13[%swap3A_124, %swap3A_125], %max3A_123 {strides = array<i32>} : memref<80x128xf32, #tpu.memory_space<vmem>>, vector<16xf32>,
      %get3A_127 = arith.index_cast %scan3A_103 : i32 to index
      %get3A_128 = arith.constant 32 : index
      %get3A_129 = tpu.vector_load %arg11[%get3A_127, %get3A_128] {strides = array<i32>} : memref<80x128xf32, #tpu.memory_space<vmem>>, vector<16xf32>,
      %get3A_130 = arith.index_cast %scan3A_103 : i32 to index
      %get3A_131 = arith.constant 32 : index
      %get3A_132 = tpu.vector_load %arg13[%get3A_130, %get3A_131] {strides = array<i32>} : memref<80x128xf32, #tpu.memory_space<vmem>>, vector<16xf32>,
      %add3A_133 = arith.addf %get3A_129, %get3A_132 : vector<16xf32>
      %max3A_134 = arith.constant 0.000000e+00 : f32
      %max3A_135 = vector.broadcast %max3A_134 : f32 to vector<16xf32>
      %max3A_136 = arith.maximumf %add3A_133, %max3A_135 : vector<16xf32>
      %swap3A_137 = arith.index_cast %scan3A_103 : i32 to index
      %swap3A_138 = arith.constant 32 : index
      %swap3A_139 = tpu.vector_load %arg13[%swap3A_137, %swap3A_138] {strides = array<i32>} : memref<80x128xf32, #tpu.memory_space<vmem>>, vector<16xf32>,
      tpu.vector_store %arg13[%swap3A_137, %swap3A_138], %max3A_136 {strides = array<i32>} : memref<80x128xf32, #tpu.memory_space<vmem>>, vector<16xf32>,
      %get3A_140 = arith.index_cast %scan3A_103 : i32 to index
      %get3A_141 = arith.constant 48 : index
      %get3A_142 = tpu.vector_load %arg11[%get3A_140, %get3A_141] {strides = array<i32>} : memref<80x128xf32, #tpu.memory_space<vmem>>, vector<16xf32>,
      %get3A_143 = arith.index_cast %scan3A_103 : i32 to index
      %get3A_144 = arith.constant 48 : index
      %get3A_145 = tpu.vector_load %arg13[%get3A_143, %get3A_144] {strides = array<i32>} : memref<80x128xf32, #tpu.memory_space<vmem>>, vector<16xf32>,
      %add3A_146 = arith.addf %get3A_142, %get3A_145 : vector<16xf32>
      %max3A_147 = arith.constant 0.000000e+00 : f32
      %max3A_148 = vector.broadcast %max3A_147 : f32 to vector<16xf32>
      %max3A_149 = arith.maximumf %add3A_146, %max3A_148 : vector<16xf32>
      %swap3A_150 = arith.index_cast %scan3A_103 : i32 to index
      %swap3A_151 = arith.constant 48 : index
      %swap3A_152 = tpu.vector_load %arg13[%swap3A_150, %swap3A_151] {strides = array<i32>} : memref<80x128xf32, #tpu.memory_space<vmem>>, vector<16xf32>,
      tpu.vector_store %arg13[%swap3A_150, %swap3A_151], %max3A_149 {strides = array<i32>} : memref<80x128xf32, #tpu.memory_space<vmem>>, vector<16xf32>,
      %get3A_153 = arith.index_cast %scan3A_103 : i32 to index
      %get3A_154 = arith.constant 64 : index
      %get3A_155 = tpu.vector_load %arg11[%get3A_153, %get3A_154] {strides = array<i32>} : memref<80x128xf32, #tpu.memory_space<vmem>>, vector<16xf32>,
      %get3A_156 = arith.index_cast %scan3A_103 : i32 to index
      %get3A_157 = arith.constant 64 : index
      %get3A_158 = tpu.vector_load %arg13[%get3A_156, %get3A_157] {strides = array<i32>} : memref<80x128xf32, #tpu.memory_space<vmem>>, vector<16xf32>,
      %add3A_159 = arith.addf %get3A_155, %get3A_158 : vector<16xf32>
      %max3A_160 = arith.constant 0.000000e+00 : f32
      %max3A_161 = vector.broadcast %max3A_160 : f32 to vector<16xf32>
      %max3A_162 = arith.maximumf %add3A_159, %max3A_161 : vector<16xf32>
      %swap3A_163 = arith.index_cast %scan3A_103 : i32 to index
      %swap3A_164 = arith.constant 64 : index
      %swap3A_165 = tpu.vector_load %arg13[%swap3A_163, %swap3A_164] {strides = array<i32>} : memref<80x128xf32, #tpu.memory_space<vmem>>, vector<16xf32>,
      tpu.vector_store %arg13[%swap3A_163, %swap3A_164], %max3A_162 {strides = array<i32>} : memref<80x128xf32, #tpu.memory_space<vmem>>, vector<16xf32>,
      %get3A_166 = arith.index_cast %scan3A_103 : i32 to index
      %get3A_167 = arith.constant 80 : index
      %get3A_168 = tpu.vector_load %arg11[%get3A_166, %get3A_167] {strides = array<i32>} : memref<80x128xf32, #tpu.memory_space<vmem>>, vector<16xf32>,
      %get3A_169 = arith.index_cast %scan3A_103 : i32 to index
      %get3A_170 = arith.constant 80 : index
      %get3A_171 = tpu.vector_load %arg13[%get3A_169, %get3A_170] {strides = array<i32>} : memref<80x128xf32, #tpu.memory_space<vmem>>, vector<16xf32>,
      %add3A_172 = arith.addf %get3A_168, %get3A_171 : vector<16xf32>
      %max3A_173 = arith.constant 0.000000e+00 : f32
      %max3A_174 = vector.broadcast %max3A_173 : f32 to vector<16xf32>
      %max3A_175 = arith.maximumf %add3A_172, %max3A_174 : vector<16xf32>
      %swap3A_176 = arith.index_cast %scan3A_103 : i32 to index
      %swap3A_177 = arith.constant 80 : index
      %swap3A_178 = tpu.vector_load %arg13[%swap3A_176, %swap3A_177] {strides = array<i32>} : memref<80x128xf32, #tpu.memory_space<vmem>>, vector<16xf32>,
      tpu.vector_store %arg13[%swap3A_176, %swap3A_177], %max3A_175 {strides = array<i32>} : memref<80x128xf32, #tpu.memory_space<vmem>>, vector<16xf32>,
      %get3A_179 = arith.index_cast %scan3A_103 : i32 to index
      %get3A_180 = arith.constant 96 : index
      %get3A_181 = tpu.vector_load %arg11[%get3A_179, %get3A_180] {strides = array<i32>} : memref<80x128xf32, #tpu.memory_space<vmem>>, vector<16xf32>,
      %get3A_182 = arith.index_cast %scan3A_103 : i32 to index
      %get3A_183 = arith.constant 96 : index
      %get3A_184 = tpu.vector_load %arg13[%get3A_182, %get3A_183] {strides = array<i32>} : memref<80x128xf32, #tpu.memory_space<vmem>>, vector<16xf32>,
      %add3A_185 = arith.addf %get3A_181, %get3A_184 : vector<16xf32>
      %max3A_186 = arith.constant 0.000000e+00 : f32
      %max3A_187 = vector.broadcast %max3A_186 : f32 to vector<16xf32>
      %max3A_188 = arith.maximumf %add3A_185, %max3A_187 : vector<16xf32>
      %swap3A_189 = arith.index_cast %scan3A_103 : i32 to index
      %swap3A_190 = arith.constant 96 : index
      %swap3A_191 = tpu.vector_load %arg13[%swap3A_189, %swap3A_190] {strides = array<i32>} : memref<80x128xf32, #tpu.memory_space<vmem>>, vector<16xf32>,
      tpu.vector_store %arg13[%swap3A_189, %swap3A_190], %max3A_188 {strides = array<i32>} : memref<80x128xf32, #tpu.memory_space<vmem>>, vector<16xf32>,
      %get3A_192 = arith.index_cast %scan3A_103 : i32 to index
      %get3A_193 = arith.constant 112 : index
      %get3A_194 = tpu.vector_load %arg11[%get3A_192, %get3A_193] {strides = array<i32>} : memref<80x128xf32, #tpu.memory_space<vmem>>, vector<16xf32>,
      %get3A_195 = arith.index_cast %scan3A_103 : i32 to index
      %get3A_196 = arith.constant 112 : index
      %get3A_197 = tpu.vector_load %arg13[%get3A_195, %get3A_196] {strides = array<i32>} : memref<80x128xf32, #tpu.memory_space<vmem>>, vector<16xf32>,
      %add3A_198 = arith.addf %get3A_194, %get3A_197 : vector<16xf32>
      %max3A_199 = arith.constant 0.000000e+00 : f32
      %max3A_200 = vector.broadcast %max3A_199 : f32 to vector<16xf32>
      %max3A_201 = arith.maximumf %add3A_198, %max3A_200 : vector<16xf32>
      %swap3A_202 = arith.index_cast %scan3A_103 : i32 to index
      %swap3A_203 = arith.constant 112 : index
      %swap3A_204 = tpu.vector_load %arg13[%swap3A_202, %swap3A_203] {strides = array<i32>} : memref<80x128xf32, #tpu.memory_space<vmem>>, vector<16xf32>,
      tpu.vector_store %arg13[%swap3A_202, %swap3A_203], %max3A_201 {strides = array<i32>} : memref<80x128xf32, #tpu.memory_space<vmem>>, vector<16xf32>,
    }
    %scan3A_96 = arith.constant 80 : i32
    "tpu.region"() ({
      %run_scoped3A = tpu.sem_alloc : memref<!tpu.dma_semaphore, #tpu.memory_space<semaphore_mem>>
      %dma_start3A_103 = arith.constant 0 : i32
      %dma_start3A_104 = arith.constant 0 : i32
      %dma_start3A_105 = tpu.memref_slice %arg23[%dma_start3A_103, %dma_start3A_104] : memref<10000x128xf32, #tpu.memory_space<vmem_shared>> -> memref<10000x128xf32, #tpu.memory_space<vmem_shared>>
      tpu.enqueue_indirect_dma source(%arg13 : memref<80x128xf32, #tpu.memory_space<vmem>>) target(%dma_start3A_105 : memref<10000x128xf32, #tpu.memory_space<vmem_shared>>) offsets(%arg9 : memref<80xi32, #tpu.memory_space<vmem>>) semaphore(%run_scoped3A : memref<!tpu.dma_semaphore, #tpu.memory_space<semaphore_mem>>) {add = true}
      %dma_wait3A_106 = arith.constant 0 : i32
      %dma_wait3A_107 = arith.constant 0 : i32
      %dma_wait3A_108 = tpu.memref_slice %arg23[%dma_wait3A_106, %dma_wait3A_107] : memref<10000x128xf32, #tpu.memory_space<vmem_shared>> -> memref<10000x128xf32, #tpu.memory_space<vmem_shared>>
      tpu.wait_indirect_dma semaphore(%run_scoped3A : memref<!tpu.dma_semaphore, #tpu.memory_space<semaphore_mem>>) src(%arg13 : memref<80x128xf32, #tpu.memory_space<vmem>>) dst(%dma_wait3A_108 : memref<10000x128xf32, #tpu.memory_space<vmem_shared>>)
      tpu.yield
    }) : () -> ()
    %barrier3A_97 = arith.constant 0 : index
    tpu.barrier barrier_id(%barrier3A_97)
    "tpu.region"() ({
      %run_scoped3A = tpu.sem_alloc : memref<!tpu.dma_semaphore, #tpu.memory_space<semaphore_mem>>
      %dma_start3A_103 = arith.constant 0 : i32
      %dma_start3A_104 = tpu.memref_slice %arg6[%arg0, %mul3A_6, %dma_start3A_103] : memref<2x10000x128xf32, #tpu.memory_space<hbm>> -> memref<1x624x128xf32, #tpu.memory_space<hbm>>
      %dma_start3A_105 = tpu.memref_squeeze %dma_start3A_104 : memref<1x624x128xf32, #tpu.memory_space<hbm>> -> memref<624x128xf32, #tpu.memory_space<hbm>>
      %dma_start3A_106 = arith.constant 0 : i32
      %dma_start3A_107 = tpu.memref_slice %arg23[%mul3A_6, %dma_start3A_106] : memref<10000x128xf32, #tpu.memory_space<vmem_shared>> -> memref<624x128xf32, #tpu.memory_space<vmem_shared>>
      tpu.enqueue_dma source(%dma_start3A_107 : memref<624x128xf32, #tpu.memory_space<vmem_shared>>) target(%dma_start3A_105 : memref<624x128xf32, #tpu.memory_space<hbm>>) target_semaphore(%run_scoped3A : memref<!tpu.dma_semaphore, #tpu.memory_space<semaphore_mem>>)
      %dma_wait3A_108 = arith.constant 0 : i32
      %dma_wait3A_109 = tpu.memref_slice %arg6[%arg0, %mul3A_6, %dma_wait3A_108] : memref<2x10000x128xf32, #tpu.memory_space<hbm>> -> memref<1x624x128xf32, #tpu.memory_space<hbm>>
      %dma_wait3A_110 = tpu.memref_squeeze %dma_wait3A_109 : memref<1x624x128xf32, #tpu.memory_space<hbm>> -> memref<624x128xf32, #tpu.memory_space<hbm>>
      %dma_wait3A_111 = arith.constant 0 : i32
      %dma_wait3A_112 = tpu.memref_slice %arg23[%mul3A_6, %dma_wait3A_111] : memref<10000x128xf32, #tpu.memory_space<vmem_shared>> -> memref<624x128xf32, #tpu.memory_space<vmem_shared>>
      tpu.wait_dma2 semaphore(%run_scoped3A : memref<!tpu.dma_semaphore, #tpu.memory_space<semaphore_mem>>) src(%dma_wait3A_112 : memref<624x128xf32, #tpu.memory_space<vmem_shared>>) dst(%dma_wait3A_110 : memref<624x128xf32, #tpu.memory_space<hbm>>)
      tpu.yield
    }) : () -> ()
    %eq3A_98 = arith.constant 15 : i32
    %eq3A_99 = arith.cmpi eq, %arg1, %eq3A_98 : i32
    %convert_element_type3A_100 = arith.extui %eq3A_99 : i1 to i32
    %cond3A_101 = arith.constant 0 : i32
    %cond3A_102 = arith.cmpi ne, %convert_element_type3A_100, %cond3A_101 : i32
    scf.if %cond3A_102 {
      "tpu.region"() ({
        %run_scoped3A = tpu.sem_alloc : memref<!tpu.dma_semaphore, #tpu.memory_space<semaphore_mem>>
        %dma_start3A_103 = arith.constant 9984 : i32
        %dma_start3A_104 = arith.constant 0 : i32
        %dma_start3A_105 = tpu.memref_slice %arg6[%arg0, %dma_start3A_103, %dma_start3A_104] : memref<2x10000x128xf32, #tpu.memory_space<hbm>> -> memref<1x16x128xf32, #tpu.memory_space<hbm>>
        %dma_start3A_106 = tpu.memref_squeeze %dma_start3A_105 : memref<1x16x128xf32, #tpu.memory_space<hbm>> -> memref<16x128xf32, #tpu.memory_space<hbm>>
        %dma_start3A_107 = arith.constant 9984 : i32
        %dma_start3A_108 = arith.constant 0 : i32
        %dma_start3A_109 = tpu.memref_slice %arg23[%dma_start3A_107, %dma_start3A_108] : memref<10000x128xf32, #tpu.memory_space<vmem_shared>> -> memref<16x128xf32, #tpu.memory_space<vmem_shared>>
        tpu.enqueue_dma source(%dma_start3A_109 : memref<16x128xf32, #tpu.memory_space<vmem_shared>>) target(%dma_start3A_106 : memref<16x128xf32, #tpu.memory_space<hbm>>) target_semaphore(%run_scoped3A : memref<!tpu.dma_semaphore, #tpu.memory_space<semaphore_mem>>)
        %dma_wait3A_110 = arith.constant 9984 : i32
        %dma_wait3A_111 = arith.constant 0 : i32
        %dma_wait3A_112 = tpu.memref_slice %arg6[%arg0, %dma_wait3A_110, %dma_wait3A_111] : memref<2x10000x128xf32, #tpu.memory_space<hbm>> -> memref<1x16x128xf32, #tpu.memory_space<hbm>>
        %dma_wait3A_113 = tpu.memref_squeeze %dma_wait3A_112 : memref<1x16x128xf32, #tpu.memory_space<hbm>> -> memref<16x128xf32, #tpu.memory_space<hbm>>
        %dma_wait3A_114 = arith.constant 9984 : i32
        %dma_wait3A_115 = arith.constant 0 : i32
        %dma_wait3A_116 = tpu.memref_slice %arg23[%dma_wait3A_114, %dma_wait3A_115] : memref<10000x128xf32, #tpu.memory_space<vmem_shared>> -> memref<16x128xf32, #tpu.memory_space<vmem_shared>>
        tpu.wait_dma2 semaphore(%run_scoped3A : memref<!tpu.dma_semaphore, #tpu.memory_space<semaphore_mem>>) src(%dma_wait3A_116 : memref<16x128xf32, #tpu.memory_space<vmem_shared>>) dst(%dma_wait3A_113 : memref<16x128xf32, #tpu.memory_space<hbm>>)
        tpu.yield
      }) : () -> ()
    } else {
    }
    return
  }
}

#map = affine_map<(d0, d1) -> (0, 0)>
#map1 = affine_map<(d0, d1) -> (0)>
#map2 = affine_map<(d0, d1) -> (0, 0, 0)>
module attributes {stable_mosaic.version = 14 : i64} {
  func.func @_sc_aggregate(%arg0: i32, %arg1: i32, %arg2: memref<10000x128xf32, #tpu.memory_space<hbm>>, %arg3: memref<320000x128xf32, #tpu.memory_space<hbm>>, %arg4: memref<320000xi32, #tpu.memory_space<hbm>>, %arg5: memref<320000xi32, #tpu.memory_space<hbm>>, %arg6: memref<2x10000x128xf32, #tpu.memory_space<hbm>>, %arg7: memref<80xi32, #tpu.memory_space<vmem>>, %arg8: memref<80xi32, #tpu.memory_space<vmem>>, %arg9: memref<80xi32, #tpu.memory_space<vmem>>, %arg10: memref<80xi32, #tpu.memory_space<vmem>>, %arg11: memref<80x128xf32, #tpu.memory_space<vmem>>, %arg12: memref<80x128xf32, #tpu.memory_space<vmem>>, %arg13: memref<80x128xf32, #tpu.memory_space<vmem>>, %arg14: memref<80x128xf32, #tpu.memory_space<vmem>>, %arg15: memref<!tpu.dma_semaphore, #tpu.memory_space<semaphore_mem>>, %arg16: memref<!tpu.dma_semaphore, #tpu.memory_space<semaphore_mem>>, %arg17: memref<!tpu.dma_semaphore, #tpu.memory_space<semaphore_mem>>, %arg18: memref<!tpu.dma_semaphore, #tpu.memory_space<semaphore_mem>>, %arg19: memref<!tpu.dma_semaphore, #tpu.memory_space<semaphore_mem>>, %arg20: memref<!tpu.dma_semaphore, #tpu.memory_space<semaphore_mem>>, %arg21: memref<!tpu.dma_semaphore, #tpu.memory_space<semaphore_mem>>, %arg22: memref<!tpu.dma_semaphore, #tpu.memory_space<semaphore_mem>>, %arg23: memref<10000x128xf32, #tpu.memory_space<vmem_shared>>) attributes {dimension_semantics = [#tpu.dimension_semantics<core_parallel>, #tpu.dimension_semantics<subcore_parallel>], iteration_bounds = array<i64: 2, 16>, scalar_prefetch = 0 : i64, scratch_operands = 17 : i64, tpu.core_type = #tpu.core_type<sc_vector_subcore>, window_params = [{transform_indices = #map}, {transform_indices = #map}, {transform_indices = #map1}, {transform_indices = #map1}, {transform_indices = #map2}]} {
    %broadcast_in_dim3A = arith.constant 0.000000e+00 : f32
    %broadcast_in_dim3A_0 = vector.broadcast %broadcast_in_dim3A : f32 to vector<16xf32>
    %scan3A = arith.constant 0 : i32
    %scan3A_1 = arith.constant 0 : i32
    %scan3A_2 = arith.constant 80 : i32
    %scan3A_3 = arith.addi %scan3A_1, %scan3A_2 : i32
    %scan3A_4 = arith.constant 1 : i32
    scf.for %scan3A_103 = %scan3A_1 to %scan3A_3 step %scan3A_4  : i32 {
      %swap3A = arith.index_cast %scan3A_103 : i32 to index
      %swap3A_104 = arith.constant 0 : index
      %swap3A_105 = tpu.vector_load %arg11[%swap3A, %swap3A_104] {strides = array<i32>} : memref<80x128xf32, #tpu.memory_space<vmem>>, vector<16xf32>,
      tpu.vector_store %arg11[%swap3A, %swap3A_104], %broadcast_in_dim3A_0 {strides = array<i32>} : memref<80x128xf32, #tpu.memory_space<vmem>>, vector<16xf32>,
      %swap3A_106 = arith.index_cast %scan3A_103 : i32 to index
      %swap3A_107 = arith.constant 16 : index
      %swap3A_108 = tpu.vector_load %arg11[%swap3A_106, %swap3A_107] {strides = array<i32>} : memref<80x128xf32, #tpu.memory_space<vmem>>, vector<16xf32>,
      tpu.vector_store %arg11[%swap3A_106, %swap3A_107], %broadcast_in_dim3A_0 {strides = array<i32>} : memref<80x128xf32, #tpu.memory_space<vmem>>, vector<16xf32>,
      %swap3A_109 = arith.index_cast %scan3A_103 : i32 to index
      %swap3A_110 = arith.constant 32 : index
      %swap3A_111 = tpu.vector_load %arg11[%swap3A_109, %swap3A_110] {strides = array<i32>} : memref<80x128xf32, #tpu.memory_space<vmem>>, vector<16xf32>,
      tpu.vector_store %arg11[%swap3A_109, %swap3A_110], %broadcast_in_dim3A_0 {strides = array<i32>} : memref<80x128xf32, #tpu.memory_space<vmem>>, vector<16xf32>,
      %swap3A_112 = arith.index_cast %scan3A_103 : i32 to index
      %swap3A_113 = arith.constant 48 : index
      %swap3A_114 = tpu.vector_load %arg11[%swap3A_112, %swap3A_113] {strides = array<i32>} : memref<80x128xf32, #tpu.memory_space<vmem>>, vector<16xf32>,
      tpu.vector_store %arg11[%swap3A_112, %swap3A_113], %broadcast_in_dim3A_0 {strides = array<i32>} : memref<80x128xf32, #tpu.memory_space<vmem>>, vector<16xf32>,
      %swap3A_115 = arith.index_cast %scan3A_103 : i32 to index
      %swap3A_116 = arith.constant 64 : index
      %swap3A_117 = tpu.vector_load %arg11[%swap3A_115, %swap3A_116] {strides = array<i32>} : memref<80x128xf32, #tpu.memory_space<vmem>>, vector<16xf32>,
      tpu.vector_store %arg11[%swap3A_115, %swap3A_116], %broadcast_in_dim3A_0 {strides = array<i32>} : memref<80x128xf32, #tpu.memory_space<vmem>>, vector<16xf32>,
      %swap3A_118 = arith.index_cast %scan3A_103 : i32 to index
      %swap3A_119 = arith.constant 80 : index
      %swap3A_120 = tpu.vector_load %arg11[%swap3A_118, %swap3A_119] {strides = array<i32>} : memref<80x128xf32, #tpu.memory_space<vmem>>, vector<16xf32>,
      tpu.vector_store %arg11[%swap3A_118, %swap3A_119], %broadcast_in_dim3A_0 {strides = array<i32>} : memref<80x128xf32, #tpu.memory_space<vmem>>, vector<16xf32>,
      %swap3A_121 = arith.index_cast %scan3A_103 : i32 to index
      %swap3A_122 = arith.constant 96 : index
      %swap3A_123 = tpu.vector_load %arg11[%swap3A_121, %swap3A_122] {strides = array<i32>} : memref<80x128xf32, #tpu.memory_space<vmem>>, vector<16xf32>,
      tpu.vector_store %arg11[%swap3A_121, %swap3A_122], %broadcast_in_dim3A_0 {strides = array<i32>} : memref<80x128xf32, #tpu.memory_space<vmem>>, vector<16xf32>,
      %swap3A_124 = arith.index_cast %scan3A_103 : i32 to index
      %swap3A_125 = arith.constant 112 : index
      %swap3A_126 = tpu.vector_load %arg11[%swap3A_124, %swap3A_125] {strides = array<i32>} : memref<80x128xf32, #tpu.memory_space<vmem>>, vector<16xf32>,
      tpu.vector_store %arg11[%swap3A_124, %swap3A_125], %broadcast_in_dim3A_0 {strides = array<i32>} : memref<80x128xf32, #tpu.memory_space<vmem>>, vector<16xf32>,
    }
    %scan3A_5 = arith.constant 80 : i32
    %mul3A = arith.constant 624 : i32
    %mul3A_6 = arith.muli %arg1, %mul3A : i32
    %add3A = arith.constant 0 : i32
    %add3A_7 = arith.addi %mul3A_6, %add3A : i32
    "tpu.region"() ({
      %run_scoped3A = tpu.sem_alloc : memref<!tpu.dma_semaphore, #tpu.memory_space<semaphore_mem>>
      %dma_start3A_103 = arith.constant 0 : i32
      %dma_start3A_104 = tpu.memref_slice %arg23[%add3A_7, %dma_start3A_103] : memref<10000x128xf32, #tpu.memory_space<vmem_shared>> -> memref<80x128xf32, #tpu.memory_space<vmem_shared>>
      %dma_start3A_105 = arith.constant 0 : i32
      %dma_start3A_106 = tpu.memref_slice %arg23[%add3A_7, %dma_start3A_105] : memref<10000x128xf32, #tpu.memory_space<vmem_shared>> -> memref<80x128xf32, #tpu.memory_space<vmem_shared>>
      tpu.enqueue_dma source(%arg11 : memref<80x128xf32, #tpu.memory_space<vmem>>) target(%dma_start3A_106 : memref<80x128xf32, #tpu.memory_space<vmem_shared>>) target_semaphore(%run_scoped3A : memref<!tpu.dma_semaphore, #tpu.memory_space<semaphore_mem>>)
      %dma_wait3A_107 = arith.constant 0 : i32
      %dma_wait3A_108 = tpu.memref_slice %arg23[%add3A_7, %dma_wait3A_107] : memref<10000x128xf32, #tpu.memory_space<vmem_shared>> -> memref<80x128xf32, #tpu.memory_space<vmem_shared>>
      %dma_wait3A_109 = arith.constant 0 : i32
      %dma_wait3A_110 = tpu.memref_slice %arg23[%add3A_7, %dma_wait3A_109] : memref<10000x128xf32, #tpu.memory_space<vmem_shared>> -> memref<80x128xf32, #tpu.memory_space<vmem_shared>>
      tpu.wait_dma2 semaphore(%run_scoped3A : memref<!tpu.dma_semaphore, #tpu.memory_space<semaphore_mem>>) src(%arg11 : memref<80x128xf32, #tpu.memory_space<vmem>>) dst(%dma_wait3A_110 : memref<80x128xf32, #tpu.memory_space<vmem_shared>>)
      tpu.yield
    }) : () -> ()
    %add3A_8 = arith.constant 80 : i32
    %add3A_9 = arith.addi %mul3A_6, %add3A_8 : i32
    "tpu.region"() ({
      %run_scoped3A = tpu.sem_alloc : memref<!tpu.dma_semaphore, #tpu.memory_space<semaphore_mem>>
      %dma_start3A_103 = arith.constant 0 : i32
      %dma_start3A_104 = tpu.memref_slice %arg23[%add3A_9, %dma_start3A_103] : memref<10000x128xf32, #tpu.memory_space<vmem_shared>> -> memref<80x128xf32, #tpu.memory_space<vmem_shared>>
      %dma_start3A_105 = arith.constant 0 : i32
      %dma_start3A_106 = tpu.memref_slice %arg23[%add3A_9, %dma_start3A_105] : memref<10000x128xf32, #tpu.memory_space<vmem_shared>> -> memref<80x128xf32, #tpu.memory_space<vmem_shared>>
      tpu.enqueue_dma source(%arg11 : memref<80x128xf32, #tpu.memory_space<vmem>>) target(%dma_start3A_106 : memref<80x128xf32, #tpu.memory_space<vmem_shared>>) target_semaphore(%run_scoped3A : memref<!tpu.dma_semaphore, #tpu.memory_space<semaphore_mem>>)
      %dma_wait3A_107 = arith.constant 0 : i32
      %dma_wait3A_108 = tpu.memref_slice %arg23[%add3A_9, %dma_wait3A_107] : memref<10000x128xf32, #tpu.memory_space<vmem_shared>> -> memref<80x128xf32, #tpu.memory_space<vmem_shared>>
      %dma_wait3A_109 = arith.constant 0 : i32
      %dma_wait3A_110 = tpu.memref_slice %arg23[%add3A_9, %dma_wait3A_109] : memref<10000x128xf32, #tpu.memory_space<vmem_shared>> -> memref<80x128xf32, #tpu.memory_space<vmem_shared>>
      tpu.wait_dma2 semaphore(%run_scoped3A : memref<!tpu.dma_semaphore, #tpu.memory_space<semaphore_mem>>) src(%arg11 : memref<80x128xf32, #tpu.memory_space<vmem>>) dst(%dma_wait3A_110 : memref<80x128xf32, #tpu.memory_space<vmem_shared>>)
      tpu.yield
    }) : () -> ()
    %add3A_10 = arith.constant 160 : i32
    %add3A_11 = arith.addi %mul3A_6, %add3A_10 : i32
    "tpu.region"() ({
      %run_scoped3A = tpu.sem_alloc : memref<!tpu.dma_semaphore, #tpu.memory_space<semaphore_mem>>
      %dma_start3A_103 = arith.constant 0 : i32
      %dma_start3A_104 = tpu.memref_slice %arg23[%add3A_11, %dma_start3A_103] : memref<10000x128xf32, #tpu.memory_space<vmem_shared>> -> memref<80x128xf32, #tpu.memory_space<vmem_shared>>
      %dma_start3A_105 = arith.constant 0 : i32
      %dma_start3A_106 = tpu.memref_slice %arg23[%add3A_11, %dma_start3A_105] : memref<10000x128xf32, #tpu.memory_space<vmem_shared>> -> memref<80x128xf32, #tpu.memory_space<vmem_shared>>
      tpu.enqueue_dma source(%arg11 : memref<80x128xf32, #tpu.memory_space<vmem>>) target(%dma_start3A_106 : memref<80x128xf32, #tpu.memory_space<vmem_shared>>) target_semaphore(%run_scoped3A : memref<!tpu.dma_semaphore, #tpu.memory_space<semaphore_mem>>)
      %dma_wait3A_107 = arith.constant 0 : i32
      %dma_wait3A_108 = tpu.memref_slice %arg23[%add3A_11, %dma_wait3A_107] : memref<10000x128xf32, #tpu.memory_space<vmem_shared>> -> memref<80x128xf32, #tpu.memory_space<vmem_shared>>
      %dma_wait3A_109 = arith.constant 0 : i32
      %dma_wait3A_110 = tpu.memref_slice %arg23[%add3A_11, %dma_wait3A_109] : memref<10000x128xf32, #tpu.memory_space<vmem_shared>> -> memref<80x128xf32, #tpu.memory_space<vmem_shared>>
      tpu.wait_dma2 semaphore(%run_scoped3A : memref<!tpu.dma_semaphore, #tpu.memory_space<semaphore_mem>>) src(%arg11 : memref<80x128xf32, #tpu.memory_space<vmem>>) dst(%dma_wait3A_110 : memref<80x128xf32, #tpu.memory_space<vmem_shared>>)
      tpu.yield
    }) : () -> ()
    %add3A_12 = arith.constant 240 : i32
    %add3A_13 = arith.addi %mul3A_6, %add3A_12 : i32
    "tpu.region"() ({
      %run_scoped3A = tpu.sem_alloc : memref<!tpu.dma_semaphore, #tpu.memory_space<semaphore_mem>>
      %dma_start3A_103 = arith.constant 0 : i32
      %dma_start3A_104 = tpu.memref_slice %arg23[%add3A_13, %dma_start3A_103] : memref<10000x128xf32, #tpu.memory_space<vmem_shared>> -> memref<80x128xf32, #tpu.memory_space<vmem_shared>>
      %dma_start3A_105 = arith.constant 0 : i32
      %dma_start3A_106 = tpu.memref_slice %arg23[%add3A_13, %dma_start3A_105] : memref<10000x128xf32, #tpu.memory_space<vmem_shared>> -> memref<80x128xf32, #tpu.memory_space<vmem_shared>>
      tpu.enqueue_dma source(%arg11 : memref<80x128xf32, #tpu.memory_space<vmem>>) target(%dma_start3A_106 : memref<80x128xf32, #tpu.memory_space<vmem_shared>>) target_semaphore(%run_scoped3A : memref<!tpu.dma_semaphore, #tpu.memory_space<semaphore_mem>>)
      %dma_wait3A_107 = arith.constant 0 : i32
      %dma_wait3A_108 = tpu.memref_slice %arg23[%add3A_13, %dma_wait3A_107] : memref<10000x128xf32, #tpu.memory_space<vmem_shared>> -> memref<80x128xf32, #tpu.memory_space<vmem_shared>>
      %dma_wait3A_109 = arith.constant 0 : i32
      %dma_wait3A_110 = tpu.memref_slice %arg23[%add3A_13, %dma_wait3A_109] : memref<10000x128xf32, #tpu.memory_space<vmem_shared>> -> memref<80x128xf32, #tpu.memory_space<vmem_shared>>
      tpu.wait_dma2 semaphore(%run_scoped3A : memref<!tpu.dma_semaphore, #tpu.memory_space<semaphore_mem>>) src(%arg11 : memref<80x128xf32, #tpu.memory_space<vmem>>) dst(%dma_wait3A_110 : memref<80x128xf32, #tpu.memory_space<vmem_shared>>)
      tpu.yield
    }) : () -> ()
    %add3A_14 = arith.constant 320 : i32
    %add3A_15 = arith.addi %mul3A_6, %add3A_14 : i32
    "tpu.region"() ({
      %run_scoped3A = tpu.sem_alloc : memref<!tpu.dma_semaphore, #tpu.memory_space<semaphore_mem>>
      %dma_start3A_103 = arith.constant 0 : i32
      %dma_start3A_104 = tpu.memref_slice %arg23[%add3A_15, %dma_start3A_103] : memref<10000x128xf32, #tpu.memory_space<vmem_shared>> -> memref<80x128xf32, #tpu.memory_space<vmem_shared>>
      %dma_start3A_105 = arith.constant 0 : i32
      %dma_start3A_106 = tpu.memref_slice %arg23[%add3A_15, %dma_start3A_105] : memref<10000x128xf32, #tpu.memory_space<vmem_shared>> -> memref<80x128xf32, #tpu.memory_space<vmem_shared>>
      tpu.enqueue_dma source(%arg11 : memref<80x128xf32, #tpu.memory_space<vmem>>) target(%dma_start3A_106 : memref<80x128xf32, #tpu.memory_space<vmem_shared>>) target_semaphore(%run_scoped3A : memref<!tpu.dma_semaphore, #tpu.memory_space<semaphore_mem>>)
      %dma_wait3A_107 = arith.constant 0 : i32
      %dma_wait3A_108 = tpu.memref_slice %arg23[%add3A_15, %dma_wait3A_107] : memref<10000x128xf32, #tpu.memory_space<vmem_shared>> -> memref<80x128xf32, #tpu.memory_space<vmem_shared>>
      %dma_wait3A_109 = arith.constant 0 : i32
      %dma_wait3A_110 = tpu.memref_slice %arg23[%add3A_15, %dma_wait3A_109] : memref<10000x128xf32, #tpu.memory_space<vmem_shared>> -> memref<80x128xf32, #tpu.memory_space<vmem_shared>>
      tpu.wait_dma2 semaphore(%run_scoped3A : memref<!tpu.dma_semaphore, #tpu.memory_space<semaphore_mem>>) src(%arg11 : memref<80x128xf32, #tpu.memory_space<vmem>>) dst(%dma_wait3A_110 : memref<80x128xf32, #tpu.memory_space<vmem_shared>>)
      tpu.yield
    }) : () -> ()
    %add3A_16 = arith.constant 400 : i32
    %add3A_17 = arith.addi %mul3A_6, %add3A_16 : i32
    "tpu.region"() ({
      %run_scoped3A = tpu.sem_alloc : memref<!tpu.dma_semaphore, #tpu.memory_space<semaphore_mem>>
      %dma_start3A_103 = arith.constant 0 : i32
      %dma_start3A_104 = tpu.memref_slice %arg23[%add3A_17, %dma_start3A_103] : memref<10000x128xf32, #tpu.memory_space<vmem_shared>> -> memref<80x128xf32, #tpu.memory_space<vmem_shared>>
      %dma_start3A_105 = arith.constant 0 : i32
      %dma_start3A_106 = tpu.memref_slice %arg23[%add3A_17, %dma_start3A_105] : memref<10000x128xf32, #tpu.memory_space<vmem_shared>> -> memref<80x128xf32, #tpu.memory_space<vmem_shared>>
      tpu.enqueue_dma source(%arg11 : memref<80x128xf32, #tpu.memory_space<vmem>>) target(%dma_start3A_106 : memref<80x128xf32, #tpu.memory_space<vmem_shared>>) target_semaphore(%run_scoped3A : memref<!tpu.dma_semaphore, #tpu.memory_space<semaphore_mem>>)
      %dma_wait3A_107 = arith.constant 0 : i32
      %dma_wait3A_108 = tpu.memref_slice %arg23[%add3A_17, %dma_wait3A_107] : memref<10000x128xf32, #tpu.memory_space<vmem_shared>> -> memref<80x128xf32, #tpu.memory_space<vmem_shared>>
      %dma_wait3A_109 = arith.constant 0 : i32
      %dma_wait3A_110 = tpu.memref_slice %arg23[%add3A_17, %dma_wait3A_109] : memref<10000x128xf32, #tpu.memory_space<vmem_shared>> -> memref<80x128xf32, #tpu.memory_space<vmem_shared>>
      tpu.wait_dma2 semaphore(%run_scoped3A : memref<!tpu.dma_semaphore, #tpu.memory_space<semaphore_mem>>) src(%arg11 : memref<80x128xf32, #tpu.memory_space<vmem>>) dst(%dma_wait3A_110 : memref<80x128xf32, #tpu.memory_space<vmem_shared>>)
      tpu.yield
    }) : () -> ()
    %add3A_18 = arith.constant 480 : i32
    %add3A_19 = arith.addi %mul3A_6, %add3A_18 : i32
    "tpu.region"() ({
      %run_scoped3A = tpu.sem_alloc : memref<!tpu.dma_semaphore, #tpu.memory_space<semaphore_mem>>
      %dma_start3A_103 = arith.constant 0 : i32
      %dma_start3A_104 = tpu.memref_slice %arg23[%add3A_19, %dma_start3A_103] : memref<10000x128xf32, #tpu.memory_space<vmem_shared>> -> memref<80x128xf32, #tpu.memory_space<vmem_shared>>
      %dma_start3A_105 = arith.constant 0 : i32
      %dma_start3A_106 = tpu.memref_slice %arg23[%add3A_19, %dma_start3A_105] : memref<10000x128xf32, #tpu.memory_space<vmem_shared>> -> memref<80x128xf32, #tpu.memory_space<vmem_shared>>
      tpu.enqueue_dma source(%arg11 : memref<80x128xf32, #tpu.memory_space<vmem>>) target(%dma_start3A_106 : memref<80x128xf32, #tpu.memory_space<vmem_shared>>) target_semaphore(%run_scoped3A : memref<!tpu.dma_semaphore, #tpu.memory_space<semaphore_mem>>)
      %dma_wait3A_107 = arith.constant 0 : i32
      %dma_wait3A_108 = tpu.memref_slice %arg23[%add3A_19, %dma_wait3A_107] : memref<10000x128xf32, #tpu.memory_space<vmem_shared>> -> memref<80x128xf32, #tpu.memory_space<vmem_shared>>
      %dma_wait3A_109 = arith.constant 0 : i32
      %dma_wait3A_110 = tpu.memref_slice %arg23[%add3A_19, %dma_wait3A_109] : memref<10000x128xf32, #tpu.memory_space<vmem_shared>> -> memref<80x128xf32, #tpu.memory_space<vmem_shared>>
      tpu.wait_dma2 semaphore(%run_scoped3A : memref<!tpu.dma_semaphore, #tpu.memory_space<semaphore_mem>>) src(%arg11 : memref<80x128xf32, #tpu.memory_space<vmem>>) dst(%dma_wait3A_110 : memref<80x128xf32, #tpu.memory_space<vmem_shared>>)
      tpu.yield
    }) : () -> ()
    %add3A_20 = arith.constant 624 : i32
    %add3A_21 = arith.addi %mul3A_6, %add3A_20 : i32
    %sub3A = arith.constant 64 : i32
    %sub3A_22 = arith.subi %add3A_21, %sub3A : i32
    "tpu.region"() ({
      %run_scoped3A = tpu.sem_alloc : memref<!tpu.dma_semaphore, #tpu.memory_space<semaphore_mem>>
      %dma_start3A_103 = arith.constant 0 : i32
      %dma_start3A_104 = arith.constant 0 : i32
      %dma_start3A_105 = tpu.memref_slice %arg11[%dma_start3A_103, %dma_start3A_104] : memref<80x128xf32, #tpu.memory_space<vmem>> -> memref<64x128xf32, #tpu.memory_space<vmem>>
      %dma_start3A_106 = arith.constant 0 : i32
      %dma_start3A_107 = tpu.memref_slice %arg23[%sub3A_22, %dma_start3A_106] : memref<10000x128xf32, #tpu.memory_space<vmem_shared>> -> memref<64x128xf32, #tpu.memory_space<vmem_shared>>
      %dma_start3A_108 = arith.constant 0 : i32
      %dma_start3A_109 = tpu.memref_slice %arg23[%sub3A_22, %dma_start3A_108] : memref<10000x128xf32, #tpu.memory_space<vmem_shared>> -> memref<64x128xf32, #tpu.memory_space<vmem_shared>>
      %dma_start3A_110 = arith.constant 0 : i32
      %dma_start3A_111 = arith.constant 0 : i32
      %dma_start3A_112 = tpu.memref_slice %arg11[%dma_start3A_110, %dma_start3A_111] : memref<80x128xf32, #tpu.memory_space<vmem>> -> memref<64x128xf32, #tpu.memory_space<vmem>>
      tpu.enqueue_dma source(%dma_start3A_112 : memref<64x128xf32, #tpu.memory_space<vmem>>) target(%dma_start3A_109 : memref<64x128xf32, #tpu.memory_space<vmem_shared>>) target_semaphore(%run_scoped3A : memref<!tpu.dma_semaphore, #tpu.memory_space<semaphore_mem>>)
      %dma_wait3A_113 = arith.constant 0 : i32
      %dma_wait3A_114 = arith.constant 0 : i32
      %dma_wait3A_115 = tpu.memref_slice %arg11[%dma_wait3A_113, %dma_wait3A_114] : memref<80x128xf32, #tpu.memory_space<vmem>> -> memref<64x128xf32, #tpu.memory_space<vmem>>
      %dma_wait3A_116 = arith.constant 0 : i32
      %dma_wait3A_117 = tpu.memref_slice %arg23[%sub3A_22, %dma_wait3A_116] : memref<10000x128xf32, #tpu.memory_space<vmem_shared>> -> memref<64x128xf32, #tpu.memory_space<vmem_shared>>
      %dma_wait3A_118 = arith.constant 0 : i32
      %dma_wait3A_119 = tpu.memref_slice %arg23[%sub3A_22, %dma_wait3A_118] : memref<10000x128xf32, #tpu.memory_space<vmem_shared>> -> memref<64x128xf32, #tpu.memory_space<vmem_shared>>
      %dma_wait3A_120 = arith.constant 0 : i32
      %dma_wait3A_121 = arith.constant 0 : i32
      %dma_wait3A_122 = tpu.memref_slice %arg11[%dma_wait3A_120, %dma_wait3A_121] : memref<80x128xf32, #tpu.memory_space<vmem>> -> memref<64x128xf32, #tpu.memory_space<vmem>>
      tpu.wait_dma2 semaphore(%run_scoped3A : memref<!tpu.dma_semaphore, #tpu.memory_space<semaphore_mem>>) src(%dma_wait3A_122 : memref<64x128xf32, #tpu.memory_space<vmem>>) dst(%dma_wait3A_119 : memref<64x128xf32, #tpu.memory_space<vmem_shared>>)
      tpu.yield
    }) : () -> ()
    %eq3A = arith.constant 15 : i32
    %eq3A_23 = arith.cmpi eq, %arg1, %eq3A : i32
    %convert_element_type3A = arith.extui %eq3A_23 : i1 to i32
    %cond3A = arith.constant 0 : i32
    %cond3A_24 = arith.cmpi ne, %convert_element_type3A, %cond3A : i32
    scf.if %cond3A_24 {
      "tpu.region"() ({
        %run_scoped3A = tpu.sem_alloc : memref<!tpu.dma_semaphore, #tpu.memory_space<semaphore_mem>>
        %dma_start3A_103 = arith.constant 0 : i32
        %dma_start3A_104 = arith.constant 0 : i32
        %dma_start3A_105 = tpu.memref_slice %arg11[%dma_start3A_103, %dma_start3A_104] : memref<80x128xf32, #tpu.memory_space<vmem>> -> memref<16x128xf32, #tpu.memory_space<vmem>>
        %dma_start3A_106 = arith.constant 9984 : i32
        %dma_start3A_107 = arith.constant 0 : i32
        %dma_start3A_108 = tpu.memref_slice %arg23[%dma_start3A_106, %dma_start3A_107] : memref<10000x128xf32, #tpu.memory_space<vmem_shared>> -> memref<16x128xf32, #tpu.memory_space<vmem_shared>>
        %dma_start3A_109 = arith.constant 9984 : i32
        %dma_start3A_110 = arith.constant 0 : i32
        %dma_start3A_111 = tpu.memref_slice %arg23[%dma_start3A_109, %dma_start3A_110] : memref<10000x128xf32, #tpu.memory_space<vmem_shared>> -> memref<16x128xf32, #tpu.memory_space<vmem_shared>>
        %dma_start3A_112 = arith.constant 0 : i32
        %dma_start3A_113 = arith.constant 0 : i32
        %dma_start3A_114 = tpu.memref_slice %arg11[%dma_start3A_112, %dma_start3A_113] : memref<80x128xf32, #tpu.memory_space<vmem>> -> memref<16x128xf32, #tpu.memory_space<vmem>>
        tpu.enqueue_dma source(%dma_start3A_114 : memref<16x128xf32, #tpu.memory_space<vmem>>) target(%dma_start3A_111 : memref<16x128xf32, #tpu.memory_space<vmem_shared>>) target_semaphore(%run_scoped3A : memref<!tpu.dma_semaphore, #tpu.memory_space<semaphore_mem>>)
        %dma_wait3A_115 = arith.constant 0 : i32
        %dma_wait3A_116 = arith.constant 0 : i32
        %dma_wait3A_117 = tpu.memref_slice %arg11[%dma_wait3A_115, %dma_wait3A_116] : memref<80x128xf32, #tpu.memory_space<vmem>> -> memref<16x128xf32, #tpu.memory_space<vmem>>
        %dma_wait3A_118 = arith.constant 9984 : i32
        %dma_wait3A_119 = arith.constant 0 : i32
        %dma_wait3A_120 = tpu.memref_slice %arg23[%dma_wait3A_118, %dma_wait3A_119] : memref<10000x128xf32, #tpu.memory_space<vmem_shared>> -> memref<16x128xf32, #tpu.memory_space<vmem_shared>>
        %dma_wait3A_121 = arith.constant 9984 : i32
        %dma_wait3A_122 = arith.constant 0 : i32
        %dma_wait3A_123 = tpu.memref_slice %arg23[%dma_wait3A_121, %dma_wait3A_122] : memref<10000x128xf32, #tpu.memory_space<vmem_shared>> -> memref<16x128xf32, #tpu.memory_space<vmem_shared>>
        %dma_wait3A_124 = arith.constant 0 : i32
        %dma_wait3A_125 = arith.constant 0 : i32
        %dma_wait3A_126 = tpu.memref_slice %arg11[%dma_wait3A_124, %dma_wait3A_125] : memref<80x128xf32, #tpu.memory_space<vmem>> -> memref<16x128xf32, #tpu.memory_space<vmem>>
        tpu.wait_dma2 semaphore(%run_scoped3A : memref<!tpu.dma_semaphore, #tpu.memory_space<semaphore_mem>>) src(%dma_wait3A_126 : memref<16x128xf32, #tpu.memory_space<vmem>>) dst(%dma_wait3A_123 : memref<16x128xf32, #tpu.memory_space<vmem_shared>>)
        tpu.yield
      }) : () -> ()
    } else {
    }
    %barrier3A = arith.constant 0 : index
    tpu.barrier barrier_id(%barrier3A)
    %mul3A_25 = arith.constant 2000 : i32
    %mul3A_26 = arith.muli %arg0, %mul3A_25 : i32
    %add3A_27 = arith.constant 0 : i32
    %add3A_28 = arith.addi %mul3A_26, %add3A_27 : i32
    %add3A_29 = arith.addi %add3A_28, %arg1 : i32
    %mul3A_30 = arith.constant 80 : i32
    %mul3A_31 = arith.muli %add3A_29, %mul3A_30 : i32
    %dma_start3A = tpu.memref_slice %arg4[%mul3A_31] : memref<320000xi32, #tpu.memory_space<hbm>> -> memref<80xi32, #tpu.memory_space<hbm>>
    %dma_start3A_32 = tpu.memref_slice %arg4[%mul3A_31] : memref<320000xi32, #tpu.memory_space<hbm>> -> memref<80xi32, #tpu.memory_space<hbm>>
    tpu.enqueue_dma source(%dma_start3A_32 : memref<80xi32, #tpu.memory_space<hbm>>) target(%arg7 : memref<80xi32, #tpu.memory_space<vmem>>) target_semaphore(%arg15 : memref<!tpu.dma_semaphore, #tpu.memory_space<semaphore_mem>>)
    %dma_start3A_33 = tpu.memref_slice %arg5[%mul3A_31] : memref<320000xi32, #tpu.memory_space<hbm>> -> memref<80xi32, #tpu.memory_space<hbm>>
    %dma_start3A_34 = tpu.memref_slice %arg5[%mul3A_31] : memref<320000xi32, #tpu.memory_space<hbm>> -> memref<80xi32, #tpu.memory_space<hbm>>
    tpu.enqueue_dma source(%dma_start3A_34 : memref<80xi32, #tpu.memory_space<hbm>>) target(%arg9 : memref<80xi32, #tpu.memory_space<vmem>>) target_semaphore(%arg15 : memref<!tpu.dma_semaphore, #tpu.memory_space<semaphore_mem>>)
    %dma_wait3A = arith.constant 0 : i32
    %dma_wait3A_35 = tpu.memref_slice %arg4[%dma_wait3A] : memref<320000xi32, #tpu.memory_space<hbm>> -> memref<80xi32, #tpu.memory_space<hbm>>
    %dma_wait3A_36 = arith.constant 0 : i32
    %dma_wait3A_37 = tpu.memref_slice %arg4[%dma_wait3A_36] : memref<320000xi32, #tpu.memory_space<hbm>> -> memref<80xi32, #tpu.memory_space<hbm>>
    tpu.wait_dma2 semaphore(%arg15 : memref<!tpu.dma_semaphore, #tpu.memory_space<semaphore_mem>>) src(%dma_wait3A_37 : memref<80xi32, #tpu.memory_space<hbm>>) dst(%arg7 : memref<80xi32, #tpu.memory_space<vmem>>)
    %dma_wait3A_38 = arith.constant 0 : i32
    %dma_wait3A_39 = tpu.memref_slice %arg5[%dma_wait3A_38] : memref<320000xi32, #tpu.memory_space<hbm>> -> memref<80xi32, #tpu.memory_space<hbm>>
    %dma_wait3A_40 = arith.constant 0 : i32
    %dma_wait3A_41 = tpu.memref_slice %arg5[%dma_wait3A_40] : memref<320000xi32, #tpu.memory_space<hbm>> -> memref<80xi32, #tpu.memory_space<hbm>>
    tpu.wait_dma2 semaphore(%arg15 : memref<!tpu.dma_semaphore, #tpu.memory_space<semaphore_mem>>) src(%dma_wait3A_41 : memref<80xi32, #tpu.memory_space<hbm>>) dst(%arg9 : memref<80xi32, #tpu.memory_space<vmem>>)
    %dma_start3A_42 = arith.constant 0 : i32
    %dma_start3A_43 = arith.constant 0 : i32
    %dma_start3A_44 = tpu.memref_slice %arg2[%dma_start3A_42, %dma_start3A_43] : memref<10000x128xf32, #tpu.memory_space<hbm>> -> memref<10000x128xf32, #tpu.memory_space<hbm>>
    tpu.enqueue_indirect_dma source(%dma_start3A_44 : memref<10000x128xf32, #tpu.memory_space<hbm>>) target(%arg11 : memref<80x128xf32, #tpu.memory_space<vmem>>) offsets(%arg7 : memref<80xi32, #tpu.memory_space<vmem>>) semaphore(%arg17 : memref<!tpu.dma_semaphore, #tpu.memory_space<semaphore_mem>>)
    %mul3A_45 = arith.constant 2000 : i32
    %mul3A_46 = arith.muli %arg0, %mul3A_45 : i32
    %add3A_47 = arith.constant 0 : i32
    %add3A_48 = arith.addi %mul3A_46, %add3A_47 : i32
    %add3A_49 = arith.addi %add3A_48, %arg1 : i32
    %mul3A_50 = arith.constant 80 : i32
    %mul3A_51 = arith.muli %add3A_49, %mul3A_50 : i32
    %dma_start3A_52 = arith.constant 0 : i32
    %dma_start3A_53 = tpu.memref_slice %arg3[%mul3A_51, %dma_start3A_52] : memref<320000x128xf32, #tpu.memory_space<hbm>> -> memref<80x128xf32, #tpu.memory_space<hbm>>
    %dma_start3A_54 = arith.constant 0 : i32
    %dma_start3A_55 = tpu.memref_slice %arg3[%mul3A_51, %dma_start3A_54] : memref<320000x128xf32, #tpu.memory_space<hbm>> -> memref<80x128xf32, #tpu.memory_space<hbm>>
    tpu.enqueue_dma source(%dma_start3A_55 : memref<80x128xf32, #tpu.memory_space<hbm>>) target(%arg13 : memref<80x128xf32, #tpu.memory_space<vmem>>) target_semaphore(%arg19 : memref<!tpu.dma_semaphore, #tpu.memory_space<semaphore_mem>>)
    %mul3A_56 = arith.constant 2000 : i32
    %mul3A_57 = arith.muli %arg0, %mul3A_56 : i32
    %add3A_58 = arith.constant 16 : i32
    %add3A_59 = arith.addi %mul3A_57, %add3A_58 : i32
    %add3A_60 = arith.addi %add3A_59, %arg1 : i32
    %mul3A_61 = arith.constant 80 : i32
    %mul3A_62 = arith.muli %add3A_60, %mul3A_61 : i32
    %dma_start3A_63 = tpu.memref_slice %arg4[%mul3A_62] : memref<320000xi32, #tpu.memory_space<hbm>> -> memref<80xi32, #tpu.memory_space<hbm>>
    %dma_start3A_64 = tpu.memref_slice %arg4[%mul3A_62] : memref<320000xi32, #tpu.memory_space<hbm>> -> memref<80xi32, #tpu.memory_space<hbm>>
    tpu.enqueue_dma source(%dma_start3A_64 : memref<80xi32, #tpu.memory_space<hbm>>) target(%arg8 : memref<80xi32, #tpu.memory_space<vmem>>) target_semaphore(%arg16 : memref<!tpu.dma_semaphore, #tpu.memory_space<semaphore_mem>>)
    %dma_start3A_65 = tpu.memref_slice %arg5[%mul3A_62] : memref<320000xi32, #tpu.memory_space<hbm>> -> memref<80xi32, #tpu.memory_space<hbm>>
    %dma_start3A_66 = tpu.memref_slice %arg5[%mul3A_62] : memref<320000xi32, #tpu.memory_space<hbm>> -> memref<80xi32, #tpu.memory_space<hbm>>
    tpu.enqueue_dma source(%dma_start3A_66 : memref<80xi32, #tpu.memory_space<hbm>>) target(%arg10 : memref<80xi32, #tpu.memory_space<vmem>>) target_semaphore(%arg16 : memref<!tpu.dma_semaphore, #tpu.memory_space<semaphore_mem>>)
    %scan3A_67 = arith.constant 0 : i32
    %scan3A_68 = arith.constant 0 : i32
    %scan3A_69 = arith.constant 62 : i32
    %scan3A_70 = arith.addi %scan3A_68, %scan3A_69 : i32
    %scan3A_71 = arith.constant 1 : i32
    scf.for %scan3A_103 = %scan3A_68 to %scan3A_70 step %scan3A_71  : i32 {
      %mul3A_104 = arith.constant 2 : i32
      %mul3A_105 = arith.muli %mul3A_104, %scan3A_103 : i32
      %add3A_106 = arith.constant 0 : i32
      %add3A_107 = arith.addi %mul3A_105, %add3A_106 : i32
      %dma_wait3A_108 = arith.constant 0 : i32
      %dma_wait3A_109 = tpu.memref_slice %arg4[%dma_wait3A_108] : memref<320000xi32, #tpu.memory_space<hbm>> -> memref<80xi32, #tpu.memory_space<hbm>>
      %dma_wait3A_110 = arith.constant 0 : i32
      %dma_wait3A_111 = tpu.memref_slice %arg4[%dma_wait3A_110] : memref<320000xi32, #tpu.memory_space<hbm>> -> memref<80xi32, #tpu.memory_space<hbm>>
      tpu.wait_dma2 semaphore(%arg16 : memref<!tpu.dma_semaphore, #tpu.memory_space<semaphore_mem>>) src(%dma_wait3A_111 : memref<80xi32, #tpu.memory_space<hbm>>) dst(%arg8 : memref<80xi32, #tpu.memory_space<vmem>>)
      %dma_wait3A_112 = arith.constant 0 : i32
      %dma_wait3A_113 = tpu.memref_slice %arg5[%dma_wait3A_112] : memref<320000xi32, #tpu.memory_space<hbm>> -> memref<80xi32, #tpu.memory_space<hbm>>
      %dma_wait3A_114 = arith.constant 0 : i32
      %dma_wait3A_115 = tpu.memref_slice %arg5[%dma_wait3A_114] : memref<320000xi32, #tpu.memory_space<hbm>> -> memref<80xi32, #tpu.memory_space<hbm>>
      tpu.wait_dma2 semaphore(%arg16 : memref<!tpu.dma_semaphore, #tpu.memory_space<semaphore_mem>>) src(%dma_wait3A_115 : memref<80xi32, #tpu.memory_space<hbm>>) dst(%arg10 : memref<80xi32, #tpu.memory_space<vmem>>)
      %gt3A = arith.constant 0 : i32
      %gt3A_116 = arith.cmpi sgt, %scan3A_103, %gt3A : i32
      %convert_element_type3A_117 = arith.extui %gt3A_116 : i1 to i32
      %cond3A_118 = arith.constant 0 : i32
      %cond3A_119 = arith.cmpi ne, %convert_element_type3A_117, %cond3A_118 : i32
      scf.if %cond3A_119 {
        %dma_wait3A_232 = arith.constant 0 : i32
        %dma_wait3A_233 = arith.constant 0 : i32
        %dma_wait3A_234 = tpu.memref_slice %arg3[%dma_wait3A_232, %dma_wait3A_233] : memref<320000x128xf32, #tpu.memory_space<hbm>> -> memref<80x128xf32, #tpu.memory_space<hbm>>
        %dma_wait3A_235 = arith.constant 0 : i32
        %dma_wait3A_236 = arith.constant 0 : i32
        %dma_wait3A_237 = tpu.memref_slice %arg3[%dma_wait3A_235, %dma_wait3A_236] : memref<320000x128xf32, #tpu.memory_space<hbm>> -> memref<80x128xf32, #tpu.memory_space<hbm>>
        tpu.wait_dma2 semaphore(%arg22 : memref<!tpu.dma_semaphore, #tpu.memory_space<semaphore_mem>>) src(%dma_wait3A_237 : memref<80x128xf32, #tpu.memory_space<hbm>>) dst(%arg14 : memref<80x128xf32, #tpu.memory_space<vmem>>)
      } else {
      }
      %add3A_120 = arith.constant 1 : i32
      %add3A_121 = arith.addi %add3A_107, %add3A_120 : i32
      %dma_start3A_122 = arith.constant 0 : i32
      %dma_start3A_123 = arith.constant 0 : i32
      %dma_start3A_124 = tpu.memref_slice %arg2[%dma_start3A_122, %dma_start3A_123] : memref<10000x128xf32, #tpu.memory_space<hbm>> -> memref<10000x128xf32, #tpu.memory_space<hbm>>
      tpu.enqueue_indirect_dma source(%dma_start3A_124 : memref<10000x128xf32, #tpu.memory_space<hbm>>) target(%arg12 : memref<80x128xf32, #tpu.memory_space<vmem>>) offsets(%arg8 : memref<80xi32, #tpu.memory_space<vmem>>) semaphore(%arg18 : memref<!tpu.dma_semaphore, #tpu.memory_space<semaphore_mem>>)
      %mul3A_125 = arith.constant 2000 : i32
      %mul3A_126 = arith.muli %arg0, %mul3A_125 : i32
      %mul3A_127 = arith.constant 16 : i32
      %mul3A_128 = arith.muli %add3A_121, %mul3A_127 : i32
      %add3A_129 = arith.addi %mul3A_126, %mul3A_128 : i32
      %add3A_130 = arith.addi %add3A_129, %arg1 : i32
      %mul3A_131 = arith.constant 80 : i32
      %mul3A_132 = arith.muli %add3A_130, %mul3A_131 : i32
      %dma_start3A_133 = arith.constant 0 : i32
      %dma_start3A_134 = tpu.memref_slice %arg3[%mul3A_132, %dma_start3A_133] : memref<320000x128xf32, #tpu.memory_space<hbm>> -> memref<80x128xf32, #tpu.memory_space<hbm>>
      %dma_start3A_135 = arith.constant 0 : i32
      %dma_start3A_136 = tpu.memref_slice %arg3[%mul3A_132, %dma_start3A_135] : memref<320000x128xf32, #tpu.memory_space<hbm>> -> memref<80x128xf32, #tpu.memory_space<hbm>>
      tpu.enqueue_dma source(%dma_start3A_136 : memref<80x128xf32, #tpu.memory_space<hbm>>) target(%arg14 : memref<80x128xf32, #tpu.memory_space<vmem>>) target_semaphore(%arg20 : memref<!tpu.dma_semaphore, #tpu.memory_space<semaphore_mem>>)
      %dma_wait3A_137 = arith.constant 0 : i32
      %dma_wait3A_138 = arith.constant 0 : i32
      %dma_wait3A_139 = tpu.memref_slice %arg2[%dma_wait3A_137, %dma_wait3A_138] : memref<10000x128xf32, #tpu.memory_space<hbm>> -> memref<80x128xf32, #tpu.memory_space<hbm>>
      %dma_wait3A_140 = arith.constant 0 : i32
      %dma_wait3A_141 = arith.constant 0 : i32
      %dma_wait3A_142 = tpu.memref_slice %arg2[%dma_wait3A_140, %dma_wait3A_141] : memref<10000x128xf32, #tpu.memory_space<hbm>> -> memref<80x128xf32, #tpu.memory_space<hbm>>
      tpu.wait_dma2 semaphore(%arg17 : memref<!tpu.dma_semaphore, #tpu.memory_space<semaphore_mem>>) src(%dma_wait3A_142 : memref<80x128xf32, #tpu.memory_space<hbm>>) dst(%arg11 : memref<80x128xf32, #tpu.memory_space<vmem>>)
      %dma_wait3A_143 = arith.constant 0 : i32
      %dma_wait3A_144 = arith.constant 0 : i32
      %dma_wait3A_145 = tpu.memref_slice %arg3[%dma_wait3A_143, %dma_wait3A_144] : memref<320000x128xf32, #tpu.memory_space<hbm>> -> memref<80x128xf32, #tpu.memory_space<hbm>>
      %dma_wait3A_146 = arith.constant 0 : i32
      %dma_wait3A_147 = arith.constant 0 : i32
      %dma_wait3A_148 = tpu.memref_slice %arg3[%dma_wait3A_146, %dma_wait3A_147] : memref<320000x128xf32, #tpu.memory_space<hbm>> -> memref<80x128xf32, #tpu.memory_space<hbm>>
      tpu.wait_dma2 semaphore(%arg19 : memref<!tpu.dma_semaphore, #tpu.memory_space<semaphore_mem>>) src(%dma_wait3A_148 : memref<80x128xf32, #tpu.memory_space<hbm>>) dst(%arg13 : memref<80x128xf32, #tpu.memory_space<vmem>>)
      %scan3A_149 = arith.constant 0 : i32
      %scan3A_150 = arith.constant 0 : i32
      %scan3A_151 = arith.constant 80 : i32
      %scan3A_152 = arith.addi %scan3A_150, %scan3A_151 : i32
      %scan3A_153 = arith.constant 1 : i32
      scf.for %scan3A_232 = %scan3A_150 to %scan3A_152 step %scan3A_153  : i32 {
        %get3A = arith.index_cast %scan3A_232 : i32 to index
        %get3A_233 = arith.constant 0 : index
        %get3A_234 = tpu.vector_load %arg11[%get3A, %get3A_233] {strides = array<i32>} : memref<80x128xf32, #tpu.memory_space<vmem>>, vector<16xf32>,
        %get3A_235 = arith.index_cast %scan3A_232 : i32 to index
        %get3A_236 = arith.constant 0 : index
        %get3A_237 = tpu.vector_load %arg13[%get3A_235, %get3A_236] {strides = array<i32>} : memref<80x128xf32, #tpu.memory_space<vmem>>, vector<16xf32>,
        %add3A_238 = arith.addf %get3A_234, %get3A_237 : vector<16xf32>
        %max3A = arith.constant 0.000000e+00 : f32
        %max3A_239 = vector.broadcast %max3A : f32 to vector<16xf32>
        %max3A_240 = arith.maximumf %add3A_238, %max3A_239 : vector<16xf32>
        %swap3A = arith.index_cast %scan3A_232 : i32 to index
        %swap3A_241 = arith.constant 0 : index
        %swap3A_242 = tpu.vector_load %arg13[%swap3A, %swap3A_241] {strides = array<i32>} : memref<80x128xf32, #tpu.memory_space<vmem>>, vector<16xf32>,
        tpu.vector_store %arg13[%swap3A, %swap3A_241], %max3A_240 {strides = array<i32>} : memref<80x128xf32, #tpu.memory_space<vmem>>, vector<16xf32>,
        %get3A_243 = arith.index_cast %scan3A_232 : i32 to index
        %get3A_244 = arith.constant 16 : index
        %get3A_245 = tpu.vector_load %arg11[%get3A_243, %get3A_244] {strides = array<i32>} : memref<80x128xf32, #tpu.memory_space<vmem>>, vector<16xf32>,
        %get3A_246 = arith.index_cast %scan3A_232 : i32 to index
        %get3A_247 = arith.constant 16 : index
        %get3A_248 = tpu.vector_load %arg13[%get3A_246, %get3A_247] {strides = array<i32>} : memref<80x128xf32, #tpu.memory_space<vmem>>, vector<16xf32>,
        %add3A_249 = arith.addf %get3A_245, %get3A_248 : vector<16xf32>
        %max3A_250 = arith.constant 0.000000e+00 : f32
        %max3A_251 = vector.broadcast %max3A_250 : f32 to vector<16xf32>
        %max3A_252 = arith.maximumf %add3A_249, %max3A_251 : vector<16xf32>
        %swap3A_253 = arith.index_cast %scan3A_232 : i32 to index
        %swap3A_254 = arith.constant 16 : index
        %swap3A_255 = tpu.vector_load %arg13[%swap3A_253, %swap3A_254] {strides = array<i32>} : memref<80x128xf32, #tpu.memory_space<vmem>>, vector<16xf32>,
        tpu.vector_store %arg13[%swap3A_253, %swap3A_254], %max3A_252 {strides = array<i32>} : memref<80x128xf32, #tpu.memory_space<vmem>>, vector<16xf32>,
        %get3A_256 = arith.index_cast %scan3A_232 : i32 to index
        %get3A_257 = arith.constant 32 : index
        %get3A_258 = tpu.vector_load %arg11[%get3A_256, %get3A_257] {strides = array<i32>} : memref<80x128xf32, #tpu.memory_space<vmem>>, vector<16xf32>,
        %get3A_259 = arith.index_cast %scan3A_232 : i32 to index
        %get3A_260 = arith.constant 32 : index
        %get3A_261 = tpu.vector_load %arg13[%get3A_259, %get3A_260] {strides = array<i32>} : memref<80x128xf32, #tpu.memory_space<vmem>>, vector<16xf32>,
        %add3A_262 = arith.addf %get3A_258, %get3A_261 : vector<16xf32>
        %max3A_263 = arith.constant 0.000000e+00 : f32
        %max3A_264 = vector.broadcast %max3A_263 : f32 to vector<16xf32>
        %max3A_265 = arith.maximumf %add3A_262, %max3A_264 : vector<16xf32>
        %swap3A_266 = arith.index_cast %scan3A_232 : i32 to index
        %swap3A_267 = arith.constant 32 : index
        %swap3A_268 = tpu.vector_load %arg13[%swap3A_266, %swap3A_267] {strides = array<i32>} : memref<80x128xf32, #tpu.memory_space<vmem>>, vector<16xf32>,
        tpu.vector_store %arg13[%swap3A_266, %swap3A_267], %max3A_265 {strides = array<i32>} : memref<80x128xf32, #tpu.memory_space<vmem>>, vector<16xf32>,
        %get3A_269 = arith.index_cast %scan3A_232 : i32 to index
        %get3A_270 = arith.constant 48 : index
        %get3A_271 = tpu.vector_load %arg11[%get3A_269, %get3A_270] {strides = array<i32>} : memref<80x128xf32, #tpu.memory_space<vmem>>, vector<16xf32>,
        %get3A_272 = arith.index_cast %scan3A_232 : i32 to index
        %get3A_273 = arith.constant 48 : index
        %get3A_274 = tpu.vector_load %arg13[%get3A_272, %get3A_273] {strides = array<i32>} : memref<80x128xf32, #tpu.memory_space<vmem>>, vector<16xf32>,
        %add3A_275 = arith.addf %get3A_271, %get3A_274 : vector<16xf32>
        %max3A_276 = arith.constant 0.000000e+00 : f32
        %max3A_277 = vector.broadcast %max3A_276 : f32 to vector<16xf32>
        %max3A_278 = arith.maximumf %add3A_275, %max3A_277 : vector<16xf32>
        %swap3A_279 = arith.index_cast %scan3A_232 : i32 to index
        %swap3A_280 = arith.constant 48 : index
        %swap3A_281 = tpu.vector_load %arg13[%swap3A_279, %swap3A_280] {strides = array<i32>} : memref<80x128xf32, #tpu.memory_space<vmem>>, vector<16xf32>,
        tpu.vector_store %arg13[%swap3A_279, %swap3A_280], %max3A_278 {strides = array<i32>} : memref<80x128xf32, #tpu.memory_space<vmem>>, vector<16xf32>,
        %get3A_282 = arith.index_cast %scan3A_232 : i32 to index
        %get3A_283 = arith.constant 64 : index
        %get3A_284 = tpu.vector_load %arg11[%get3A_282, %get3A_283] {strides = array<i32>} : memref<80x128xf32, #tpu.memory_space<vmem>>, vector<16xf32>,
        %get3A_285 = arith.index_cast %scan3A_232 : i32 to index
        %get3A_286 = arith.constant 64 : index
        %get3A_287 = tpu.vector_load %arg13[%get3A_285, %get3A_286] {strides = array<i32>} : memref<80x128xf32, #tpu.memory_space<vmem>>, vector<16xf32>,
        %add3A_288 = arith.addf %get3A_284, %get3A_287 : vector<16xf32>
        %max3A_289 = arith.constant 0.000000e+00 : f32
        %max3A_290 = vector.broadcast %max3A_289 : f32 to vector<16xf32>
        %max3A_291 = arith.maximumf %add3A_288, %max3A_290 : vector<16xf32>
        %swap3A_292 = arith.index_cast %scan3A_232 : i32 to index
        %swap3A_293 = arith.constant 64 : index
        %swap3A_294 = tpu.vector_load %arg13[%swap3A_292, %swap3A_293] {strides = array<i32>} : memref<80x128xf32, #tpu.memory_space<vmem>>, vector<16xf32>,
        tpu.vector_store %arg13[%swap3A_292, %swap3A_293], %max3A_291 {strides = array<i32>} : memref<80x128xf32, #tpu.memory_space<vmem>>, vector<16xf32>,
        %get3A_295 = arith.index_cast %scan3A_232 : i32 to index
        %get3A_296 = arith.constant 80 : index
        %get3A_297 = tpu.vector_load %arg11[%get3A_295, %get3A_296] {strides = array<i32>} : memref<80x128xf32, #tpu.memory_space<vmem>>, vector<16xf32>,
        %get3A_298 = arith.index_cast %scan3A_232 : i32 to index
        %get3A_299 = arith.constant 80 : index
        %get3A_300 = tpu.vector_load %arg13[%get3A_298, %get3A_299] {strides = array<i32>} : memref<80x128xf32, #tpu.memory_space<vmem>>, vector<16xf32>,
        %add3A_301 = arith.addf %get3A_297, %get3A_300 : vector<16xf32>
        %max3A_302 = arith.constant 0.000000e+00 : f32
        %max3A_303 = vector.broadcast %max3A_302 : f32 to vector<16xf32>
        %max3A_304 = arith.maximumf %add3A_301, %max3A_303 : vector<16xf32>
        %swap3A_305 = arith.index_cast %scan3A_232 : i32 to index
        %swap3A_306 = arith.constant 80 : index
        %swap3A_307 = tpu.vector_load %arg13[%swap3A_305, %swap3A_306] {strides = array<i32>} : memref<80x128xf32, #tpu.memory_space<vmem>>, vector<16xf32>,
        tpu.vector_store %arg13[%swap3A_305, %swap3A_306], %max3A_304 {strides = array<i32>} : memref<80x128xf32, #tpu.memory_space<vmem>>, vector<16xf32>,
        %get3A_308 = arith.index_cast %scan3A_232 : i32 to index
        %get3A_309 = arith.constant 96 : index
        %get3A_310 = tpu.vector_load %arg11[%get3A_308, %get3A_309] {strides = array<i32>} : memref<80x128xf32, #tpu.memory_space<vmem>>, vector<16xf32>,
        %get3A_311 = arith.index_cast %scan3A_232 : i32 to index
        %get3A_312 = arith.constant 96 : index
        %get3A_313 = tpu.vector_load %arg13[%get3A_311, %get3A_312] {strides = array<i32>} : memref<80x128xf32, #tpu.memory_space<vmem>>, vector<16xf32>,
        %add3A_314 = arith.addf %get3A_310, %get3A_313 : vector<16xf32>
        %max3A_315 = arith.constant 0.000000e+00 : f32
        %max3A_316 = vector.broadcast %max3A_315 : f32 to vector<16xf32>
        %max3A_317 = arith.maximumf %add3A_314, %max3A_316 : vector<16xf32>
        %swap3A_318 = arith.index_cast %scan3A_232 : i32 to index
        %swap3A_319 = arith.constant 96 : index
        %swap3A_320 = tpu.vector_load %arg13[%swap3A_318, %swap3A_319] {strides = array<i32>} : memref<80x128xf32, #tpu.memory_space<vmem>>, vector<16xf32>,
        tpu.vector_store %arg13[%swap3A_318, %swap3A_319], %max3A_317 {strides = array<i32>} : memref<80x128xf32, #tpu.memory_space<vmem>>, vector<16xf32>,
        %get3A_321 = arith.index_cast %scan3A_232 : i32 to index
        %get3A_322 = arith.constant 112 : index
        %get3A_323 = tpu.vector_load %arg11[%get3A_321, %get3A_322] {strides = array<i32>} : memref<80x128xf32, #tpu.memory_space<vmem>>, vector<16xf32>,
        %get3A_324 = arith.index_cast %scan3A_232 : i32 to index
        %get3A_325 = arith.constant 112 : index
        %get3A_326 = tpu.vector_load %arg13[%get3A_324, %get3A_325] {strides = array<i32>} : memref<80x128xf32, #tpu.memory_space<vmem>>, vector<16xf32>,
        %add3A_327 = arith.addf %get3A_323, %get3A_326 : vector<16xf32>
        %max3A_328 = arith.constant 0.000000e+00 : f32
        %max3A_329 = vector.broadcast %max3A_328 : f32 to vector<16xf32>
        %max3A_330 = arith.maximumf %add3A_327, %max3A_329 : vector<16xf32>
        %swap3A_331 = arith.index_cast %scan3A_232 : i32 to index
        %swap3A_332 = arith.constant 112 : index
        %swap3A_333 = tpu.vector_load %arg13[%swap3A_331, %swap3A_332] {strides = array<i32>} : memref<80x128xf32, #tpu.memory_space<vmem>>, vector<16xf32>,
        tpu.vector_store %arg13[%swap3A_331, %swap3A_332], %max3A_330 {strides = array<i32>} : memref<80x128xf32, #tpu.memory_space<vmem>>, vector<16xf32>,
      }
      %scan3A_154 = arith.constant 80 : i32
      %dma_start3A_155 = arith.constant 0 : i32
      %dma_start3A_156 = arith.constant 0 : i32
      %dma_start3A_157 = tpu.memref_slice %arg23[%dma_start3A_155, %dma_start3A_156] : memref<10000x128xf32, #tpu.memory_space<vmem_shared>> -> memref<10000x128xf32, #tpu.memory_space<vmem_shared>>
      tpu.enqueue_indirect_dma source(%arg13 : memref<80x128xf32, #tpu.memory_space<vmem>>) target(%dma_start3A_157 : memref<10000x128xf32, #tpu.memory_space<vmem_shared>>) offsets(%arg9 : memref<80xi32, #tpu.memory_space<vmem>>) semaphore(%arg21 : memref<!tpu.dma_semaphore, #tpu.memory_space<semaphore_mem>>) {add = true}
      %add3A_158 = arith.constant 2 : i32
      %add3A_159 = arith.addi %add3A_107, %add3A_158 : i32
      %mul3A_160 = arith.constant 2000 : i32
      %mul3A_161 = arith.muli %arg0, %mul3A_160 : i32
      %mul3A_162 = arith.constant 16 : i32
      %mul3A_163 = arith.muli %add3A_159, %mul3A_162 : i32
      %add3A_164 = arith.addi %mul3A_161, %mul3A_163 : i32
      %add3A_165 = arith.addi %add3A_164, %arg1 : i32
      %mul3A_166 = arith.constant 80 : i32
      %mul3A_167 = arith.muli %add3A_165, %mul3A_166 : i32
      %dma_start3A_168 = tpu.memref_slice %arg4[%mul3A_167] : memref<320000xi32, #tpu.memory_space<hbm>> -> memref<80xi32, #tpu.memory_space<hbm>>
      %dma_start3A_169 = tpu.memref_slice %arg4[%mul3A_167] : memref<320000xi32, #tpu.memory_space<hbm>> -> memref<80xi32, #tpu.memory_space<hbm>>
      tpu.enqueue_dma source(%dma_start3A_169 : memref<80xi32, #tpu.memory_space<hbm>>) target(%arg7 : memref<80xi32, #tpu.memory_space<vmem>>) target_semaphore(%arg15 : memref<!tpu.dma_semaphore, #tpu.memory_space<semaphore_mem>>)
      %dma_start3A_170 = tpu.memref_slice %arg5[%mul3A_167] : memref<320000xi32, #tpu.memory_space<hbm>> -> memref<80xi32, #tpu.memory_space<hbm>>
      %dma_start3A_171 = tpu.memref_slice %arg5[%mul3A_167] : memref<320000xi32, #tpu.memory_space<hbm>> -> memref<80xi32, #tpu.memory_space<hbm>>
      tpu.enqueue_dma source(%dma_start3A_171 : memref<80xi32, #tpu.memory_space<hbm>>) target(%arg9 : memref<80xi32, #tpu.memory_space<vmem>>) target_semaphore(%arg15 : memref<!tpu.dma_semaphore, #tpu.memory_space<semaphore_mem>>)
      %mul3A_172 = arith.constant 2 : i32
      %mul3A_173 = arith.muli %mul3A_172, %scan3A_103 : i32
      %add3A_174 = arith.constant 1 : i32
      %add3A_175 = arith.addi %mul3A_173, %add3A_174 : i32
      %dma_wait3A_176 = arith.constant 0 : i32
      %dma_wait3A_177 = tpu.memref_slice %arg4[%dma_wait3A_176] : memref<320000xi32, #tpu.memory_space<hbm>> -> memref<80xi32, #tpu.memory_space<hbm>>
      %dma_wait3A_178 = arith.constant 0 : i32
      %dma_wait3A_179 = tpu.memref_slice %arg4[%dma_wait3A_178] : memref<320000xi32, #tpu.memory_space<hbm>> -> memref<80xi32, #tpu.memory_space<hbm>>
      tpu.wait_dma2 semaphore(%arg15 : memref<!tpu.dma_semaphore, #tpu.memory_space<semaphore_mem>>) src(%dma_wait3A_179 : memref<80xi32, #tpu.memory_space<hbm>>) dst(%arg7 : memref<80xi32, #tpu.memory_space<vmem>>)
      %dma_wait3A_180 = arith.constant 0 : i32
      %dma_wait3A_181 = tpu.memref_slice %arg5[%dma_wait3A_180] : memref<320000xi32, #tpu.memory_space<hbm>> -> memref<80xi32, #tpu.memory_space<hbm>>
      %dma_wait3A_182 = arith.constant 0 : i32
      %dma_wait3A_183 = tpu.memref_slice %arg5[%dma_wait3A_182] : memref<320000xi32, #tpu.memory_space<hbm>> -> memref<80xi32, #tpu.memory_space<hbm>>
      tpu.wait_dma2 semaphore(%arg15 : memref<!tpu.dma_semaphore, #tpu.memory_space<semaphore_mem>>) src(%dma_wait3A_183 : memref<80xi32, #tpu.memory_space<hbm>>) dst(%arg9 : memref<80xi32, #tpu.memory_space<vmem>>)
      %dma_wait3A_184 = arith.constant 0 : i32
      %dma_wait3A_185 = arith.constant 0 : i32
      %dma_wait3A_186 = tpu.memref_slice %arg3[%dma_wait3A_184, %dma_wait3A_185] : memref<320000x128xf32, #tpu.memory_space<hbm>> -> memref<80x128xf32, #tpu.memory_space<hbm>>
      %dma_wait3A_187 = arith.constant 0 : i32
      %dma_wait3A_188 = arith.constant 0 : i32
      %dma_wait3A_189 = tpu.memref_slice %arg3[%dma_wait3A_187, %dma_wait3A_188] : memref<320000x128xf32, #tpu.memory_space<hbm>> -> memref<80x128xf32, #tpu.memory_space<hbm>>
      tpu.wait_dma2 semaphore(%arg21 : memref<!tpu.dma_semaphore, #tpu.memory_space<semaphore_mem>>) src(%dma_wait3A_189 : memref<80x128xf32, #tpu.memory_space<hbm>>) dst(%arg13 : memref<80x128xf32, #tpu.memory_space<vmem>>)
      %add3A_190 = arith.constant 1 : i32
      %add3A_191 = arith.addi %add3A_175, %add3A_190 : i32
      %dma_start3A_192 = arith.constant 0 : i32
      %dma_start3A_193 = arith.constant 0 : i32
      %dma_start3A_194 = tpu.memref_slice %arg2[%dma_start3A_192, %dma_start3A_193] : memref<10000x128xf32, #tpu.memory_space<hbm>> -> memref<10000x128xf32, #tpu.memory_space<hbm>>
      tpu.enqueue_indirect_dma source(%dma_start3A_194 : memref<10000x128xf32, #tpu.memory_space<hbm>>) target(%arg11 : memref<80x128xf32, #tpu.memory_space<vmem>>) offsets(%arg7 : memref<80xi32, #tpu.memory_space<vmem>>) semaphore(%arg17 : memref<!tpu.dma_semaphore, #tpu.memory_space<semaphore_mem>>)
      %mul3A_195 = arith.constant 2000 : i32
      %mul3A_196 = arith.muli %arg0, %mul3A_195 : i32
      %mul3A_197 = arith.constant 16 : i32
      %mul3A_198 = arith.muli %add3A_191, %mul3A_197 : i32
      %add3A_199 = arith.addi %mul3A_196, %mul3A_198 : i32
      %add3A_200 = arith.addi %add3A_199, %arg1 : i32
      %mul3A_201 = arith.constant 80 : i32
      %mul3A_202 = arith.muli %add3A_200, %mul3A_201 : i32
      %dma_start3A_203 = arith.constant 0 : i32
      %dma_start3A_204 = tpu.memref_slice %arg3[%mul3A_202, %dma_start3A_203] : memref<320000x128xf32, #tpu.memory_space<hbm>> -> memref<80x128xf32, #tpu.memory_space<hbm>>
      %dma_start3A_205 = arith.constant 0 : i32
      %dma_start3A_206 = tpu.memref_slice %arg3[%mul3A_202, %dma_start3A_205] : memref<320000x128xf32, #tpu.memory_space<hbm>> -> memref<80x128xf32, #tpu.memory_space<hbm>>
      tpu.enqueue_dma source(%dma_start3A_206 : memref<80x128xf32, #tpu.memory_space<hbm>>) target(%arg13 : memref<80x128xf32, #tpu.memory_space<vmem>>) target_semaphore(%arg19 : memref<!tpu.dma_semaphore, #tpu.memory_space<semaphore_mem>>)
      %dma_wait3A_207 = arith.constant 0 : i32
      %dma_wait3A_208 = arith.constant 0 : i32
      %dma_wait3A_209 = tpu.memref_slice %arg2[%dma_wait3A_207, %dma_wait3A_208] : memref<10000x128xf32, #tpu.memory_space<hbm>> -> memref<80x128xf32, #tpu.memory_space<hbm>>
      %dma_wait3A_210 = arith.constant 0 : i32
      %dma_wait3A_211 = arith.constant 0 : i32
      %dma_wait3A_212 = tpu.memref_slice %arg2[%dma_wait3A_210, %dma_wait3A_211] : memref<10000x128xf32, #tpu.memory_space<hbm>> -> memref<80x128xf32, #tpu.memory_space<hbm>>
      tpu.wait_dma2 semaphore(%arg18 : memref<!tpu.dma_semaphore, #tpu.memory_space<semaphore_mem>>) src(%dma_wait3A_212 : memref<80x128xf32, #tpu.memory_space<hbm>>) dst(%arg12 : memref<80x128xf32, #tpu.memory_space<vmem>>)
      %dma_wait3A_213 = arith.constant 0 : i32
      %dma_wait3A_214 = arith.constant 0 : i32
      %dma_wait3A_215 = tpu.memref_slice %arg3[%dma_wait3A_213, %dma_wait3A_214] : memref<320000x128xf32, #tpu.memory_space<hbm>> -> memref<80x128xf32, #tpu.memory_space<hbm>>
      %dma_wait3A_216 = arith.constant 0 : i32
      %dma_wait3A_217 = arith.constant 0 : i32
      %dma_wait3A_218 = tpu.memref_slice %arg3[%dma_wait3A_216, %dma_wait3A_217] : memref<320000x128xf32, #tpu.memory_space<hbm>> -> memref<80x128xf32, #tpu.memory_space<hbm>>
      tpu.wait_dma2 semaphore(%arg20 : memref<!tpu.dma_semaphore, #tpu.memory_space<semaphore_mem>>) src(%dma_wait3A_218 : memref<80x128xf32, #tpu.memory_space<hbm>>) dst(%arg14 : memref<80x128xf32, #tpu.memory_space<vmem>>)
      %scan3A_219 = arith.constant 0 : i32
      %scan3A_220 = arith.constant 0 : i32
      %scan3A_221 = arith.constant 80 : i32
      %scan3A_222 = arith.addi %scan3A_220, %scan3A_221 : i32
      %scan3A_223 = arith.constant 1 : i32
      scf.for %scan3A_232 = %scan3A_220 to %scan3A_222 step %scan3A_223  : i32 {
        %get3A = arith.index_cast %scan3A_232 : i32 to index
        %get3A_233 = arith.constant 0 : index
        %get3A_234 = tpu.vector_load %arg12[%get3A, %get3A_233] {strides = array<i32>} : memref<80x128xf32, #tpu.memory_space<vmem>>, vector<16xf32>,
        %get3A_235 = arith.index_cast %scan3A_232 : i32 to index
        %get3A_236 = arith.constant 0 : index
        %get3A_237 = tpu.vector_load %arg14[%get3A_235, %get3A_236] {strides = array<i32>} : memref<80x128xf32, #tpu.memory_space<vmem>>, vector<16xf32>,
        %add3A_238 = arith.addf %get3A_234, %get3A_237 : vector<16xf32>
        %max3A = arith.constant 0.000000e+00 : f32
        %max3A_239 = vector.broadcast %max3A : f32 to vector<16xf32>
        %max3A_240 = arith.maximumf %add3A_238, %max3A_239 : vector<16xf32>
        %swap3A = arith.index_cast %scan3A_232 : i32 to index
        %swap3A_241 = arith.constant 0 : index
        %swap3A_242 = tpu.vector_load %arg14[%swap3A, %swap3A_241] {strides = array<i32>} : memref<80x128xf32, #tpu.memory_space<vmem>>, vector<16xf32>,
        tpu.vector_store %arg14[%swap3A, %swap3A_241], %max3A_240 {strides = array<i32>} : memref<80x128xf32, #tpu.memory_space<vmem>>, vector<16xf32>,
        %get3A_243 = arith.index_cast %scan3A_232 : i32 to index
        %get3A_244 = arith.constant 16 : index
        %get3A_245 = tpu.vector_load %arg12[%get3A_243, %get3A_244] {strides = array<i32>} : memref<80x128xf32, #tpu.memory_space<vmem>>, vector<16xf32>,
        %get3A_246 = arith.index_cast %scan3A_232 : i32 to index
        %get3A_247 = arith.constant 16 : index
        %get3A_248 = tpu.vector_load %arg14[%get3A_246, %get3A_247] {strides = array<i32>} : memref<80x128xf32, #tpu.memory_space<vmem>>, vector<16xf32>,
        %add3A_249 = arith.addf %get3A_245, %get3A_248 : vector<16xf32>
        %max3A_250 = arith.constant 0.000000e+00 : f32
        %max3A_251 = vector.broadcast %max3A_250 : f32 to vector<16xf32>
        %max3A_252 = arith.maximumf %add3A_249, %max3A_251 : vector<16xf32>
        %swap3A_253 = arith.index_cast %scan3A_232 : i32 to index
        %swap3A_254 = arith.constant 16 : index
        %swap3A_255 = tpu.vector_load %arg14[%swap3A_253, %swap3A_254] {strides = array<i32>} : memref<80x128xf32, #tpu.memory_space<vmem>>, vector<16xf32>,
        tpu.vector_store %arg14[%swap3A_253, %swap3A_254], %max3A_252 {strides = array<i32>} : memref<80x128xf32, #tpu.memory_space<vmem>>, vector<16xf32>,
        %get3A_256 = arith.index_cast %scan3A_232 : i32 to index
        %get3A_257 = arith.constant 32 : index
        %get3A_258 = tpu.vector_load %arg12[%get3A_256, %get3A_257] {strides = array<i32>} : memref<80x128xf32, #tpu.memory_space<vmem>>, vector<16xf32>,
        %get3A_259 = arith.index_cast %scan3A_232 : i32 to index
        %get3A_260 = arith.constant 32 : index
        %get3A_261 = tpu.vector_load %arg14[%get3A_259, %get3A_260] {strides = array<i32>} : memref<80x128xf32, #tpu.memory_space<vmem>>, vector<16xf32>,
        %add3A_262 = arith.addf %get3A_258, %get3A_261 : vector<16xf32>
        %max3A_263 = arith.constant 0.000000e+00 : f32
        %max3A_264 = vector.broadcast %max3A_263 : f32 to vector<16xf32>
        %max3A_265 = arith.maximumf %add3A_262, %max3A_264 : vector<16xf32>
        %swap3A_266 = arith.index_cast %scan3A_232 : i32 to index
        %swap3A_267 = arith.constant 32 : index
        %swap3A_268 = tpu.vector_load %arg14[%swap3A_266, %swap3A_267] {strides = array<i32>} : memref<80x128xf32, #tpu.memory_space<vmem>>, vector<16xf32>,
        tpu.vector_store %arg14[%swap3A_266, %swap3A_267], %max3A_265 {strides = array<i32>} : memref<80x128xf32, #tpu.memory_space<vmem>>, vector<16xf32>,
        %get3A_269 = arith.index_cast %scan3A_232 : i32 to index
        %get3A_270 = arith.constant 48 : index
        %get3A_271 = tpu.vector_load %arg12[%get3A_269, %get3A_270] {strides = array<i32>} : memref<80x128xf32, #tpu.memory_space<vmem>>, vector<16xf32>,
        %get3A_272 = arith.index_cast %scan3A_232 : i32 to index
        %get3A_273 = arith.constant 48 : index
        %get3A_274 = tpu.vector_load %arg14[%get3A_272, %get3A_273] {strides = array<i32>} : memref<80x128xf32, #tpu.memory_space<vmem>>, vector<16xf32>,
        %add3A_275 = arith.addf %get3A_271, %get3A_274 : vector<16xf32>
        %max3A_276 = arith.constant 0.000000e+00 : f32
        %max3A_277 = vector.broadcast %max3A_276 : f32 to vector<16xf32>
        %max3A_278 = arith.maximumf %add3A_275, %max3A_277 : vector<16xf32>
        %swap3A_279 = arith.index_cast %scan3A_232 : i32 to index
        %swap3A_280 = arith.constant 48 : index
        %swap3A_281 = tpu.vector_load %arg14[%swap3A_279, %swap3A_280] {strides = array<i32>} : memref<80x128xf32, #tpu.memory_space<vmem>>, vector<16xf32>,
        tpu.vector_store %arg14[%swap3A_279, %swap3A_280], %max3A_278 {strides = array<i32>} : memref<80x128xf32, #tpu.memory_space<vmem>>, vector<16xf32>,
        %get3A_282 = arith.index_cast %scan3A_232 : i32 to index
        %get3A_283 = arith.constant 64 : index
        %get3A_284 = tpu.vector_load %arg12[%get3A_282, %get3A_283] {strides = array<i32>} : memref<80x128xf32, #tpu.memory_space<vmem>>, vector<16xf32>,
        %get3A_285 = arith.index_cast %scan3A_232 : i32 to index
        %get3A_286 = arith.constant 64 : index
        %get3A_287 = tpu.vector_load %arg14[%get3A_285, %get3A_286] {strides = array<i32>} : memref<80x128xf32, #tpu.memory_space<vmem>>, vector<16xf32>,
        %add3A_288 = arith.addf %get3A_284, %get3A_287 : vector<16xf32>
        %max3A_289 = arith.constant 0.000000e+00 : f32
        %max3A_290 = vector.broadcast %max3A_289 : f32 to vector<16xf32>
        %max3A_291 = arith.maximumf %add3A_288, %max3A_290 : vector<16xf32>
        %swap3A_292 = arith.index_cast %scan3A_232 : i32 to index
        %swap3A_293 = arith.constant 64 : index
        %swap3A_294 = tpu.vector_load %arg14[%swap3A_292, %swap3A_293] {strides = array<i32>} : memref<80x128xf32, #tpu.memory_space<vmem>>, vector<16xf32>,
        tpu.vector_store %arg14[%swap3A_292, %swap3A_293], %max3A_291 {strides = array<i32>} : memref<80x128xf32, #tpu.memory_space<vmem>>, vector<16xf32>,
        %get3A_295 = arith.index_cast %scan3A_232 : i32 to index
        %get3A_296 = arith.constant 80 : index
        %get3A_297 = tpu.vector_load %arg12[%get3A_295, %get3A_296] {strides = array<i32>} : memref<80x128xf32, #tpu.memory_space<vmem>>, vector<16xf32>,
        %get3A_298 = arith.index_cast %scan3A_232 : i32 to index
        %get3A_299 = arith.constant 80 : index
        %get3A_300 = tpu.vector_load %arg14[%get3A_298, %get3A_299] {strides = array<i32>} : memref<80x128xf32, #tpu.memory_space<vmem>>, vector<16xf32>,
        %add3A_301 = arith.addf %get3A_297, %get3A_300 : vector<16xf32>
        %max3A_302 = arith.constant 0.000000e+00 : f32
        %max3A_303 = vector.broadcast %max3A_302 : f32 to vector<16xf32>
        %max3A_304 = arith.maximumf %add3A_301, %max3A_303 : vector<16xf32>
        %swap3A_305 = arith.index_cast %scan3A_232 : i32 to index
        %swap3A_306 = arith.constant 80 : index
        %swap3A_307 = tpu.vector_load %arg14[%swap3A_305, %swap3A_306] {strides = array<i32>} : memref<80x128xf32, #tpu.memory_space<vmem>>, vector<16xf32>,
        tpu.vector_store %arg14[%swap3A_305, %swap3A_306], %max3A_304 {strides = array<i32>} : memref<80x128xf32, #tpu.memory_space<vmem>>, vector<16xf32>,
        %get3A_308 = arith.index_cast %scan3A_232 : i32 to index
        %get3A_309 = arith.constant 96 : index
        %get3A_310 = tpu.vector_load %arg12[%get3A_308, %get3A_309] {strides = array<i32>} : memref<80x128xf32, #tpu.memory_space<vmem>>, vector<16xf32>,
        %get3A_311 = arith.index_cast %scan3A_232 : i32 to index
        %get3A_312 = arith.constant 96 : index
        %get3A_313 = tpu.vector_load %arg14[%get3A_311, %get3A_312] {strides = array<i32>} : memref<80x128xf32, #tpu.memory_space<vmem>>, vector<16xf32>,
        %add3A_314 = arith.addf %get3A_310, %get3A_313 : vector<16xf32>
        %max3A_315 = arith.constant 0.000000e+00 : f32
        %max3A_316 = vector.broadcast %max3A_315 : f32 to vector<16xf32>
        %max3A_317 = arith.maximumf %add3A_314, %max3A_316 : vector<16xf32>
        %swap3A_318 = arith.index_cast %scan3A_232 : i32 to index
        %swap3A_319 = arith.constant 96 : index
        %swap3A_320 = tpu.vector_load %arg14[%swap3A_318, %swap3A_319] {strides = array<i32>} : memref<80x128xf32, #tpu.memory_space<vmem>>, vector<16xf32>,
        tpu.vector_store %arg14[%swap3A_318, %swap3A_319], %max3A_317 {strides = array<i32>} : memref<80x128xf32, #tpu.memory_space<vmem>>, vector<16xf32>,
        %get3A_321 = arith.index_cast %scan3A_232 : i32 to index
        %get3A_322 = arith.constant 112 : index
        %get3A_323 = tpu.vector_load %arg12[%get3A_321, %get3A_322] {strides = array<i32>} : memref<80x128xf32, #tpu.memory_space<vmem>>, vector<16xf32>,
        %get3A_324 = arith.index_cast %scan3A_232 : i32 to index
        %get3A_325 = arith.constant 112 : index
        %get3A_326 = tpu.vector_load %arg14[%get3A_324, %get3A_325] {strides = array<i32>} : memref<80x128xf32, #tpu.memory_space<vmem>>, vector<16xf32>,
        %add3A_327 = arith.addf %get3A_323, %get3A_326 : vector<16xf32>
        %max3A_328 = arith.constant 0.000000e+00 : f32
        %max3A_329 = vector.broadcast %max3A_328 : f32 to vector<16xf32>
        %max3A_330 = arith.maximumf %add3A_327, %max3A_329 : vector<16xf32>
        %swap3A_331 = arith.index_cast %scan3A_232 : i32 to index
        %swap3A_332 = arith.constant 112 : index
        %swap3A_333 = tpu.vector_load %arg14[%swap3A_331, %swap3A_332] {strides = array<i32>} : memref<80x128xf32, #tpu.memory_space<vmem>>, vector<16xf32>,
        tpu.vector_store %arg14[%swap3A_331, %swap3A_332], %max3A_330 {strides = array<i32>} : memref<80x128xf32, #tpu.memory_space<vmem>>, vector<16xf32>,
      }
      %scan3A_224 = arith.constant 80 : i32
      %dma_start3A_225 = arith.constant 0 : i32
      %dma_start3A_226 = arith.constant 0 : i32
      %dma_start3A_227 = tpu.memref_slice %arg23[%dma_start3A_225, %dma_start3A_226] : memref<10000x128xf32, #tpu.memory_space<vmem_shared>> -> memref<10000x128xf32, #tpu.memory_space<vmem_shared>>
      tpu.enqueue_indirect_dma source(%arg14 : memref<80x128xf32, #tpu.memory_space<vmem>>) target(%dma_start3A_227 : memref<10000x128xf32, #tpu.memory_space<vmem_shared>>) offsets(%arg10 : memref<80xi32, #tpu.memory_space<vmem>>) semaphore(%arg22 : memref<!tpu.dma_semaphore, #tpu.memory_space<semaphore_mem>>) {add = true}
      %lt3A = arith.constant 61 : i32
      %lt3A_228 = arith.cmpi slt, %scan3A_103, %lt3A : i32
      %convert_element_type3A_229 = arith.extui %lt3A_228 : i1 to i32
      %cond3A_230 = arith.constant 0 : i32
      %cond3A_231 = arith.cmpi ne, %convert_element_type3A_229, %cond3A_230 : i32
      scf.if %cond3A_231 {
        %add3A_232 = arith.constant 2 : i32
        %add3A_233 = arith.addi %add3A_175, %add3A_232 : i32
        %mul3A_234 = arith.constant 2000 : i32
        %mul3A_235 = arith.muli %arg0, %mul3A_234 : i32
        %mul3A_236 = arith.constant 16 : i32
        %mul3A_237 = arith.muli %add3A_233, %mul3A_236 : i32
        %add3A_238 = arith.addi %mul3A_235, %mul3A_237 : i32
        %add3A_239 = arith.addi %add3A_238, %arg1 : i32
        %mul3A_240 = arith.constant 80 : i32
        %mul3A_241 = arith.muli %add3A_239, %mul3A_240 : i32
        %dma_start3A_242 = tpu.memref_slice %arg4[%mul3A_241] : memref<320000xi32, #tpu.memory_space<hbm>> -> memref<80xi32, #tpu.memory_space<hbm>>
        %dma_start3A_243 = tpu.memref_slice %arg4[%mul3A_241] : memref<320000xi32, #tpu.memory_space<hbm>> -> memref<80xi32, #tpu.memory_space<hbm>>
        tpu.enqueue_dma source(%dma_start3A_243 : memref<80xi32, #tpu.memory_space<hbm>>) target(%arg8 : memref<80xi32, #tpu.memory_space<vmem>>) target_semaphore(%arg16 : memref<!tpu.dma_semaphore, #tpu.memory_space<semaphore_mem>>)
        %dma_start3A_244 = tpu.memref_slice %arg5[%mul3A_241] : memref<320000xi32, #tpu.memory_space<hbm>> -> memref<80xi32, #tpu.memory_space<hbm>>
        %dma_start3A_245 = tpu.memref_slice %arg5[%mul3A_241] : memref<320000xi32, #tpu.memory_space<hbm>> -> memref<80xi32, #tpu.memory_space<hbm>>
        tpu.enqueue_dma source(%dma_start3A_245 : memref<80xi32, #tpu.memory_space<hbm>>) target(%arg10 : memref<80xi32, #tpu.memory_space<vmem>>) target_semaphore(%arg16 : memref<!tpu.dma_semaphore, #tpu.memory_space<semaphore_mem>>)
      } else {
      }
    }
    %scan3A_72 = arith.constant 62 : i32
    %dma_wait3A_73 = arith.constant 0 : i32
    %dma_wait3A_74 = arith.constant 0 : i32
    %dma_wait3A_75 = tpu.memref_slice %arg3[%dma_wait3A_73, %dma_wait3A_74] : memref<320000x128xf32, #tpu.memory_space<hbm>> -> memref<80x128xf32, #tpu.memory_space<hbm>>
    %dma_wait3A_76 = arith.constant 0 : i32
    %dma_wait3A_77 = arith.constant 0 : i32
    %dma_wait3A_78 = tpu.memref_slice %arg3[%dma_wait3A_76, %dma_wait3A_77] : memref<320000x128xf32, #tpu.memory_space<hbm>> -> memref<80x128xf32, #tpu.memory_space<hbm>>
    tpu.wait_dma2 semaphore(%arg22 : memref<!tpu.dma_semaphore, #tpu.memory_space<semaphore_mem>>) src(%dma_wait3A_78 : memref<80x128xf32, #tpu.memory_space<hbm>>) dst(%arg14 : memref<80x128xf32, #tpu.memory_space<vmem>>)
    %dma_wait3A_79 = arith.constant 0 : i32
    %dma_wait3A_80 = arith.constant 0 : i32
    %dma_wait3A_81 = tpu.memref_slice %arg2[%dma_wait3A_79, %dma_wait3A_80] : memref<10000x128xf32, #tpu.memory_space<hbm>> -> memref<80x128xf32, #tpu.memory_space<hbm>>
    %dma_wait3A_82 = arith.constant 0 : i32
    %dma_wait3A_83 = arith.constant 0 : i32
    %dma_wait3A_84 = tpu.memref_slice %arg2[%dma_wait3A_82, %dma_wait3A_83] : memref<10000x128xf32, #tpu.memory_space<hbm>> -> memref<80x128xf32, #tpu.memory_space<hbm>>
    tpu.wait_dma2 semaphore(%arg17 : memref<!tpu.dma_semaphore, #tpu.memory_space<semaphore_mem>>) src(%dma_wait3A_84 : memref<80x128xf32, #tpu.memory_space<hbm>>) dst(%arg11 : memref<80x128xf32, #tpu.memory_space<vmem>>)
    %dma_wait3A_85 = arith.constant 0 : i32
    %dma_wait3A_86 = arith.constant 0 : i32
    %dma_wait3A_87 = tpu.memref_slice %arg3[%dma_wait3A_85, %dma_wait3A_86] : memref<320000x128xf32, #tpu.memory_space<hbm>> -> memref<80x128xf32, #tpu.memory_space<hbm>>
    %dma_wait3A_88 = arith.constant 0 : i32
    %dma_wait3A_89 = arith.constant 0 : i32
    %dma_wait3A_90 = tpu.memref_slice %arg3[%dma_wait3A_88, %dma_wait3A_89] : memref<320000x128xf32, #tpu.memory_space<hbm>> -> memref<80x128xf32, #tpu.memory_space<hbm>>
    tpu.wait_dma2 semaphore(%arg19 : memref<!tpu.dma_semaphore, #tpu.memory_space<semaphore_mem>>) src(%dma_wait3A_90 : memref<80x128xf32, #tpu.memory_space<hbm>>) dst(%arg13 : memref<80x128xf32, #tpu.memory_space<vmem>>)
    %scan3A_91 = arith.constant 0 : i32
    %scan3A_92 = arith.constant 0 : i32
    %scan3A_93 = arith.constant 80 : i32
    %scan3A_94 = arith.addi %scan3A_92, %scan3A_93 : i32
    %scan3A_95 = arith.constant 1 : i32
    scf.for %scan3A_103 = %scan3A_92 to %scan3A_94 step %scan3A_95  : i32 {
      %get3A = arith.index_cast %scan3A_103 : i32 to index
      %get3A_104 = arith.constant 0 : index
      %get3A_105 = tpu.vector_load %arg11[%get3A, %get3A_104] {strides = array<i32>} : memref<80x128xf32, #tpu.memory_space<vmem>>, vector<16xf32>,
      %get3A_106 = arith.index_cast %scan3A_103 : i32 to index
      %get3A_107 = arith.constant 0 : index
      %get3A_108 = tpu.vector_load %arg13[%get3A_106, %get3A_107] {strides = array<i32>} : memref<80x128xf32, #tpu.memory_space<vmem>>, vector<16xf32>,
      %add3A_109 = arith.addf %get3A_105, %get3A_108 : vector<16xf32>
      %max3A = arith.constant 0.000000e+00 : f32
      %max3A_110 = vector.broadcast %max3A : f32 to vector<16xf32>
      %max3A_111 = arith.maximumf %add3A_109, %max3A_110 : vector<16xf32>
      %swap3A = arith.index_cast %scan3A_103 : i32 to index
      %swap3A_112 = arith.constant 0 : index
      %swap3A_113 = tpu.vector_load %arg13[%swap3A, %swap3A_112] {strides = array<i32>} : memref<80x128xf32, #tpu.memory_space<vmem>>, vector<16xf32>,
      tpu.vector_store %arg13[%swap3A, %swap3A_112], %max3A_111 {strides = array<i32>} : memref<80x128xf32, #tpu.memory_space<vmem>>, vector<16xf32>,
      %get3A_114 = arith.index_cast %scan3A_103 : i32 to index
      %get3A_115 = arith.constant 16 : index
      %get3A_116 = tpu.vector_load %arg11[%get3A_114, %get3A_115] {strides = array<i32>} : memref<80x128xf32, #tpu.memory_space<vmem>>, vector<16xf32>,
      %get3A_117 = arith.index_cast %scan3A_103 : i32 to index
      %get3A_118 = arith.constant 16 : index
      %get3A_119 = tpu.vector_load %arg13[%get3A_117, %get3A_118] {strides = array<i32>} : memref<80x128xf32, #tpu.memory_space<vmem>>, vector<16xf32>,
      %add3A_120 = arith.addf %get3A_116, %get3A_119 : vector<16xf32>
      %max3A_121 = arith.constant 0.000000e+00 : f32
      %max3A_122 = vector.broadcast %max3A_121 : f32 to vector<16xf32>
      %max3A_123 = arith.maximumf %add3A_120, %max3A_122 : vector<16xf32>
      %swap3A_124 = arith.index_cast %scan3A_103 : i32 to index
      %swap3A_125 = arith.constant 16 : index
      %swap3A_126 = tpu.vector_load %arg13[%swap3A_124, %swap3A_125] {strides = array<i32>} : memref<80x128xf32, #tpu.memory_space<vmem>>, vector<16xf32>,
      tpu.vector_store %arg13[%swap3A_124, %swap3A_125], %max3A_123 {strides = array<i32>} : memref<80x128xf32, #tpu.memory_space<vmem>>, vector<16xf32>,
      %get3A_127 = arith.index_cast %scan3A_103 : i32 to index
      %get3A_128 = arith.constant 32 : index
      %get3A_129 = tpu.vector_load %arg11[%get3A_127, %get3A_128] {strides = array<i32>} : memref<80x128xf32, #tpu.memory_space<vmem>>, vector<16xf32>,
      %get3A_130 = arith.index_cast %scan3A_103 : i32 to index
      %get3A_131 = arith.constant 32 : index
      %get3A_132 = tpu.vector_load %arg13[%get3A_130, %get3A_131] {strides = array<i32>} : memref<80x128xf32, #tpu.memory_space<vmem>>, vector<16xf32>,
      %add3A_133 = arith.addf %get3A_129, %get3A_132 : vector<16xf32>
      %max3A_134 = arith.constant 0.000000e+00 : f32
      %max3A_135 = vector.broadcast %max3A_134 : f32 to vector<16xf32>
      %max3A_136 = arith.maximumf %add3A_133, %max3A_135 : vector<16xf32>
      %swap3A_137 = arith.index_cast %scan3A_103 : i32 to index
      %swap3A_138 = arith.constant 32 : index
      %swap3A_139 = tpu.vector_load %arg13[%swap3A_137, %swap3A_138] {strides = array<i32>} : memref<80x128xf32, #tpu.memory_space<vmem>>, vector<16xf32>,
      tpu.vector_store %arg13[%swap3A_137, %swap3A_138], %max3A_136 {strides = array<i32>} : memref<80x128xf32, #tpu.memory_space<vmem>>, vector<16xf32>,
      %get3A_140 = arith.index_cast %scan3A_103 : i32 to index
      %get3A_141 = arith.constant 48 : index
      %get3A_142 = tpu.vector_load %arg11[%get3A_140, %get3A_141] {strides = array<i32>} : memref<80x128xf32, #tpu.memory_space<vmem>>, vector<16xf32>,
      %get3A_143 = arith.index_cast %scan3A_103 : i32 to index
      %get3A_144 = arith.constant 48 : index
      %get3A_145 = tpu.vector_load %arg13[%get3A_143, %get3A_144] {strides = array<i32>} : memref<80x128xf32, #tpu.memory_space<vmem>>, vector<16xf32>,
      %add3A_146 = arith.addf %get3A_142, %get3A_145 : vector<16xf32>
      %max3A_147 = arith.constant 0.000000e+00 : f32
      %max3A_148 = vector.broadcast %max3A_147 : f32 to vector<16xf32>
      %max3A_149 = arith.maximumf %add3A_146, %max3A_148 : vector<16xf32>
      %swap3A_150 = arith.index_cast %scan3A_103 : i32 to index
      %swap3A_151 = arith.constant 48 : index
      %swap3A_152 = tpu.vector_load %arg13[%swap3A_150, %swap3A_151] {strides = array<i32>} : memref<80x128xf32, #tpu.memory_space<vmem>>, vector<16xf32>,
      tpu.vector_store %arg13[%swap3A_150, %swap3A_151], %max3A_149 {strides = array<i32>} : memref<80x128xf32, #tpu.memory_space<vmem>>, vector<16xf32>,
      %get3A_153 = arith.index_cast %scan3A_103 : i32 to index
      %get3A_154 = arith.constant 64 : index
      %get3A_155 = tpu.vector_load %arg11[%get3A_153, %get3A_154] {strides = array<i32>} : memref<80x128xf32, #tpu.memory_space<vmem>>, vector<16xf32>,
      %get3A_156 = arith.index_cast %scan3A_103 : i32 to index
      %get3A_157 = arith.constant 64 : index
      %get3A_158 = tpu.vector_load %arg13[%get3A_156, %get3A_157] {strides = array<i32>} : memref<80x128xf32, #tpu.memory_space<vmem>>, vector<16xf32>,
      %add3A_159 = arith.addf %get3A_155, %get3A_158 : vector<16xf32>
      %max3A_160 = arith.constant 0.000000e+00 : f32
      %max3A_161 = vector.broadcast %max3A_160 : f32 to vector<16xf32>
      %max3A_162 = arith.maximumf %add3A_159, %max3A_161 : vector<16xf32>
      %swap3A_163 = arith.index_cast %scan3A_103 : i32 to index
      %swap3A_164 = arith.constant 64 : index
      %swap3A_165 = tpu.vector_load %arg13[%swap3A_163, %swap3A_164] {strides = array<i32>} : memref<80x128xf32, #tpu.memory_space<vmem>>, vector<16xf32>,
      tpu.vector_store %arg13[%swap3A_163, %swap3A_164], %max3A_162 {strides = array<i32>} : memref<80x128xf32, #tpu.memory_space<vmem>>, vector<16xf32>,
      %get3A_166 = arith.index_cast %scan3A_103 : i32 to index
      %get3A_167 = arith.constant 80 : index
      %get3A_168 = tpu.vector_load %arg11[%get3A_166, %get3A_167] {strides = array<i32>} : memref<80x128xf32, #tpu.memory_space<vmem>>, vector<16xf32>,
      %get3A_169 = arith.index_cast %scan3A_103 : i32 to index
      %get3A_170 = arith.constant 80 : index
      %get3A_171 = tpu.vector_load %arg13[%get3A_169, %get3A_170] {strides = array<i32>} : memref<80x128xf32, #tpu.memory_space<vmem>>, vector<16xf32>,
      %add3A_172 = arith.addf %get3A_168, %get3A_171 : vector<16xf32>
      %max3A_173 = arith.constant 0.000000e+00 : f32
      %max3A_174 = vector.broadcast %max3A_173 : f32 to vector<16xf32>
      %max3A_175 = arith.maximumf %add3A_172, %max3A_174 : vector<16xf32>
      %swap3A_176 = arith.index_cast %scan3A_103 : i32 to index
      %swap3A_177 = arith.constant 80 : index
      %swap3A_178 = tpu.vector_load %arg13[%swap3A_176, %swap3A_177] {strides = array<i32>} : memref<80x128xf32, #tpu.memory_space<vmem>>, vector<16xf32>,
      tpu.vector_store %arg13[%swap3A_176, %swap3A_177], %max3A_175 {strides = array<i32>} : memref<80x128xf32, #tpu.memory_space<vmem>>, vector<16xf32>,
      %get3A_179 = arith.index_cast %scan3A_103 : i32 to index
      %get3A_180 = arith.constant 96 : index
      %get3A_181 = tpu.vector_load %arg11[%get3A_179, %get3A_180] {strides = array<i32>} : memref<80x128xf32, #tpu.memory_space<vmem>>, vector<16xf32>,
      %get3A_182 = arith.index_cast %scan3A_103 : i32 to index
      %get3A_183 = arith.constant 96 : index
      %get3A_184 = tpu.vector_load %arg13[%get3A_182, %get3A_183] {strides = array<i32>} : memref<80x128xf32, #tpu.memory_space<vmem>>, vector<16xf32>,
      %add3A_185 = arith.addf %get3A_181, %get3A_184 : vector<16xf32>
      %max3A_186 = arith.constant 0.000000e+00 : f32
      %max3A_187 = vector.broadcast %max3A_186 : f32 to vector<16xf32>
      %max3A_188 = arith.maximumf %add3A_185, %max3A_187 : vector<16xf32>
      %swap3A_189 = arith.index_cast %scan3A_103 : i32 to index
      %swap3A_190 = arith.constant 96 : index
      %swap3A_191 = tpu.vector_load %arg13[%swap3A_189, %swap3A_190] {strides = array<i32>} : memref<80x128xf32, #tpu.memory_space<vmem>>, vector<16xf32>,
      tpu.vector_store %arg13[%swap3A_189, %swap3A_190], %max3A_188 {strides = array<i32>} : memref<80x128xf32, #tpu.memory_space<vmem>>, vector<16xf32>,
      %get3A_192 = arith.index_cast %scan3A_103 : i32 to index
      %get3A_193 = arith.constant 112 : index
      %get3A_194 = tpu.vector_load %arg11[%get3A_192, %get3A_193] {strides = array<i32>} : memref<80x128xf32, #tpu.memory_space<vmem>>, vector<16xf32>,
      %get3A_195 = arith.index_cast %scan3A_103 : i32 to index
      %get3A_196 = arith.constant 112 : index
      %get3A_197 = tpu.vector_load %arg13[%get3A_195, %get3A_196] {strides = array<i32>} : memref<80x128xf32, #tpu.memory_space<vmem>>, vector<16xf32>,
      %add3A_198 = arith.addf %get3A_194, %get3A_197 : vector<16xf32>
      %max3A_199 = arith.constant 0.000000e+00 : f32
      %max3A_200 = vector.broadcast %max3A_199 : f32 to vector<16xf32>
      %max3A_201 = arith.maximumf %add3A_198, %max3A_200 : vector<16xf32>
      %swap3A_202 = arith.index_cast %scan3A_103 : i32 to index
      %swap3A_203 = arith.constant 112 : index
      %swap3A_204 = tpu.vector_load %arg13[%swap3A_202, %swap3A_203] {strides = array<i32>} : memref<80x128xf32, #tpu.memory_space<vmem>>, vector<16xf32>,
      tpu.vector_store %arg13[%swap3A_202, %swap3A_203], %max3A_201 {strides = array<i32>} : memref<80x128xf32, #tpu.memory_space<vmem>>, vector<16xf32>,
    }
    %scan3A_96 = arith.constant 80 : i32
    "tpu.region"() ({
      %run_scoped3A = tpu.sem_alloc : memref<!tpu.dma_semaphore, #tpu.memory_space<semaphore_mem>>
      %dma_start3A_103 = arith.constant 0 : i32
      %dma_start3A_104 = arith.constant 0 : i32
      %dma_start3A_105 = tpu.memref_slice %arg23[%dma_start3A_103, %dma_start3A_104] : memref<10000x128xf32, #tpu.memory_space<vmem_shared>> -> memref<10000x128xf32, #tpu.memory_space<vmem_shared>>
      tpu.enqueue_indirect_dma source(%arg13 : memref<80x128xf32, #tpu.memory_space<vmem>>) target(%dma_start3A_105 : memref<10000x128xf32, #tpu.memory_space<vmem_shared>>) offsets(%arg9 : memref<80xi32, #tpu.memory_space<vmem>>) semaphore(%run_scoped3A : memref<!tpu.dma_semaphore, #tpu.memory_space<semaphore_mem>>) {add = true}
      %dma_wait3A_106 = arith.constant 0 : i32
      %dma_wait3A_107 = arith.constant 0 : i32
      %dma_wait3A_108 = tpu.memref_slice %arg23[%dma_wait3A_106, %dma_wait3A_107] : memref<10000x128xf32, #tpu.memory_space<vmem_shared>> -> memref<10000x128xf32, #tpu.memory_space<vmem_shared>>
      tpu.wait_indirect_dma semaphore(%run_scoped3A : memref<!tpu.dma_semaphore, #tpu.memory_space<semaphore_mem>>) src(%arg13 : memref<80x128xf32, #tpu.memory_space<vmem>>) dst(%dma_wait3A_108 : memref<10000x128xf32, #tpu.memory_space<vmem_shared>>)
      tpu.yield
    }) : () -> ()
    %barrier3A_97 = arith.constant 0 : index
    tpu.barrier barrier_id(%barrier3A_97)
    "tpu.region"() ({
      %run_scoped3A = tpu.sem_alloc : memref<!tpu.dma_semaphore, #tpu.memory_space<semaphore_mem>>
      %dma_start3A_103 = arith.constant 0 : i32
      %dma_start3A_104 = tpu.memref_slice %arg6[%arg0, %mul3A_6, %dma_start3A_103] : memref<2x10000x128xf32, #tpu.memory_space<hbm>> -> memref<1x624x128xf32, #tpu.memory_space<hbm>>
      %dma_start3A_105 = tpu.memref_squeeze %dma_start3A_104 : memref<1x624x128xf32, #tpu.memory_space<hbm>> -> memref<624x128xf32, #tpu.memory_space<hbm>>
      %dma_start3A_106 = arith.constant 0 : i32
      %dma_start3A_107 = tpu.memref_slice %arg23[%mul3A_6, %dma_start3A_106] : memref<10000x128xf32, #tpu.memory_space<vmem_shared>> -> memref<624x128xf32, #tpu.memory_space<vmem_shared>>
      tpu.enqueue_dma source(%dma_start3A_107 : memref<624x128xf32, #tpu.memory_space<vmem_shared>>) target(%dma_start3A_105 : memref<624x128xf32, #tpu.memory_space<hbm>>) target_semaphore(%run_scoped3A : memref<!tpu.dma_semaphore, #tpu.memory_space<semaphore_mem>>)
      %dma_wait3A_108 = arith.constant 0 : i32
      %dma_wait3A_109 = tpu.memref_slice %arg6[%arg0, %mul3A_6, %dma_wait3A_108] : memref<2x10000x128xf32, #tpu.memory_space<hbm>> -> memref<1x624x128xf32, #tpu.memory_space<hbm>>
      %dma_wait3A_110 = tpu.memref_squeeze %dma_wait3A_109 : memref<1x624x128xf32, #tpu.memory_space<hbm>> -> memref<624x128xf32, #tpu.memory_space<hbm>>
      %dma_wait3A_111 = arith.constant 0 : i32
      %dma_wait3A_112 = tpu.memref_slice %arg23[%mul3A_6, %dma_wait3A_111] : memref<10000x128xf32, #tpu.memory_space<vmem_shared>> -> memref<624x128xf32, #tpu.memory_space<vmem_shared>>
      tpu.wait_dma2 semaphore(%run_scoped3A : memref<!tpu.dma_semaphore, #tpu.memory_space<semaphore_mem>>) src(%dma_wait3A_112 : memref<624x128xf32, #tpu.memory_space<vmem_shared>>) dst(%dma_wait3A_110 : memref<624x128xf32, #tpu.memory_space<hbm>>)
      tpu.yield
    }) : () -> ()
    %eq3A_98 = arith.constant 15 : i32
    %eq3A_99 = arith.cmpi eq, %arg1, %eq3A_98 : i32
    %convert_element_type3A_100 = arith.extui %eq3A_99 : i1 to i32
    %cond3A_101 = arith.constant 0 : i32
    %cond3A_102 = arith.cmpi ne, %convert_element_type3A_100, %cond3A_101 : i32
    scf.if %cond3A_102 {
      "tpu.region"() ({
        %run_scoped3A = tpu.sem_alloc : memref<!tpu.dma_semaphore, #tpu.memory_space<semaphore_mem>>
        %dma_start3A_103 = arith.constant 9984 : i32
        %dma_start3A_104 = arith.constant 0 : i32
        %dma_start3A_105 = tpu.memref_slice %arg6[%arg0, %dma_start3A_103, %dma_start3A_104] : memref<2x10000x128xf32, #tpu.memory_space<hbm>> -> memref<1x16x128xf32, #tpu.memory_space<hbm>>
        %dma_start3A_106 = tpu.memref_squeeze %dma_start3A_105 : memref<1x16x128xf32, #tpu.memory_space<hbm>> -> memref<16x128xf32, #tpu.memory_space<hbm>>
        %dma_start3A_107 = arith.constant 9984 : i32
        %dma_start3A_108 = arith.constant 0 : i32
        %dma_start3A_109 = tpu.memref_slice %arg23[%dma_start3A_107, %dma_start3A_108] : memref<10000x128xf32, #tpu.memory_space<vmem_shared>> -> memref<16x128xf32, #tpu.memory_space<vmem_shared>>
        tpu.enqueue_dma source(%dma_start3A_109 : memref<16x128xf32, #tpu.memory_space<vmem_shared>>) target(%dma_start3A_106 : memref<16x128xf32, #tpu.memory_space<hbm>>) target_semaphore(%run_scoped3A : memref<!tpu.dma_semaphore, #tpu.memory_space<semaphore_mem>>)
        %dma_wait3A_110 = arith.constant 9984 : i32
        %dma_wait3A_111 = arith.constant 0 : i32
        %dma_wait3A_112 = tpu.memref_slice %arg6[%arg0, %dma_wait3A_110, %dma_wait3A_111] : memref<2x10000x128xf32, #tpu.memory_space<hbm>> -> memref<1x16x128xf32, #tpu.memory_space<hbm>>
        %dma_wait3A_113 = tpu.memref_squeeze %dma_wait3A_112 : memref<1x16x128xf32, #tpu.memory_space<hbm>> -> memref<16x128xf32, #tpu.memory_space<hbm>>
        %dma_wait3A_114 = arith.constant 9984 : i32
        %dma_wait3A_115 = arith.constant 0 : i32
        %dma_wait3A_116 = tpu.memref_slice %arg23[%dma_wait3A_114, %dma_wait3A_115] : memref<10000x128xf32, #tpu.memory_space<vmem_shared>> -> memref<16x128xf32, #tpu.memory_space<vmem_shared>>
        tpu.wait_dma2 semaphore(%run_scoped3A : memref<!tpu.dma_semaphore, #tpu.memory_space<semaphore_mem>>) src(%dma_wait3A_116 : memref<16x128xf32, #tpu.memory_space<vmem_shared>>) dst(%dma_wait3A_113 : memref<16x128xf32, #tpu.memory_space<hbm>>)
        tpu.yield
      }) : () -> ()
    } else {
    }
    return
  }
}

module attributes {stable_mosaic.version = 14 : i64} {
  func.func @_edge_mm_body(%arg0: i32, %arg1: memref<1280x128xf32, #tpu.memory_space<vmem>>, %arg2: memref<128x128xf32, #tpu.memory_space<vmem>>, %arg3: memref<1x128xf32, #tpu.memory_space<vmem>>, %arg4: memref<1280x128xf32, #tpu.memory_space<vmem>>) attributes {dimension_semantics = [#tpu.dimension_semantics<arbitrary>], iteration_bounds = array<i64: 250>, scalar_prefetch = 0 : i64, scratch_operands = 0 : i64, tpu.core_type = #tpu.core_type<tc>, window_params = [{transform_indices = @transform_0, window_bounds = array<i64: 1280, 128>}, {pipeline_mode = #tpu.pipeline_mode<synchronous>, transform_indices = @transform_1, window_bounds = array<i64: 128, 128>}, {pipeline_mode = #tpu.pipeline_mode<synchronous>, transform_indices = @transform_2, window_bounds = array<i64: 1, 128>}, {transform_indices = @transform_3, window_bounds = array<i64: 1280, 128>}]} {
    %get3A = arith.constant 0 : index
    %get3A_0 = arith.constant 0 : index
    %get3A_1 = vector.load %arg1[%get3A, %get3A_0] : memref<1280x128xf32, #tpu.memory_space<vmem>>, vector<1280x128xf32>
    %get3A_2 = arith.constant 0 : index
    %get3A_3 = arith.constant 0 : index
    %get3A_4 = vector.load %arg2[%get3A_2, %get3A_3] : memref<128x128xf32, #tpu.memory_space<vmem>>, vector<128x128xf32>
    %dot_general3A = arith.constant dense<0.000000e+00> : vector<1280x128xf32>
    %dot_general3A_5 = tpu.matmul %get3A_1, %get3A_4, %dot_general3A {dimension_numbers = #tpu.dot_dimension_numbers<[1], [0], [0], [1], [0, 0, 1, 1], [], []>, transpose_lhs_hint = false} : vector<1280x128xf32>, vector<128x128xf32>, vector<1280x128xf32> -> vector<1280x128xf32>
    %get3A_6 = arith.constant 0 : index
    %get3A_7 = arith.constant 0 : index
    %get3A_8 = vector.load %arg3[%get3A_6, %get3A_7] : memref<1x128xf32, #tpu.memory_space<vmem>>, vector<1x128xf32>
    %add3A = vector.broadcast %get3A_8 : vector<1x128xf32> to vector<1280x128xf32>
    %add3A_9 = arith.addf %dot_general3A_5, %add3A : vector<1280x128xf32>
    %swap3A = arith.constant 0 : index
    %swap3A_10 = arith.constant 0 : index
    %swap3A_11 = vector.load %arg4[%swap3A, %swap3A_10] : memref<1280x128xf32, #tpu.memory_space<vmem>>, vector<1280x128xf32>
    tpu.vector_store %arg4[%swap3A, %swap3A_10], %add3A_9 {strides = array<i32>} : memref<1280x128xf32, #tpu.memory_space<vmem>>, vector<1280x128xf32>,
    return
  }
  func.func @transform_0(%arg0: i32) -> (i32, i32) {
    %c0_i32 = arith.constant 0 : i32
    %c0_i32_0 = arith.constant 0 : i32
    return %arg0, %c0_i32 : i32, i32
  }
  func.func @transform_1(%arg0: i32) -> (i32, i32) {
    %c0_i32 = arith.constant 0 : i32
    %c0_i32_0 = arith.constant 0 : i32
    %c0_i32_1 = arith.constant 0 : i32
    return %c0_i32, %c0_i32_0 : i32, i32
  }
  func.func @transform_2(%arg0: i32) -> (i32, i32) {
    %c0_i32 = arith.constant 0 : i32
    %c0_i32_0 = arith.constant 0 : i32
    %c0_i32_1 = arith.constant 0 : i32
    return %c0_i32, %c0_i32_0 : i32, i32
  }
  func.func @transform_3(%arg0: i32) -> (i32, i32) {
    %c0_i32 = arith.constant 0 : i32
    %c0_i32_0 = arith.constant 0 : i32
    return %arg0, %c0_i32 : i32, i32
  }
}

module attributes {stable_mosaic.version = 14 : i64} {
  func.func @_bn_in_body(%arg0: memref<10000x128xf32, #tpu.memory_space<vmem>>, %arg1: memref<1x128xf32, #tpu.memory_space<vmem>>, %arg2: memref<1x128xf32, #tpu.memory_space<vmem>>, %arg3: memref<10000x128xf32, #tpu.memory_space<vmem>>) attributes {dimension_semantics = [], scalar_prefetch = 0 : i64, scratch_operands = 0 : i64, tpu.core_type = #tpu.core_type<tc>} {
    %get3A = arith.constant 0 : index
    %get3A_0 = arith.constant 0 : index
    %get3A_1 = vector.load %arg0[%get3A, %get3A_0] : memref<10000x128xf32, #tpu.memory_space<vmem>>, vector<10000x128xf32>
    %get3A_2 = arith.constant 0 : index
    %get3A_3 = arith.constant 0 : index
    %get3A_4 = vector.load %arg1[%get3A_2, %get3A_3] : memref<1x128xf32, #tpu.memory_space<vmem>>, vector<1x128xf32>
    %get3A_5 = arith.constant 0 : index
    %get3A_6 = arith.constant 0 : index
    %get3A_7 = vector.load %arg2[%get3A_5, %get3A_6] : memref<1x128xf32, #tpu.memory_space<vmem>>, vector<1x128xf32>
    %reduce_sum3A = arith.constant dense<0.000000e+00> : vector<128xf32>
    %reduce_sum3A_8 = vector.multi_reduction <add>, %get3A_1, %reduce_sum3A [0] : vector<10000x128xf32> to vector<128xf32>
    %div3A = arith.constant 1.000000e+04 : f32
    %div3A_9 = vector.broadcast %div3A : f32 to vector<128xf32>
    %div3A_10 = arith.divf %reduce_sum3A_8, %div3A_9 : vector<128xf32>
    %broadcast_in_dim3A = vector.shape_cast %div3A_10 : vector<128xf32> to vector<1x128xf32>
    %sub3A = vector.broadcast %broadcast_in_dim3A : vector<1x128xf32> to vector<10000x128xf32>
    %sub3A_11 = arith.subf %get3A_1, %sub3A : vector<10000x128xf32>
    %integer_pow3A = arith.mulf %sub3A_11, %sub3A_11 : vector<10000x128xf32>
    %reduce_sum3A_12 = arith.constant dense<0.000000e+00> : vector<128xf32>
    %reduce_sum3A_13 = vector.multi_reduction <add>, %integer_pow3A, %reduce_sum3A_12 [0] : vector<10000x128xf32> to vector<128xf32>
    %div3A_14 = arith.constant 1.000000e+04 : f32
    %div3A_15 = vector.broadcast %div3A_14 : f32 to vector<128xf32>
    %div3A_16 = arith.divf %reduce_sum3A_13, %div3A_15 : vector<128xf32>
    %broadcast_in_dim3A_17 = vector.shape_cast %div3A_10 : vector<128xf32> to vector<1x128xf32>
    %sub3A_18 = vector.broadcast %broadcast_in_dim3A_17 : vector<1x128xf32> to vector<10000x128xf32>
    %sub3A_19 = arith.subf %get3A_1, %sub3A_18 : vector<10000x128xf32>
    %add3A = arith.constant 9.99999974E-6 : f32
    %add3A_20 = vector.broadcast %add3A : f32 to vector<128xf32>
    %add3A_21 = arith.addf %div3A_16, %add3A_20 : vector<128xf32>
    %sqrt3A = math.sqrt %add3A_21 : vector<128xf32>
    %broadcast_in_dim3A_22 = vector.shape_cast %sqrt3A : vector<128xf32> to vector<1x128xf32>
    %div3A_23 = vector.broadcast %broadcast_in_dim3A_22 : vector<1x128xf32> to vector<10000x128xf32>
    %div3A_24 = arith.divf %sub3A_19, %div3A_23 : vector<10000x128xf32>
    %mul3A = vector.broadcast %get3A_4 : vector<1x128xf32> to vector<10000x128xf32>
    %mul3A_25 = arith.mulf %div3A_24, %mul3A : vector<10000x128xf32>
    %add3A_26 = vector.broadcast %get3A_7 : vector<1x128xf32> to vector<10000x128xf32>
    %add3A_27 = arith.addf %mul3A_25, %add3A_26 : vector<10000x128xf32>
    %swap3A = arith.constant 0 : index
    %swap3A_28 = arith.constant 0 : index
    %swap3A_29 = vector.load %arg3[%swap3A, %swap3A_28] : memref<10000x128xf32, #tpu.memory_space<vmem>>, vector<10000x128xf32>
    tpu.vector_store %arg3[%swap3A, %swap3A_28], %add3A_27 {strides = array<i32>} : memref<10000x128xf32, #tpu.memory_space<vmem>>, vector<10000x128xf32>,
    return
  }
}

module attributes {stable_mosaic.version = 14 : i64} {
  func.func @_node0_body(%arg0: memref<10000x128xf32, #tpu.memory_space<vmem>>, %arg1: memref<10000x128xf32, #tpu.memory_space<vmem>>, %arg2: memref<10000x128xf32, #tpu.memory_space<vmem>>, %arg3: memref<128x128xf32, #tpu.memory_space<vmem>>, %arg4: memref<1x128xf32, #tpu.memory_space<vmem>>, %arg5: memref<1x128xf32, #tpu.memory_space<vmem>>, %arg6: memref<1x128xf32, #tpu.memory_space<vmem>>, %arg7: memref<10000x128xf32, #tpu.memory_space<vmem>>) attributes {dimension_semantics = [], scalar_prefetch = 0 : i64, scratch_operands = 0 : i64, tpu.core_type = #tpu.core_type<tc>} {
    %get3A = arith.constant 0 : index
    %get3A_0 = arith.constant 0 : index
    %get3A_1 = vector.load %arg0[%get3A, %get3A_0] : memref<10000x128xf32, #tpu.memory_space<vmem>>, vector<10000x128xf32>
    %get3A_2 = arith.constant 0 : index
    %get3A_3 = arith.constant 0 : index
    %get3A_4 = vector.load %arg1[%get3A_2, %get3A_3] : memref<10000x128xf32, #tpu.memory_space<vmem>>, vector<10000x128xf32>
    %add3A = arith.addf %get3A_1, %get3A_4 : vector<10000x128xf32>
    %get3A_5 = arith.constant 0 : index
    %get3A_6 = arith.constant 0 : index
    %get3A_7 = vector.load %arg2[%get3A_5, %get3A_6] : memref<10000x128xf32, #tpu.memory_space<vmem>>, vector<10000x128xf32>
    %add3A_8 = arith.addf %add3A, %get3A_7 : vector<10000x128xf32>
    %get3A_9 = arith.constant 0 : index
    %get3A_10 = arith.constant 0 : index
    %get3A_11 = vector.load %arg3[%get3A_9, %get3A_10] : memref<128x128xf32, #tpu.memory_space<vmem>>, vector<128x128xf32>
    %dot_general3A = arith.constant dense<0.000000e+00> : vector<10000x128xf32>
    %dot_general3A_12 = tpu.matmul %add3A_8, %get3A_11, %dot_general3A {dimension_numbers = #tpu.dot_dimension_numbers<[1], [0], [0], [1], [0, 0, 1, 1], [], []>, transpose_lhs_hint = false} : vector<10000x128xf32>, vector<128x128xf32>, vector<10000x128xf32> -> vector<10000x128xf32>
    %get3A_13 = arith.constant 0 : index
    %get3A_14 = arith.constant 0 : index
    %get3A_15 = vector.load %arg4[%get3A_13, %get3A_14] : memref<1x128xf32, #tpu.memory_space<vmem>>, vector<1x128xf32>
    %add3A_16 = vector.broadcast %get3A_15 : vector<1x128xf32> to vector<10000x128xf32>
    %add3A_17 = arith.addf %dot_general3A_12, %add3A_16 : vector<10000x128xf32>
    %tanh3A = math.tanh %add3A_17 : vector<10000x128xf32>
    %get3A_18 = arith.constant 0 : index
    %get3A_19 = arith.constant 0 : index
    %get3A_20 = vector.load %arg5[%get3A_18, %get3A_19] : memref<1x128xf32, #tpu.memory_space<vmem>>, vector<1x128xf32>
    %get3A_21 = arith.constant 0 : index
    %get3A_22 = arith.constant 0 : index
    %get3A_23 = vector.load %arg6[%get3A_21, %get3A_22] : memref<1x128xf32, #tpu.memory_space<vmem>>, vector<1x128xf32>
    %reduce_sum3A = arith.constant dense<0.000000e+00> : vector<128xf32>
    %reduce_sum3A_24 = vector.multi_reduction <add>, %tanh3A, %reduce_sum3A [0] : vector<10000x128xf32> to vector<128xf32>
    %div3A = arith.constant 1.000000e+04 : f32
    %div3A_25 = vector.broadcast %div3A : f32 to vector<128xf32>
    %div3A_26 = arith.divf %reduce_sum3A_24, %div3A_25 : vector<128xf32>
    %broadcast_in_dim3A = vector.shape_cast %div3A_26 : vector<128xf32> to vector<1x128xf32>
    %sub3A = vector.broadcast %broadcast_in_dim3A : vector<1x128xf32> to vector<10000x128xf32>
    %sub3A_27 = arith.subf %tanh3A, %sub3A : vector<10000x128xf32>
    %integer_pow3A = arith.mulf %sub3A_27, %sub3A_27 : vector<10000x128xf32>
    %reduce_sum3A_28 = arith.constant dense<0.000000e+00> : vector<128xf32>
    %reduce_sum3A_29 = vector.multi_reduction <add>, %integer_pow3A, %reduce_sum3A_28 [0] : vector<10000x128xf32> to vector<128xf32>
    %div3A_30 = arith.constant 1.000000e+04 : f32
    %div3A_31 = vector.broadcast %div3A_30 : f32 to vector<128xf32>
    %div3A_32 = arith.divf %reduce_sum3A_29, %div3A_31 : vector<128xf32>
    %broadcast_in_dim3A_33 = vector.shape_cast %div3A_26 : vector<128xf32> to vector<1x128xf32>
    %sub3A_34 = vector.broadcast %broadcast_in_dim3A_33 : vector<1x128xf32> to vector<10000x128xf32>
    %sub3A_35 = arith.subf %tanh3A, %sub3A_34 : vector<10000x128xf32>
    %add3A_36 = arith.constant 9.99999974E-6 : f32
    %add3A_37 = vector.broadcast %add3A_36 : f32 to vector<128xf32>
    %add3A_38 = arith.addf %div3A_32, %add3A_37 : vector<128xf32>
    %sqrt3A = math.sqrt %add3A_38 : vector<128xf32>
    %broadcast_in_dim3A_39 = vector.shape_cast %sqrt3A : vector<128xf32> to vector<1x128xf32>
    %div3A_40 = vector.broadcast %broadcast_in_dim3A_39 : vector<1x128xf32> to vector<10000x128xf32>
    %div3A_41 = arith.divf %sub3A_35, %div3A_40 : vector<10000x128xf32>
    %mul3A = vector.broadcast %get3A_20 : vector<1x128xf32> to vector<10000x128xf32>
    %mul3A_42 = arith.mulf %div3A_41, %mul3A : vector<10000x128xf32>
    %add3A_43 = vector.broadcast %get3A_23 : vector<1x128xf32> to vector<10000x128xf32>
    %add3A_44 = arith.addf %mul3A_42, %add3A_43 : vector<10000x128xf32>
    %swap3A = arith.constant 0 : index
    %swap3A_45 = arith.constant 0 : index
    %swap3A_46 = vector.load %arg7[%swap3A, %swap3A_45] : memref<10000x128xf32, #tpu.memory_space<vmem>>, vector<10000x128xf32>
    tpu.vector_store %arg7[%swap3A, %swap3A_45], %add3A_44 {strides = array<i32>} : memref<10000x128xf32, #tpu.memory_space<vmem>>, vector<10000x128xf32>,
    return
  }
}

module attributes {stable_mosaic.version = 14 : i64} {
  func.func @_node1_body(%arg0: memref<10000x128xf32, #tpu.memory_space<vmem>>, %arg1: memref<10000x128xf32, #tpu.memory_space<vmem>>, %arg2: memref<10000x128xf32, #tpu.memory_space<vmem>>, %arg3: memref<128x128xf32, #tpu.memory_space<vmem>>, %arg4: memref<1x128xf32, #tpu.memory_space<vmem>>, %arg5: memref<1x128xf32, #tpu.memory_space<vmem>>, %arg6: memref<1x128xf32, #tpu.memory_space<vmem>>, %arg7: memref<128x128xf32, #tpu.memory_space<vmem>>, %arg8: memref<10000x384xf32, #tpu.memory_space<vmem>>) attributes {dimension_semantics = [], scalar_prefetch = 0 : i64, scratch_operands = 0 : i64, tpu.core_type = #tpu.core_type<tc>} {
    %get3A = arith.constant 0 : index
    %get3A_0 = arith.constant 0 : index
    %get3A_1 = vector.load %arg0[%get3A, %get3A_0] : memref<10000x128xf32, #tpu.memory_space<vmem>>, vector<10000x128xf32>
    %get3A_2 = arith.constant 0 : index
    %get3A_3 = arith.constant 0 : index
    %get3A_4 = vector.load %arg1[%get3A_2, %get3A_3] : memref<10000x128xf32, #tpu.memory_space<vmem>>, vector<10000x128xf32>
    %add3A = arith.addf %get3A_1, %get3A_4 : vector<10000x128xf32>
    %get3A_5 = arith.constant 0 : index
    %get3A_6 = arith.constant 0 : index
    %get3A_7 = vector.load %arg2[%get3A_5, %get3A_6] : memref<10000x128xf32, #tpu.memory_space<vmem>>, vector<10000x128xf32>
    %add3A_8 = arith.addf %add3A, %get3A_7 : vector<10000x128xf32>
    %get3A_9 = arith.constant 0 : index
    %get3A_10 = arith.constant 0 : index
    %get3A_11 = vector.load %arg3[%get3A_9, %get3A_10] : memref<128x128xf32, #tpu.memory_space<vmem>>, vector<128x128xf32>
    %dot_general3A = arith.constant dense<0.000000e+00> : vector<10000x128xf32>
    %dot_general3A_12 = tpu.matmul %add3A_8, %get3A_11, %dot_general3A {dimension_numbers = #tpu.dot_dimension_numbers<[1], [0], [0], [1], [0, 0, 1, 1], [], []>, transpose_lhs_hint = false} : vector<10000x128xf32>, vector<128x128xf32>, vector<10000x128xf32> -> vector<10000x128xf32>
    %get3A_13 = arith.constant 0 : index
    %get3A_14 = arith.constant 0 : index
    %get3A_15 = vector.load %arg4[%get3A_13, %get3A_14] : memref<1x128xf32, #tpu.memory_space<vmem>>, vector<1x128xf32>
    %add3A_16 = vector.broadcast %get3A_15 : vector<1x128xf32> to vector<10000x128xf32>
    %add3A_17 = arith.addf %dot_general3A_12, %add3A_16 : vector<10000x128xf32>
    %tanh3A = math.tanh %add3A_17 : vector<10000x128xf32>
    %get3A_18 = arith.constant 0 : index
    %get3A_19 = arith.constant 0 : index
    %get3A_20 = vector.load %arg5[%get3A_18, %get3A_19] : memref<1x128xf32, #tpu.memory_space<vmem>>, vector<1x128xf32>
    %get3A_21 = arith.constant 0 : index
    %get3A_22 = arith.constant 0 : index
    %get3A_23 = vector.load %arg6[%get3A_21, %get3A_22] : memref<1x128xf32, #tpu.memory_space<vmem>>, vector<1x128xf32>
    %reduce_sum3A = arith.constant dense<0.000000e+00> : vector<128xf32>
    %reduce_sum3A_24 = vector.multi_reduction <add>, %tanh3A, %reduce_sum3A [0] : vector<10000x128xf32> to vector<128xf32>
    %div3A = arith.constant 1.000000e+04 : f32
    %div3A_25 = vector.broadcast %div3A : f32 to vector<128xf32>
    %div3A_26 = arith.divf %reduce_sum3A_24, %div3A_25 : vector<128xf32>
    %broadcast_in_dim3A = vector.shape_cast %div3A_26 : vector<128xf32> to vector<1x128xf32>
    %sub3A = vector.broadcast %broadcast_in_dim3A : vector<1x128xf32> to vector<10000x128xf32>
    %sub3A_27 = arith.subf %tanh3A, %sub3A : vector<10000x128xf32>
    %integer_pow3A = arith.mulf %sub3A_27, %sub3A_27 : vector<10000x128xf32>
    %reduce_sum3A_28 = arith.constant dense<0.000000e+00> : vector<128xf32>
    %reduce_sum3A_29 = vector.multi_reduction <add>, %integer_pow3A, %reduce_sum3A_28 [0] : vector<10000x128xf32> to vector<128xf32>
    %div3A_30 = arith.constant 1.000000e+04 : f32
    %div3A_31 = vector.broadcast %div3A_30 : f32 to vector<128xf32>
    %div3A_32 = arith.divf %reduce_sum3A_29, %div3A_31 : vector<128xf32>
    %broadcast_in_dim3A_33 = vector.shape_cast %div3A_26 : vector<128xf32> to vector<1x128xf32>
    %sub3A_34 = vector.broadcast %broadcast_in_dim3A_33 : vector<1x128xf32> to vector<10000x128xf32>
    %sub3A_35 = arith.subf %tanh3A, %sub3A_34 : vector<10000x128xf32>
    %add3A_36 = arith.constant 9.99999974E-6 : f32
    %add3A_37 = vector.broadcast %add3A_36 : f32 to vector<128xf32>
    %add3A_38 = arith.addf %div3A_32, %add3A_37 : vector<128xf32>
    %sqrt3A = math.sqrt %add3A_38 : vector<128xf32>
    %broadcast_in_dim3A_39 = vector.shape_cast %sqrt3A : vector<128xf32> to vector<1x128xf32>
    %div3A_40 = vector.broadcast %broadcast_in_dim3A_39 : vector<1x128xf32> to vector<10000x128xf32>
    %div3A_41 = arith.divf %sub3A_35, %div3A_40 : vector<10000x128xf32>
    %mul3A = vector.broadcast %get3A_20 : vector<1x128xf32> to vector<10000x128xf32>
    %mul3A_42 = arith.mulf %div3A_41, %mul3A : vector<10000x128xf32>
    %add3A_43 = vector.broadcast %get3A_23 : vector<1x128xf32> to vector<10000x128xf32>
    %add3A_44 = arith.addf %mul3A_42, %add3A_43 : vector<10000x128xf32>
    %get3A_45 = arith.constant 0 : index
    %get3A_46 = arith.constant 0 : index
    %get3A_47 = vector.load %arg7[%get3A_45, %get3A_46] : memref<128x128xf32, #tpu.memory_space<vmem>>, vector<128x128xf32>
    %dot_general3A_48 = arith.constant dense<0.000000e+00> : vector<10000x128xf32>
    %dot_general3A_49 = tpu.matmul %add3A_44, %get3A_47, %dot_general3A_48 {dimension_numbers = #tpu.dot_dimension_numbers<[1], [0], [0], [1], [0, 0, 1, 1], [], []>, transpose_lhs_hint = false} : vector<10000x128xf32>, vector<128x128xf32>, vector<10000x128xf32> -> vector<10000x128xf32>
    %tanh3A_50 = math.tanh %dot_general3A_49 : vector<10000x128xf32>
    %swap3A = arith.constant 0 : index
    %swap3A_51 = arith.constant 0 : index
    %swap3A_52 = vector.load %arg8[%swap3A, %swap3A_51] : memref<10000x384xf32, #tpu.memory_space<vmem>>, vector<10000x128xf32>
    tpu.vector_store %arg8[%swap3A, %swap3A_51], %get3A_1 {strides = array<i32>} : memref<10000x384xf32, #tpu.memory_space<vmem>>, vector<10000x128xf32>,
    %swap3A_53 = arith.constant 0 : index
    %swap3A_54 = arith.constant 128 : index
    %swap3A_55 = vector.load %arg8[%swap3A_53, %swap3A_54] : memref<10000x384xf32, #tpu.memory_space<vmem>>, vector<10000x128xf32>
    tpu.vector_store %arg8[%swap3A_53, %swap3A_54], %add3A_44 {strides = array<i32>} : memref<10000x384xf32, #tpu.memory_space<vmem>>, vector<10000x128xf32>,
    %swap3A_56 = arith.constant 0 : index
    %swap3A_57 = arith.constant 256 : index
    %swap3A_58 = vector.load %arg8[%swap3A_56, %swap3A_57] : memref<10000x384xf32, #tpu.memory_space<vmem>>, vector<10000x128xf32>
    tpu.vector_store %arg8[%swap3A_56, %swap3A_57], %tanh3A_50 {strides = array<i32>} : memref<10000x384xf32, #tpu.memory_space<vmem>>, vector<10000x128xf32>,
    return
  }
}

</mosaic_0001>

<sc_bundles>
// kernel: kernel.12.cloned.1.call-start
scs
__scs_entry_jumppad:
0x0: {  	(pc) =	sbr.rel $0x88, $3  }
0x1: {  	(tag) =	ssettag $0x0;
	lr =	simm.s32 $0x1  }
0x2: {  	[smem:$0x3F8F] =	sst lr;
	_ =	strace $0xD0000000  }
0x3: {  	_ = 	snop  }
0x4: {  	_ = 	snop  }
0x5: {  	_ = 	snop  }
0x6: {  	_ = 	snop  }
0x7: {  	_ = 	snop  }
__scs_overlays_trampoline_lowered:
0x8: {  	[smem:$0x3F9E] =	sst s0  }
0x9: {  	[smem:$0x3F9F] =	sst s1  }
0xa: {  	[smem:$0x3FA0] =	sst s2  }
0xb: {  	[smem:$0x3FA1] =	sst s3  }
0xc: {  	[smem:$0x3FA2] =	sst s4  }
0xd: {  	[smem:$0x3FA3] =	sst s5  }
0xe: {  	[smem:$0x3FA4] =	sst s6  }
0xf: {  	[smem:$0x3FA5] =	sst s7  }
0x10: {  	[smem:$0x3FA6] =	sst s8  }
0x11: {  	[smem:$0x3FA7] =	sst s9;
	s0 =	simm.s32 @!p0 $0x0  }
0x12: {  	s1 =	sld [smem:$0x3F8D];
	s0 =	simm.s32 @p0 $0x1  }
0x13: {  	[smem:$0x3FA8] =	sst s0;
	s0 =	simm.s32 @!p1 $0x0  }
0x14: {  	s2 =	sld [smem:$0x3F8C];
	s0 =	simm.s32 @p1 $0x1  }
0x15: {  	[smem:$0x3FA9] =	sst s0;
	s0 =	simm.s32 @!p2 $0x0  }
0x16: {  	s3 =	sld [smem:$0x3FDB];
	s0 =	simm.s32 @p2 $0x1  }
0x17: {  	s4 =	simm.s32 $0x1BF5;
	[smem:$0x3FAB] =	sst s0  }
0x18: {  	s0 =	sld [smem:$0x3F8E];
	_ =	swait.ge [sflag:s4], $0x0  }
0x19: {  	s7 =	sld [smem:$0x3F8F]  }
0x1a: {  	s8 =	sadd.s32 $0xFFFFE003, lr  }
0x1b: {  	s9 =	sadd.s32 $0xFFFFFEF7, lr;
	s5 =	simm.s32 $0xFFFFFFFF;
	p2 =	slt.u32 s8, $0xFFFFF086  }
0x1c: {  	p1 =	slt.u32 s9, $0xF7A;
	s5 =	simm.s32 @!p2 $0x0  }
0x1d: {  	s5 =	simm.s32 @p1 $0x1;
	p0 =	seq.s32 s7, s2  }
0x1e: {  	s7 =	smul.u32 @!p0 $0xF7A, s2;
	p2 =	seq.s32 @!p0 s5, $0x0  }
0x1f: {  	s9 =	smul.u32 $0xF7A, s1;
	s8 =	simm.s32 @!p0 $0x1BF5;
	p2 =	por !p2, p0  }
0x20: {  	[sflag:s8] =	ssyncset.s32 @!p0 $0xFFFFF086;
	s6 =	sadd.s32 @!p0 s3, s7;
	s7 =	simm.s32 @!p0 $0x108  }
0x21: {  	s3 =	sadd.s32 s3, s9;
	s6 =	sadd.s32 @!p0 $0x88, s6;
	s7 =	simm.s32 @p2 $0x1082  }
0x22: {  	[simem:s7], [sflag:s8] =	dma.local @!p0 [hbm:s6], $0xF7A  }
0x23: {  	s9 =	sor.u32 $0xD0000000, s2;
	s6 =	simm.s32 $0x108;
	_ =	swait.ge @!p0 [sflag:s8], $0x0  }
0x24: {  	s3 =	sadd.s32 $0x88, s3;
	s6 =	simm.s32 @!p1 $0x1082;
	[sflag:s4] =	ssyncset.s32 $0xFFFFF086  }
0x25: {  	[simem:s6], [sflag:s4] =	dma.local [hbm:s3], $0xF7A  }
0x26: {  	[smem:$0x3F8F] =	sst s1;
	(tag) =	ssettag s2;
	_ =	strace s9  }
0x27: {  	s1 =	sld [smem:$0x3F9F]  }
0x28: {  	s2 =	sld [smem:$0x3FA0]  }
0x29: {  	s4 =	sld [smem:$0x3FA2]  }
0x2a: {  	p0 =	seq.s32 s5, $0x0;
	s5 =	sld [smem:$0x3FA3]  }
0x2b: {  	s6 =	sld [smem:$0x3FA4]  }
0x2c: {  	s7 =	sld [smem:$0x3FA5]  }
0x2d: {  	s3 =	simm.s32 $0x108;
	s8 =	sld [smem:$0x3FA6]  }
0x2e: {  	s3 =	simm.s32 @!p0 $0x1082;
	s9 =	sld [smem:$0x3FA7]  }
0x2f: {  	lr =	sadd.s32 s0, s3;
	s0 =	sld [smem:$0x3F9E]  }
0x30: {  	s3 =	sld [smem:$0x3FA1]  }
0x31: {  	[smem:$0x3FAA] =	sst s10  }
0x32: {  	s10 =	sld [smem:$0x3FA8];
	_ =	sdelay $0x3  }
0x33: {  	p0 =	seq.s32 s10, $0x1;
	s10 =	sld [smem:$0x3FAA];
	_ =	sdelay $0x3  }
0x34: {  	[smem:$0x3FAA] =	sst s10  }
0x35: {  	s10 =	sld [smem:$0x3FA9];
	_ =	sdelay $0x3  }
0x36: {  	p1 =	seq.s32 s10, $0x1;
	s10 =	sld [smem:$0x3FAA];
	_ =	sdelay $0x3  }
0x37: {  	[smem:$0x3FAA] =	sst s10  }
0x38: {  	s10 =	sld [smem:$0x3FAB]  }
0x39: {  	_ = 	snop;
	(pc) =	sbr.ind lr, $3  }
0x3a: {  	_ = 	snop  }
0x3b: {  	_ = 	snop  }
0x3c: {  	p2 =	seq.s32 s10, $0x1;
	s10 =	sld [smem:$0x3FAA]  }
0x3d: {  	_ =	shalt  }
0x3e: {  	_ =	shalt  }
0x3f: {  	_ =	shalt  }
0x40: {  	_ =	shalt  }
0x41: {  	_ =	shalt  }
0x42: {  	_ =	shalt  }
0x43: {  	_ =	shalt  }
0x44: {  	_ =	shalt  }
0x45: {  	_ =	shalt  }
0x46: {  	_ =	shalt  }
0x47: {  	_ =	shalt  }
0x48: {  	_ =	shalt  }
0x49: {  	_ =	shalt  }
0x4a: {  	_ =	shalt  }
0x4b: {  	_ =	shalt  }
0x4c: {  	_ =	shalt  }
0x4d: {  	_ =	shalt  }
0x4e: {  	_ =	shalt  }
0x4f: {  	_ =	shalt  }
0x50: {  	_ =	shalt  }
0x51: {  	_ =	shalt  }
0x52: {  	_ =	shalt  }
0x53: {  	_ =	shalt  }
0x54: {  	_ =	shalt  }
0x55: {  	_ =	shalt  }
0x56: {  	_ =	shalt  }
0x57: {  	_ =	shalt  }
0x58: {  	_ =	shalt  }
0x59: {  	_ =	shalt  }
0x5a: {  	_ =	shalt  }
0x5b: {  	_ =	shalt  }
0x5c: {  	_ =	shalt  }
0x5d: {  	_ =	shalt  }
0x5e: {  	_ =	shalt  }
0x5f: {  	_ =	shalt  }
0x60: {  	_ =	shalt  }
0x61: {  	_ =	shalt  }
0x62: {  	_ =	shalt  }
0x63: {  	_ =	shalt  }
0x64: {  	_ =	shalt  }
0x65: {  	_ =	shalt  }
0x66: {  	_ =	shalt  }
0x67: {  	_ =	shalt  }
0x68: {  	_ =	shalt  }
0x69: {  	_ =	shalt  }
0x6a: {  	_ =	shalt  }
0x6b: {  	_ =	shalt  }
0x6c: {  	_ =	shalt  }
0x6d: {  	_ =	shalt  }
0x6e: {  	_ =	shalt  }
0x6f: {  	_ =	shalt  }
0x70: {  	_ =	shalt  }
0x71: {  	_ =	shalt  }
0x72: {  	_ =	shalt  }
0x73: {  	_ =	shalt  }
0x74: {  	_ =	shalt  }
0x75: {  	_ =	shalt  }
0x76: {  	_ =	shalt  }
0x77: {  	_ =	shalt  }
0x78: {  	_ =	shalt  }
0x79: {  	_ =	shalt  }
0x7a: {  	_ =	shalt  }
0x7b: {  	_ =	shalt  }
0x7c: {  	_ =	shalt  }
0x7d: {  	_ =	shalt  }
0x7e: {  	_ =	shalt  }
0x7f: {  	_ =	shalt  }
0x80: {  	_ =	shalt  }
0x81: {  	_ =	shalt  }
0x82: {  	_ =	shalt  }
0x83: {  	_ =	shalt  }
0x84: {  	_ =	shalt  }
0x85: {  	_ =	shalt  }
0x86: {  	_ =	shalt  }
0x87: {  	_ =	shalt  }
.Lfunc_end0:
.L_simem_size_0:
called_computation.1_lowered:
.L_overlay_start_0:
0x88: {  	s2 =	sld [smem:$0x3FD9]  }
0x89: {  	s3 =	sld [smem:$0x3FFE];
	_ =	sdelay $0x1  }
0x8a: {  	s1 =	srdreg.scid  }
0x8b: {  	s0 =	sand.u32 $0x1, s1  }
0x8c: {  	s17 =	sshll.u32 s0, $0xA;
	s2 =	sadd.s32 s3, s2  }
0x8d: {  	s2 =	sadd.s32 s2, s17  }
0x8e: {  	[smem:$0x3FB6] =	sst s2  }
0x8f: {  	_ = 	snop  }
0x90: {  	s2 =	sld [smem:$0x3FD0];
	(tm) =	ssettm $0x1  }
0x91: {  	s18 =	sld [smem:$0x3FFB];
	_ =	sdelay $0x3  }
0x92: {  	_ =	strace s18  }
0x93: {  	s3 =	sld [smem:$0x3FFC];
	_ =	sdelay $0x3  }
0x94: {  	_ =	strace s3  }
0x95: {  	s3 =	sld [smem:$0x3FFD];
	_ =	sdelay $0x3  }
0x96: {  	_ =	strace s3  }
0x97: {  	_ =	strace $0x8FFFFFFF  }
0x98: {  	s19 =	sld [smem:$0x3FDB];
	_ =	sdelay $0x1  }
0x99: {  	s4 =	simm.s32 $_scs_section_size  }
0x9a: {  	s5 =	simm.s32 $_size__tile_overlayer_lowered;
	s6 =	simm.s32 $_tile_overlayer_lowered  }
0x9b: {  	s22 =	simm.s32 $0x1BFF;
	s21 =	sshll.u32 s6, $0x1;
	s3 =	sadd.s32 s4, s19  }
0x9c: {  	s7 =	simm.s32 $0x0;
	s20 =	sshll.u32 s5, $0x1;
	s5 =	sadd.s32 s21, s3  }
0x9d: {  	[timem:s7], [sflag:s22] =	dma.local [hbm:s5], s20  }
0x9e: {  	_ =	swait.ge [sflag:s22], s20  }
0x9f: {  	s4 =	ssub.s32 $0x0, s20;
	[sflag:s22] =	ssyncset.done $0x0  }
0xa0: {  	[sflag:s22] =	ssyncadd.s32 s4;
	_ =	sdelay $0x1  }
0xa1: {  	s23 =	simm.s32 $0x1B8B  }
0xa2: {  	_ =	swait.ge [sflag:s23], $0x1  }
0xa3: {  	[sflag:s23] =	ssyncset.done $0x0  }
0xa4: {  	s25 =	simm.s32 $0x1B8E;
	s24 =	sld [smem:$0x3FFE];
	[sflag:s23] =	ssyncadd.s32 $0xFFFFFFFF  }
0xa5: {  	s26 =	simm.s32 $execute0_lowered;
	[smem:$0x3FD2] =	sst s25  }
0xa6: {  	s5 =	sshll.u32 s26, $0x1;
	_ =	strace $0x80000049;
	[dreg:$0x1] =	wrdreg $0xFFFFFFFF  }
0xa7: {  	s28 =	simm.s32 $_size_execute0_lowered;
	s3 =	sadd.s32 s3, s5;
	[dreg:$0x0] =	wrdreg $0x0  }
0xa8: {  	s5 =	sshll.u32 s28, $0x1;
	[dreg:$0x2] =	wrdreg s3  }
0xa9: {  	[dreg:$0x3] =	wrdreg s5  }
0xaa: {  	[dreg:$0x4] =	wrdreg $0xC0  }
0xab: {  	_ =	task [dreg:s7], $0x5FFFF  }
0xac: {  	[dreg:$0x1] =	wrdreg $0xFFFFFFFF  }
0xad: {  	[dreg:$0x0] =	wrdreg $0x60  }
0xae: {  	[dreg:$0x2] =	wrdreg s24  }
0xaf: {  	[dreg:$0x3] =	wrdreg s2  }
0xb0: {  	[dreg:$0x4] =	wrdreg $0xA2000  }
0xb1: {  	[dreg:$0x5] =	wrdreg $0x9  }
0xb2: {  	_ =	task.clear_ibuf [dreg:s7], $0x6FFFF;
	_ =	strace $0x90000049  }
0xb3: {  	s29 =	simm.s32 $0x9;
	_ =	strace $0x8000004B  }
0xb4: {  	_ =	swait.ge [sflag:s29], $0x1  }
0xb5: {  	[sflag:s29] =	ssyncadd.s32 $0xFFFFFFFF  }
0xb6: {  	_ =	strace $0x9000004B  }
0xb7: {  	_ =	sfence  }
0xb8: {  	s30 =	sld [smem:$0x0];
	_ =	sdelay $0x2  }
0xb9: {  	s31 =	sshll.u32 s1, $0xD;
	s1 =	sshrl.u32 s1, $0x2  }
0xba: {  	s3 =	sand.u32 $0x4000, s31;
	s1 =	sadd.s32 s1, s30  }
0xbb: {  	s0 =	sor.u32 s3, s0;
	s1 =	sshll.u32 s1, $0x11  }
0xbc: {  	s0 =	sor.u32 s1, s0  }
0xbd: {  	s0 =	sadd.s32 $0x8F2B, s0  }
0xbe: {  	[sflag:s0] =	ssyncadd.remote.s32 $0x1  }
0xbf: {  	_ =	sfence.sel $0xFFFF  }
0xc0: {  	[dreg:$0x0] =	wrdreg $0xFFFFFFFF;
	(pc) =	sbr.abs _section_cstart, $3  }
0xc1: {  	[dreg:$0x1] =	wrdreg $0xFFFFFFFF  }
0xc2: {  	_ =	task.clear_ibuf [dreg:s7], $0x2FFFF;
	_ =	strace $0x9FFFFFFF  }
0xc3: {  	(tm) =	ssettm $0x7FFFFFFF  }
tec
execute0_lowered:
.L_overlay_start_1:
0x0: {  	(tag) =	ssettag $0x1  }
0x1: {  	s0 =	rddreg [dreg:$0x0]  }
0x2: {  	s2 =	rddreg [dreg:$0x1]  }
0x3: {  	s1 =	rddreg [dreg:$0x2];
	s3 =	simm.s32 $0x0  }
0x4: {  	s5 =	srdreg.scid;
	s13 =	stileid.u32;
	s29 =	simm.s32 $0x200  }
0x5: {  	s28 =	simm.s32 $0x9;
	s31 =	simm.s32 $0x100;
	s30 =	simm.s32 $0x0  }
0x6: {  	[smem:$0x7FF] =	sst s3;
	s4 =	sadd.s32 $0x16E00, s0;
	s8 =	sand.u32 $0x1, s5  }
0x7: {  	s9 =	smul.u32 $0x4E000, s13;
	s5 =	sadd.s32 $0x520000, s0;
	s6 =	sadd.s32 $0xD000, s0  }
0x8: {  	s7 =	sadd.s32 $0x3200, s0;
	s21 =	smul.u32 $0x13800, s13;
	p0 =	sne.s32 s13, $0xF  }
0x9: {  	_ =	strace $0x8000004A;
	s10 =	smul.u32 $0x7D0, s8;
	s23 =	ssub.s32 $0x2, s8  }
0xa: {  	s8 =	smul.u32 $0x138800, s8;
	s9 =	sshrl.u32 s9, $0x2;
	s11 =	sshrl.u32 s23, $0x1  }
0xb: {  	s24 =	sadd.s32 s9, s1;
	s9 =	sor.u32 s13, s10;
	s0 =	ssub.s32 s23, s11  }
0xc: {  	s23 =	sadd.s32 s21, s8;
	s25 =	sadd.s32 $0x2800, s24;
	[dreg:$0x4] =	wrdreg s24  }
0xd: {  	s8 =	sshrl.u32 s8, $0x3;
	s15 =	sadd.s32 $0x5000, s24;
	[dreg:$0x5] =	wrdreg s25  }
0xe: {  	s13 =	simm.s32 $0x2A00;
	s16 =	sadd.s32 $0x7800, s24;
	[dreg:$0x6] =	wrdreg s15  }
0xf: {  	s26 =	smul.u32 $0xA, s9;
	s12 =	sadd.s32 $0xA000, s24;
	[dreg:$0x7] =	wrdreg s16  }
0x10: {  	s17 =	smul.u32 $0x500, s9;
	s18 =	sadd.s32 $0xC800, s24;
	[dreg:$0x8] =	wrdreg s12  }
0x11: {  	s19 =	sadd.s32 $0xF000, s24;
	s0 =	smax.u32 s0, $0x1;
	[dreg:$0x9] =	wrdreg s18  }
0x12: {  	[dreg:$0xa] =	wrdreg s19;
	s18 =	sadd.s32 $0x10, s9;
	s25 =	sshrl.u32 s23, $0x3  }
0x13: {  	s23 =	sadd.s32 $0x30, s9;
	[dreg:$0x12] =	wrdreg s0;
	s0 =	simm.s32 $0x1  }
0x14: {  	s12 =	simm.s32 $0x2;
	s15 =	simm.s32 $0x3;
	s16 =	simm.s32 $0x5  }
0x15: {  	s19 =	simm.s32 $0x4;
	s20 =	sadd.s32 s6, s26;
	s14 =	sadd.s32 s7, s26  }
0x16: {  	s11 =	sadd.s32 s5, s17;
	s10 =	sadd.s32 $0xA0, s26;
	[dreg:$0xb] =	wrdreg s20  }
0x17: {  	s26 =	sadd.s32 $0x11800, s24;
	s17 =	simm.s32 $0x7;
	[dreg:$0xc] =	wrdreg s14  }
0x18: {  	[dreg:$0xd] =	wrdreg s11;
	s22 =	sadd.s32 s6, s10;
	s10 =	sadd.s32 s7, s10  }
0x19: {  	[dreg:$0x13] =	wrdreg s26;
	s26 =	sadd.s32 $0x138000, s1;
	s11 =	simm.s32 $0x180  }
0x1a: {  	s14 =	simm.s32 $0x7A00;
	s20 =	simm.s32 $0x6;
	[dreg:$0xe] =	wrdreg s22  }
0x1b: {  	[dreg:$0xf] =	wrdreg s10;
	s10 =	sadd.s32 s2, s25;
	s2 =	sadd.s32 s2, s8  }
0x1c: {  	s22 =	sadd.s32 $0x20, s9;
	s9 =	simm.s32 $0x5200;
	[dreg:$0x14] =	wrdreg s26  }
0x1d: {  	s25 =	simm.s32 $0x0;
	[dreg:$0x10] =	wrdreg s10;
	s2 =	sadd.s32 $0x27000, s2  }
0x1e: {  	v0 =	vimm.f32 $0.0e+00;
	s10 =	simm.s32 $0x80;
	[dreg:$0x11] =	wrdreg s2;
	s2 =	simm.s32 $0x50  }
.LBB2_1:
0x1f: {  	[dreg:$0x15] =	wrdreg s25;
	s8 =	simm.s32 $0x0;
	s21 =	simm.s32 $0x200  }
.LBB2_2:
0x20: {  	p1 =	sne.s32 s21, $0x9E00;
	[tilespmem:s8+$0x270] =	vst v0  }
0x21: {  	[tilespmem:s8+$0x200] =	vst v0  }
0x22: {  	[tilespmem:s8+$0x210] =	vst v0  }
.Ltmp0:
0x23: {  	[tilespmem:s8+$0x220] =	vst v0;
	(pc) =	sbr.rel @p1 .LBB2_2-.Ltmp0, $4  }
0x24: {  	[tilespmem:s8+$0x230] =	vst v0  }
0x25: {  	[tilespmem:s8+$0x240] =	vst v0  }
0x26: {  	[tilespmem:s8+$0x250] =	vst v0  }
0x27: {  	[tilespmem:s8+$0x260] =	vst v0;
	s8 =	sshra.s32 s21, $0x2;
	s21 =	sadd.s32 $0x200, s21  }
0x28: {  	[tilespmem:s8+$0x270] =	vst v0  }
0x29: {  	[tilespmem:s8+$0x200] =	vst v0  }
0x2a: {  	[tilespmem:s8+$0x210] =	vst v0  }
0x2b: {  	[tilespmem:s8+$0x220] =	vst v0  }
0x2c: {  	[tilespmem:s8+$0x230] =	vst v0  }
0x2d: {  	[tilespmem:s8+$0x240] =	vst v0  }
0x2e: {  	[tilespmem:s8+$0x250] =	vst v0  }
0x2f: {  	[tilespmem:s8+$0x260] =	vst v0  }
0x30: {  	[spmem:s24] =	stream.linear.scatter [tilespmem:s29], [sflag:$0x9], $0x2800, $0x38;
	[tilespmem:$0x1DA80] =	vst v63  }
0x31: {  	_ =	swait.ge [sflag:s28], $0x2800  }
0x32: {  	[sflag:s28] =	ssyncset.done $0x0  }
0x33: {  	s25 =	rddreg [dreg:$0x5];
	[sflag:s28] =	ssyncadd.s32 $0xFFFFD800  }
0x34: {  	[spmem:s25] =	stream.linear.scatter [tilespmem:s29], [sflag:$0x9], $0x2800, $0x38;
	[tilespmem:$0x1DA80] =	vst v63  }
0x35: {  	_ =	swait.ge [sflag:s28], $0x2800  }
0x36: {  	[sflag:s28] =	ssyncset.done $0x0  }
0x37: {  	s21 =	rddreg [dreg:$0x6];
	[sflag:s28] =	ssyncadd.s32 $0xFFFFD800  }
0x38: {  	[spmem:s21] =	stream.linear.scatter [tilespmem:s29], [sflag:$0x9], $0x2800, $0x38;
	[tilespmem:$0x1DA80] =	vst v63  }
0x39: {  	_ =	swait.ge [sflag:s28], $0x2800  }
0x3a: {  	[sflag:s28] =	ssyncset.done $0x0  }
0x3b: {  	s24 =	rddreg [dreg:$0x7];
	[sflag:s28] =	ssyncadd.s32 $0xFFFFD800  }
0x3c: {  	[spmem:s24] =	stream.linear.scatter [tilespmem:s29], [sflag:$0x9], $0x2800, $0x38;
	[tilespmem:$0x1DA80] =	vst v63  }
0x3d: {  	_ =	swait.ge [sflag:s28], $0x2800  }
0x3e: {  	[sflag:s28] =	ssyncset.done $0x0  }
0x3f: {  	s25 =	rddreg [dreg:$0x8];
	[sflag:s28] =	ssyncadd.s32 $0xFFFFD800  }
0x40: {  	[spmem:s25] =	stream.linear.scatter [tilespmem:s29], [sflag:$0x9], $0x2800, $0x38;
	[tilespmem:$0x1DA80] =	vst v63  }
0x41: {  	_ =	swait.ge [sflag:s28], $0x2800  }
0x42: {  	[sflag:s28] =	ssyncset.done $0x0  }
0x43: {  	s21 =	rddreg [dreg:$0x9];
	[sflag:s28] =	ssyncadd.s32 $0xFFFFD800  }
0x44: {  	[spmem:s21] =	stream.linear.scatter [tilespmem:s29], [sflag:$0x9], $0x2800, $0x38;
	[tilespmem:$0x1DA80] =	vst v63  }
0x45: {  	_ =	swait.ge [sflag:s28], $0x2800  }
0x46: {  	[sflag:s28] =	ssyncset.done $0x0  }
0x47: {  	s24 =	rddreg [dreg:$0xa];
	[sflag:s28] =	ssyncadd.s32 $0xFFFFD800  }
0x48: {  	[spmem:s24] =	stream.linear.scatter [tilespmem:s29], [sflag:$0x9], $0x2800, $0x38;
	[tilespmem:$0x1DA80] =	vst v63  }
0x49: {  	_ =	swait.ge [sflag:s28], $0x2800  }
0x4a: {  	[sflag:s28] =	ssyncset.done $0x0  }
0x4b: {  	s25 =	rddreg [dreg:$0x13];
	[sflag:s28] =	ssyncadd.s32 $0xFFFFD800  }
0x4c: {  	[spmem:s25] =	stream.linear.scatter [tilespmem:s29], [sflag:$0x9], $0x2000, $0x38;
	[tilespmem:$0x1DA80] =	vst v63  }
0x4d: {  	_ =	swait.ge [sflag:s28], $0x2000  }
0x4e: {  	[sflag:s28] =	ssyncset.done $0x0  }
0x4f: {  	s8 =	simm.s32 @!p0 $0x200;
	[sflag:s28] =	ssyncadd.s32 $0xFFFFE000  }
0x50: {  	[spmem:s26] =	stream.linear.scatter @!p0 [tilespmem:s8], [sflag:$0x9], $0x800, $0x38;
	[tilespmem:$0x1DA80] =	vst v63  }
0x51: {  	s8 =	simm.s32 @!p0 $0x9  }
0x52: {  	_ =	swait.ge @!p0 [sflag:s8], $0x800  }
0x53: {  	[sflag:s8] =	ssyncset.done @!p0 $0x0  }
0x54: {  	[sflag:s8] =	ssyncadd.s32 @!p0 $0xFFFFF800  }
0x55: {  	[bflag:$0x0] =	sbarrier.arrive $0xFFFF  }
0x56: {  	s25 =	simm.s32 $0x0;
	s28 =	rddreg [dreg:$0xb]  }
0x57: {  	[tilespmem:s25], [sflag:$0x1] =	stream.linear.gather [hbm4b:s28+s25], $0x50, $0x38;
	[tilespmem:$0x1DA80] =	vst v63  }
0x58: {  	s21 =	rddreg [dreg:$0xc]  }
0x59: {  	[tilespmem:s31], [sflag:$0x1] =	stream.linear.gather [hbm4b:s21+s25], $0x50, $0x38;
	[tilespmem:$0x1DA80] =	vst v63  }
0x5a: {  	_ =	swait.ge [sflag:s0], $0x50  }
0x5b: {  	[sflag:s0] =	ssyncset.done $0x0  }
0x5c: {  	[sflag:s0] =	ssyncadd.s32 $0xFFFFFFB0  }
0x5d: {  	_ =	swait.ge [sflag:s0], $0x50  }
0x5e: {  	[sflag:s0] =	ssyncset.done $0x0  }
0x5f: {  	[sflag:s0] =	ssyncadd.s32 $0xFFFFFFB0  }
0x60: {  	[tilespmem:s29], [sflag:$0x3] =	stream.indirect.gather [hbm4b:s4+s2], $0x80, s25, s2, $0xb8;
	[tilespmem:$0x1DA80] =	vst v63  }
0x61: {  	s24 =	rddreg [dreg:$0xd]  }
0x62: {  	[tilespmem:s9], [sflag:$0x5] =	stream.linear.gather [hbm4b:s24+s25], $0x2800, $0x38;
	[tilespmem:$0x1DA80] =	vst v63  }
0x63: {  	s26 =	rddreg [dreg:$0xe]  }
0x64: {  	[tilespmem:s10], [sflag:$0x2] =	stream.linear.gather [hbm4b:s26+s25], $0x50, $0x38;
	[tilespmem:$0x1DA80] =	vst v63  }
0x65: {  	s28 =	rddreg [dreg:$0xf];
	s26 =	simm.s32 $0x0  }
0x66: {  	[tilespmem:s11], [sflag:$0x2] =	stream.linear.gather [hbm4b:s28+s25], $0x50, $0x38;
	[tilespmem:$0x1DA80] =	vst v63  }
.LBB2_4:
0x67: {  	_ =	swait.ge [sflag:s12], $0x50  }
0x68: {  	[sflag:s12] =	ssyncset.done $0x0  }
0x69: {  	[sflag:s12] =	ssyncadd.s32 $0xFFFFFFB0  }
0x6a: {  	_ =	swait.ge [sflag:s12], $0x50  }
0x6b: {  	p1 =	seq.s32 s26, $0x0;
	[sflag:s12] =	ssyncset.done $0x0  }
0x6c: {  	s8 =	simm.s32 @!p1 $0x8;
	[sflag:s12] =	ssyncadd.s32 $0xFFFFFFB0  }
0x6d: {  	s21 =	sshll.u32 s26, $0x5;
	_ =	swait.ge @!p1 [sflag:s8], $0x2800  }
0x6e: {  	s28 =	sadd.s32 s21, s18;
	[sflag:s8] =	ssyncset.done @!p1 $0x0  }
0x6f: {  	s24 =	smul.u32 $0x500, s28;
	[sflag:s8] =	ssyncadd.s32 @!p1 $0xFFFFD800  }
0x70: {  	[tilespmem:s13], [sflag:$0x4] =	stream.indirect.gather [hbm4b:s4+s2], $0x80, s10, s2, $0xb8;
	[tilespmem:$0x1DA80] =	vst v63  }
0x71: {  	s8 =	sadd.s32 s5, s24  }
0x72: {  	[tilespmem:s14], [sflag:$0x6] =	stream.linear.gather [hbm4b:s8+s25], $0x2800, $0x38;
	[tilespmem:$0x1DA80] =	vst v63  }
0x73: {  	_ =	swait.ge [sflag:s15], $0x2800  }
0x74: {  	[sflag:s15] =	ssyncset.done $0x0  }
0x75: {  	[sflag:s15] =	ssyncadd.s32 $0xFFFFD800  }
0x76: {  	_ =	swait.ge [sflag:s16], $0x2800  }
0x77: {  	[sflag:s16] =	ssyncset.done $0x0  }
0x78: {  	s28 =	simm.s32 $0x0;
	[sflag:s16] =	ssyncadd.s32 $0xFFFFD800  }
0x79: {  	v7 =	vld [tilespmem:s28+$0x200]  }
0x7a: {  	v12 =	vld [tilespmem:s28+$0x210]  }
0x7b: {  	v6 =	vld [tilespmem:s28+$0x220]  }
0x7c: {  	v5 =	vld [tilespmem:s28+$0x230]  }
0x7d: {  	v4 =	vld [tilespmem:s28+$0x240]  }
0x7e: {  	v3 =	vld [tilespmem:s28+$0x250]  }
0x7f: {  	v2 =	vld [tilespmem:s28+$0x260]  }
0x80: {  	v1 =	vld [tilespmem:s28+$0x270]  }
0x81: {  	v13 =	vld [tilespmem:s28+$0x5200]  }
0x82: {  	v14 =	vld [tilespmem:s28+$0x5210]  }
0x83: {  	v11 =	vld [tilespmem:s28+$0x5220]  }
0x84: {  	v10 =	vld [tilespmem:s28+$0x5230]  }
0x85: {  	v9 =	vld [tilespmem:s28+$0x5240]  }
0x86: {  	v8 =	vld [tilespmem:s28+$0x5250];
	v13 =	vadd.f32 v13, v7  }
0x87: {  	s8 =	simm.s32 $0x200;
	v12 =	vadd.f32 v14, v12;
	v7 =	vld [tilespmem:s28+$0x5260]  }
.LBB2_5:
0x88: {  	s24 =	sshra.s32 s8, $0x2;
	p1 =	sne.s32 s8, $0x9E00;
	v13 =	vmax.f32 v13, $0.0e+00;
	v6 =	vadd.f32 v11, v6;
	v11 =	vld [tilespmem:s28+$0x5270]  }
0x89: {  	v14 =	vld [tilespmem:s24+$0x200];
	[tilespmem:s28+$0x5200] =	vst v13;
	v12 =	vmax.f32 v12, $0.0e+00;
	v5 =	vadd.f32 v10, v5  }
0x8a: {  	v15 =	vld [tilespmem:s24+$0x210];
	[tilespmem:s28+$0x5210] =	vst v12;
	v10 =	vmax.f32 v6, $0.0e+00;
	v4 =	vadd.f32 v9, v4  }
0x8b: {  	v6 =	vld [tilespmem:s24+$0x220];
	[tilespmem:s28+$0x5220] =	vst v10;
	v9 =	vmax.f32 v5, $0.0e+00;
	v3 =	vadd.f32 v8, v3  }
0x8c: {  	v5 =	vld [tilespmem:s24+$0x230];
	[tilespmem:s28+$0x5230] =	vst v9;
	v8 =	vmax.f32 v4, $0.0e+00;
	v2 =	vadd.f32 v7, v2  }
0x8d: {  	v4 =	vld [tilespmem:s24+$0x240];
	[tilespmem:s28+$0x5240] =	vst v8;
	v7 =	vmax.f32 v3, $0.0e+00;
	v1 =	vadd.f32 v11, v1  }
0x8e: {  	v3 =	vld [tilespmem:s24+$0x250];
	[tilespmem:s28+$0x5250] =	vst v7;
	v7 =	vmax.f32 v2, $0.0e+00  }
0x8f: {  	v2 =	vld [tilespmem:s24+$0x260];
	[tilespmem:s28+$0x5260] =	vst v7;
	v7 =	vmax.f32 v1, $0.0e+00  }
0x90: {  	v1 =	vld [tilespmem:s24+$0x270];
	[tilespmem:s28+$0x5270] =	vst v7;
	s28 =	smov.u32 s24  }
0x91: {  	v7 =	vld [tilespmem:s28+$0x5200]  }
0x92: {  	v12 =	vld [tilespmem:s28+$0x5210]  }
.Ltmp1:
0x93: {  	v11 =	vld [tilespmem:s28+$0x5220];
	(pc) =	sbr.rel @p1 .LBB2_5-.Ltmp1, $4  }
0x94: {  	v10 =	vld [tilespmem:s28+$0x5230]  }
0x95: {  	v9 =	vld [tilespmem:s28+$0x5240]  }
0x96: {  	v13 =	vadd.f32 v7, v14;
	v8 =	vld [tilespmem:s28+$0x5250]  }
0x97: {  	s8 =	sadd.s32 $0x200, s8;
	v12 =	vadd.f32 v12, v15;
	v7 =	vld [tilespmem:s28+$0x5260]  }
0x98: {  	v13 =	vmax.f32 v13, $0.0e+00;
	v6 =	vadd.f32 v11, v6;
	v11 =	vld [tilespmem:s28+$0x5270]  }
0x99: {  	[tilespmem:s28+$0x5200] =	vst v13;
	v12 =	vmax.f32 v12, $0.0e+00;
	v5 =	vadd.f32 v10, v5  }
0x9a: {  	[tilespmem:s28+$0x5210] =	vst v12;
	v6 =	vmax.f32 v6, $0.0e+00;
	v4 =	vadd.f32 v9, v4  }
0x9b: {  	[tilespmem:s28+$0x5220] =	vst v6;
	v5 =	vmax.f32 v5, $0.0e+00;
	v3 =	vadd.f32 v8, v3  }
0x9c: {  	[tilespmem:s28+$0x5230] =	vst v5;
	v4 =	vmax.f32 v4, $0.0e+00;
	v2 =	vadd.f32 v7, v2  }
0x9d: {  	[tilespmem:s28+$0x5240] =	vst v4;
	v3 =	vmax.f32 v3, $0.0e+00;
	v1 =	vadd.f32 v11, v1  }
0x9e: {  	[tilespmem:s28+$0x5250] =	vst v3;
	v2 =	vmax.f32 v2, $0.0e+00  }
0x9f: {  	s8 =	sadd.s32 s21, s22;
	[tilespmem:s28+$0x5260] =	vst v2;
	v1 =	vmax.f32 v1, $0.0e+00  }
0xa0: {  	s24 =	smul.u32 $0xA, s8;
	[tilespmem:s28+$0x5270] =	vst v1  }
0xa1: {  	[spmem:s1] =	stream.indirect.scatter.add.f32 [tilespmem:s9], [sflag:$0x7], $0x80, s31, s2, $0xb8;
	[tilespmem:$0x1DA80] =	vst v63  }
0xa2: {  	s28 =	sadd.s32 s6, s24  }
0xa3: {  	[tilespmem:s30], [sflag:$0x1] =	stream.linear.gather [hbm4b:s28+s30], $0x50, $0x38;
	[tilespmem:$0x1DA80] =	vst v63  }
0xa4: {  	s24 =	sadd.s32 s7, s24  }
0xa5: {  	[tilespmem:s31], [sflag:$0x1] =	stream.linear.gather [hbm4b:s24+s30], $0x50, $0x38;
	[tilespmem:$0x1DA80] =	vst v63  }
0xa6: {  	_ =	swait.ge [sflag:s0], $0x50  }
0xa7: {  	[sflag:s0] =	ssyncset.done $0x0  }
0xa8: {  	[sflag:s0] =	ssyncadd.s32 $0xFFFFFFB0  }
0xa9: {  	_ =	swait.ge [sflag:s0], $0x50  }
0xaa: {  	[sflag:s0] =	ssyncset.done $0x0  }
0xab: {  	[sflag:s0] =	ssyncadd.s32 $0xFFFFFFB0  }
0xac: {  	_ =	swait.ge [sflag:s17], $0x2800  }
0xad: {  	[sflag:s17] =	ssyncset.done $0x0  }
0xae: {  	s8 =	smul.u32 $0x500, s8;
	[sflag:s17] =	ssyncadd.s32 $0xFFFFD800  }
0xaf: {  	[tilespmem:s29], [sflag:$0x3] =	stream.indirect.gather [hbm4b:s4+s2], $0x80, s30, s2, $0xb8;
	[tilespmem:$0x1DA80] =	vst v63  }
0xb0: {  	s8 =	sadd.s32 s5, s8  }
0xb1: {  	[tilespmem:s9], [sflag:$0x5] =	stream.linear.gather [hbm4b:s8+s30], $0x2800, $0x38;
	[tilespmem:$0x1DA80] =	vst v63  }
0xb2: {  	_ =	swait.ge [sflag:s19], $0x2800  }
0xb3: {  	[sflag:s19] =	ssyncset.done $0x0  }
0xb4: {  	[sflag:s19] =	ssyncadd.s32 $0xFFFFD800  }
0xb5: {  	_ =	swait.ge [sflag:s20], $0x2800  }
0xb6: {  	[sflag:s20] =	ssyncset.done $0x0  }
0xb7: {  	s28 =	simm.s32 $0x0;
	[sflag:s20] =	ssyncadd.s32 $0xFFFFD800  }
0xb8: {  	v7 =	vld [tilespmem:s28+$0x2A00]  }
0xb9: {  	v12 =	vld [tilespmem:s28+$0x2A10]  }
0xba: {  	v6 =	vld [tilespmem:s28+$0x2A20]  }
0xbb: {  	v5 =	vld [tilespmem:s28+$0x2A30]  }
0xbc: {  	v4 =	vld [tilespmem:s28+$0x2A40]  }
0xbd: {  	v3 =	vld [tilespmem:s28+$0x2A50]  }
0xbe: {  	v2 =	vld [tilespmem:s28+$0x2A60]  }
0xbf: {  	v1 =	vld [tilespmem:s28+$0x2A70]  }
0xc0: {  	v13 =	vld [tilespmem:s28+$0x7A00]  }
0xc1: {  	v14 =	vld [tilespmem:s28+$0x7A10]  }
0xc2: {  	v11 =	vld [tilespmem:s28+$0x7A20]  }
0xc3: {  	v10 =	vld [tilespmem:s28+$0x7A30]  }
0xc4: {  	v9 =	vld [tilespmem:s28+$0x7A40]  }
0xc5: {  	v8 =	vld [tilespmem:s28+$0x7A50];
	v13 =	vadd.f32 v13, v7  }
0xc6: {  	s8 =	simm.s32 $0x200;
	v12 =	vadd.f32 v14, v12;
	v7 =	vld [tilespmem:s28+$0x7A60]  }
.LBB2_7:
0xc7: {  	s24 =	sshra.s32 s8, $0x2;
	p1 =	sne.s32 s8, $0x9E00;
	v13 =	vmax.f32 v13, $0.0e+00;
	v6 =	vadd.f32 v11, v6;
	v11 =	vld [tilespmem:s28+$0x7A70]  }
0xc8: {  	v14 =	vld [tilespmem:s24+$0x2A00];
	[tilespmem:s28+$0x7A00] =	vst v13;
	v12 =	vmax.f32 v12, $0.0e+00;
	v5 =	vadd.f32 v10, v5  }
0xc9: {  	v15 =	vld [tilespmem:s24+$0x2A10];
	[tilespmem:s28+$0x7A10] =	vst v12;
	v10 =	vmax.f32 v6, $0.0e+00;
	v4 =	vadd.f32 v9, v4  }
0xca: {  	v6 =	vld [tilespmem:s24+$0x2A20];
	[tilespmem:s28+$0x7A20] =	vst v10;
	v9 =	vmax.f32 v5, $0.0e+00;
	v3 =	vadd.f32 v8, v3  }
0xcb: {  	v5 =	vld [tilespmem:s24+$0x2A30];
	[tilespmem:s28+$0x7A30] =	vst v9;
	v8 =	vmax.f32 v4, $0.0e+00;
	v2 =	vadd.f32 v7, v2  }
0xcc: {  	v4 =	vld [tilespmem:s24+$0x2A40];
	[tilespmem:s28+$0x7A40] =	vst v8;
	v7 =	vmax.f32 v3, $0.0e+00;
	v1 =	vadd.f32 v11, v1  }
0xcd: {  	v3 =	vld [tilespmem:s24+$0x2A50];
	[tilespmem:s28+$0x7A50] =	vst v7;
	v7 =	vmax.f32 v2, $0.0e+00  }
0xce: {  	v2 =	vld [tilespmem:s24+$0x2A60];
	[tilespmem:s28+$0x7A60] =	vst v7;
	v7 =	vmax.f32 v1, $0.0e+00  }
0xcf: {  	v1 =	vld [tilespmem:s24+$0x2A70];
	[tilespmem:s28+$0x7A70] =	vst v7;
	s28 =	smov.u32 s24  }
0xd0: {  	v7 =	vld [tilespmem:s28+$0x7A00]  }
0xd1: {  	v12 =	vld [tilespmem:s28+$0x7A10]  }
.Ltmp2:
0xd2: {  	v11 =	vld [tilespmem:s28+$0x7A20];
	(pc) =	sbr.rel @p1 .LBB2_7-.Ltmp2, $4  }
0xd3: {  	v10 =	vld [tilespmem:s28+$0x7A30]  }
0xd4: {  	v9 =	vld [tilespmem:s28+$0x7A40]  }
0xd5: {  	v13 =	vadd.f32 v7, v14;
	v8 =	vld [tilespmem:s28+$0x7A50]  }
0xd6: {  	s8 =	sadd.s32 $0x200, s8;
	v12 =	vadd.f32 v12, v15;
	v7 =	vld [tilespmem:s28+$0x7A60]  }
0xd7: {  	v13 =	vmax.f32 v13, $0.0e+00;
	v6 =	vadd.f32 v11, v6;
	v63 =	vld [tilespmem:s28+$0x7A70]  }
0xd8: {  	[tilespmem:s28+$0x7A00] =	vst v13;
	v12 =	vmax.f32 v12, $0.0e+00;
	v5 =	vadd.f32 v10, v5  }
0xd9: {  	[tilespmem:s28+$0x7A10] =	vst v12;
	v6 =	vmax.f32 v6, $0.0e+00;
	v4 =	vadd.f32 v9, v4  }
0xda: {  	[tilespmem:s28+$0x7A20] =	vst v6;
	v5 =	vmax.f32 v5, $0.0e+00;
	v3 =	vadd.f32 v8, v3  }
0xdb: {  	p1 =	seq.s32 s26, $0x3D;
	[tilespmem:s28+$0x7A30] =	vst v5;
	v4 =	vmax.f32 v4, $0.0e+00;
	v2 =	vadd.f32 v7, v2  }
.Ltmp3:
0xdc: {  	[tilespmem:s28+$0x7A40] =	vst v4;
	v3 =	vmax.f32 v3, $0.0e+00;
	v1 =	vadd.f32 v63, v1;
	(pc) =	sbr.rel @p1 .LBB2_10-.Ltmp3, $4  }
0xdd: {  	[tilespmem:s28+$0x7A50] =	vst v3;
	v2 =	vmax.f32 v2, $0.0e+00  }
0xde: {  	[tilespmem:s28+$0x7A60] =	vst v2;
	v1 =	vmax.f32 v1, $0.0e+00  }
0xdf: {  	[tilespmem:s28+$0x7A70] =	vst v1  }
0xe0: {  	[spmem:s1] =	stream.indirect.scatter.add.f32 [tilespmem:s14], [sflag:$0x8], $0x80, s11, s2, $0xb8;
	[tilespmem:$0x1DA80] =	vst v63  }
0xe1: {  	s8 =	sadd.s32 s21, s23  }
0xe2: {  	s8 =	smul.u32 $0xA, s8  }
.Ltmp4:
0xe3: {  	_ = 	snop;
	(pc) =	sbr.rel .LBB2_4-.Ltmp4, $4  }
0xe4: {  	s28 =	sadd.s32 s6, s8  }
0xe5: {  	[tilespmem:s10], [sflag:$0x2] =	stream.linear.gather [hbm4b:s28+s3], $0x50, $0x38;
	[tilespmem:$0x1DA80] =	vst v63  }
0xe6: {  	s26 =	sadd.s32 $0x1, s26;
	s8 =	sadd.s32 s7, s8  }
0xe7: {  	[tilespmem:s11], [sflag:$0x2] =	stream.linear.gather [hbm4b:s8+s3], $0x50, $0x38;
	[tilespmem:$0x1DA80] =	vst v63  }
.LBB2_10:
0xe8: {  	s8 =	simm.s32 $0x8  }
0xe9: {  	_ =	swait.ge [sflag:s8], $0x2800  }
0xea: {  	[sflag:s8] =	ssyncset.done $0x0  }
0xeb: {  	[sflag:s8] =	ssyncadd.s32 $0xFFFFD800  }
0xec: {  	_ =	swait.ge [sflag:s15], $0x2800  }
0xed: {  	[sflag:s15] =	ssyncset.done $0x0  }
0xee: {  	[sflag:s15] =	ssyncadd.s32 $0xFFFFD800  }
0xef: {  	_ =	swait.ge [sflag:s16], $0x2800  }
0xf0: {  	[sflag:s16] =	ssyncset.done $0x0  }
0xf1: {  	s21 =	simm.s32 $0x0;
	[sflag:s16] =	ssyncadd.s32 $0xFFFFD800  }
0xf2: {  	v7 =	vld [tilespmem:s21+$0x200]  }
0xf3: {  	v12 =	vld [tilespmem:s21+$0x210]  }
0xf4: {  	v6 =	vld [tilespmem:s21+$0x220]  }
0xf5: {  	v5 =	vld [tilespmem:s21+$0x230]  }
0xf6: {  	v4 =	vld [tilespmem:s21+$0x240]  }
0xf7: {  	v3 =	vld [tilespmem:s21+$0x250]  }
0xf8: {  	v2 =	vld [tilespmem:s21+$0x260]  }
0xf9: {  	v1 =	vld [tilespmem:s21+$0x270]  }
0xfa: {  	v13 =	vld [tilespmem:s21+$0x5200]  }
0xfb: {  	v14 =	vld [tilespmem:s21+$0x5210]  }
0xfc: {  	v11 =	vld [tilespmem:s21+$0x5220]  }
0xfd: {  	v10 =	vld [tilespmem:s21+$0x5230]  }
0xfe: {  	v9 =	vld [tilespmem:s21+$0x5240]  }
0xff: {  	v8 =	vld [tilespmem:s21+$0x5250];
	v13 =	vadd.f32 v13, v7  }
0x100: {  	s8 =	simm.s32 $0x200;
	v12 =	vadd.f32 v14, v12;
	v7 =	vld [tilespmem:s21+$0x5260]  }
.LBB2_11:
0x101: {  	s24 =	sshra.s32 s8, $0x2;
	p1 =	sne.s32 s8, $0x9E00;
	v13 =	vmax.f32 v13, $0.0e+00;
	v6 =	vadd.f32 v11, v6;
	v11 =	vld [tilespmem:s21+$0x5270]  }
0x102: {  	v14 =	vld [tilespmem:s24+$0x200];
	[tilespmem:s21+$0x5200] =	vst v13;
	v12 =	vmax.f32 v12, $0.0e+00;
	v5 =	vadd.f32 v10, v5  }
0x103: {  	v15 =	vld [tilespmem:s24+$0x210];
	[tilespmem:s21+$0x5210] =	vst v12;
	v10 =	vmax.f32 v6, $0.0e+00;
	v4 =	vadd.f32 v9, v4  }
0x104: {  	v6 =	vld [tilespmem:s24+$0x220];
	[tilespmem:s21+$0x5220] =	vst v10;
	v9 =	vmax.f32 v5, $0.0e+00;
	v3 =	vadd.f32 v8, v3  }
0x105: {  	v5 =	vld [tilespmem:s24+$0x230];
	[tilespmem:s21+$0x5230] =	vst v9;
	v8 =	vmax.f32 v4, $0.0e+00;
	v2 =	vadd.f32 v7, v2  }
0x106: {  	v4 =	vld [tilespmem:s24+$0x240];
	[tilespmem:s21+$0x5240] =	vst v8;
	v7 =	vmax.f32 v3, $0.0e+00;
	v1 =	vadd.f32 v11, v1  }
0x107: {  	v3 =	vld [tilespmem:s24+$0x250];
	[tilespmem:s21+$0x5250] =	vst v7;
	v7 =	vmax.f32 v2, $0.0e+00  }
0x108: {  	v2 =	vld [tilespmem:s24+$0x260];
	[tilespmem:s21+$0x5260] =	vst v7;
	v7 =	vmax.f32 v1, $0.0e+00  }
0x109: {  	v1 =	vld [tilespmem:s24+$0x270];
	[tilespmem:s21+$0x5270] =	vst v7;
	s21 =	smov.u32 s24  }
0x10a: {  	v7 =	vld [tilespmem:s21+$0x5200]  }
0x10b: {  	v12 =	vld [tilespmem:s21+$0x5210]  }
.Ltmp5:
0x10c: {  	v11 =	vld [tilespmem:s21+$0x5220];
	(pc) =	sbr.rel @p1 .LBB2_11-.Ltmp5, $4  }
0x10d: {  	v10 =	vld [tilespmem:s21+$0x5230]  }
0x10e: {  	v9 =	vld [tilespmem:s21+$0x5240]  }
0x10f: {  	v13 =	vadd.f32 v7, v14;
	v8 =	vld [tilespmem:s21+$0x5250]  }
0x110: {  	s8 =	sadd.s32 $0x200, s8;
	v12 =	vadd.f32 v12, v15;
	v7 =	vld [tilespmem:s21+$0x5260]  }
0x111: {  	v13 =	vmax.f32 v13, $0.0e+00;
	v6 =	vadd.f32 v11, v6;
	v63 =	vld [tilespmem:s21+$0x5270]  }
0x112: {  	[tilespmem:s21+$0x5200] =	vst v13;
	v12 =	vmax.f32 v12, $0.0e+00;
	v5 =	vadd.f32 v10, v5  }
0x113: {  	[tilespmem:s21+$0x5210] =	vst v12;
	v6 =	vmax.f32 v6, $0.0e+00;
	v4 =	vadd.f32 v9, v4  }
0x114: {  	[tilespmem:s21+$0x5220] =	vst v6;
	v5 =	vmax.f32 v5, $0.0e+00;
	v3 =	vadd.f32 v8, v3  }
0x115: {  	[tilespmem:s21+$0x5230] =	vst v5;
	v4 =	vmax.f32 v4, $0.0e+00;
	v2 =	vadd.f32 v7, v2  }
0x116: {  	[tilespmem:s21+$0x5240] =	vst v4;
	v3 =	vmax.f32 v3, $0.0e+00;
	v1 =	vadd.f32 v63, v1  }
0x117: {  	[tilespmem:s21+$0x5250] =	vst v3;
	v2 =	vmax.f32 v2, $0.0e+00  }
0x118: {  	[tilespmem:s21+$0x5260] =	vst v2;
	v1 =	vmax.f32 v1, $0.0e+00  }
0x119: {  	s28 =	simm.s32 $0x9;
	[tilespmem:s21+$0x5270] =	vst v1  }
0x11a: {  	[spmem:s1] =	stream.indirect.scatter.add.f32 [tilespmem:s9], [sflag:$0x9], $0x80, s31, s2, $0xb8;
	[tilespmem:$0x1DA80] =	vst v63  }
0x11b: {  	_ =	swait.ge [sflag:s28], $0x2800  }
0x11c: {  	[sflag:s28] =	ssyncset.done $0x0  }
0x11d: {  	[sflag:s28] =	ssyncadd.s32 $0xFFFFD800  }
0x11e: {  	s8 =	stileid.u32;
	[bflag:$0x0] =	sbarrier.arrive $0xFFFF  }
0x11f: {  	s8 =	sshll.u32 s8, $0x6;
	s24 =	rddreg [dreg:$0x4]  }
0x120: {  	s8 =	sor.u32 $0x1C09, s8;
	s25 =	rddreg [dreg:$0x10];
	s26 =	sshrl.u32 s24, $0x3  }
0x121: {  	[hbm:s25], [sflag:s8] =	dma.local [spmem:s26], $0x2700  }
0x122: {  	_ =	swait.ge [sflag:s28], $0x2700  }
0x123: {  	[sflag:s28] =	ssyncset.done $0x0;
	s26 =	rddreg [dreg:$0x14]  }
0x124: {  	s25 =	rddreg [dreg:$0x11];
	[sflag:s28] =	ssyncadd.s32 $0xFFFFD900;
	s21 =	sshrl.u32 @!p0 s26, $0x3  }
0x125: {  	[hbm:s25], [sflag:s8] =	dma.local @!p0 [spmem:s21], $0x100  }
0x126: {  	s8 =	simm.s32 @!p0 $0x9  }
0x127: {  	_ =	swait.ge @!p0 [sflag:s8], $0x100  }
0x128: {  	s21 =	rddreg [dreg:$0x15]  }
0x129: {  	s25 =	sadd.s32 $0x1, s21;
	s21 =	rddreg [dreg:$0x12]  }
0x12a: {  	p1 =	sne.s32 s25, s21  }
.Ltmp6:
0x12b: {  	_ = 	snop;
	(pc) =	sbr.rel @p1 .LBB2_1-.Ltmp6, $3  }
0x12c: {  	_ =	sdelay $0x1  }
0x12d: {  	[sflag:s8] =	ssyncset.done @!p0 $0x0  }
0x12e: {  	[sflag:s8] =	ssyncadd.s32 @!p0 $0xFFFFFF00  }
0x12f: {  	_ =	sfence.sel $0x180000  }
0x130: {  	[bflag:$0x0] =	sbarrier.arrive $0xFFFF  }
0x131: {  	_ =	strace $0x9000004A  }
0x132: {  	s0 =	stileid.u32;
	[bflag:$0x2] =	sbarrier.arrive $0xFFFF  }
0x133: {  	p0 =	sne.s32 s0, $0x0;
	s0 =	rddreg [dreg:$0x3]  }
0x134: {  	s0 =	sadd.s32 @!p0 $0x100000, s0  }
0x135: {  	[sflag:s0] =	ssyncadd.tile.s32 @!p0 $0x1;
	_ =	shalt  }
.Lfunc_end2:
_tile_overlayer_lowered:
.L_overlay_start_2:
0x136: {  	(tag) =	ssettag $0x2  }
0x137: {  	s0 =	rddreg [dreg:$0x0];
	s2 =	stileid.u32  }
0x138: {  	s1 =	rddreg [dreg:$0x1];
	p0 =	sne.s32 s2, $0x0  }
0x139: {  	s3 =	rddreg [dreg:$0x2];
	[bflag:$0x3] =	sbarrier.arrive $0xFFFF;
	s2 =	simm.s32 @!p0 $0x1C09  }
0x13a: {  	[timem:s3], [sflag:s2] =	dma.local @!p0 [hbm:s0], s1  }
0x13b: {  	s0 =	simm.s32 @!p0 $0x9  }
0x13c: {  	_ =	swait.ge @!p0 [sflag:s0], s1  }
0x13d: {  	s1 =	ssub.s32 @!p0 $0x0, s1;
	[sflag:s0] =	ssyncset.done @!p0 $0x0  }
0x13e: {  	[sflag:s0] =	ssyncadd.s32 @!p0 s1  }
0x13f: {  	[bflag:$0x3] =	sbarrier.arrive $0xFFFF  }
0x140: {  	_ =	shalt  }

// kernel: kernel.9.cloned.1.call-start
scs
__scs_entry_jumppad:
0x0: {  	(pc) =	sbr.rel $0x88, $3  }
0x1: {  	(tag) =	ssettag $0x0;
	lr =	simm.s32 $0x1  }
0x2: {  	[smem:$0x3F8F] =	sst lr;
	_ =	strace $0xD0000000  }
0x3: {  	_ = 	snop  }
0x4: {  	_ = 	snop  }
0x5: {  	_ = 	snop  }
0x6: {  	_ = 	snop  }
0x7: {  	_ = 	snop  }
__scs_overlays_trampoline_lowered:
0x8: {  	[smem:$0x3F9E] =	sst s0  }
0x9: {  	[smem:$0x3F9F] =	sst s1  }
0xa: {  	[smem:$0x3FA0] =	sst s2  }
0xb: {  	[smem:$0x3FA1] =	sst s3  }
0xc: {  	[smem:$0x3FA2] =	sst s4  }
0xd: {  	[smem:$0x3FA3] =	sst s5  }
0xe: {  	[smem:$0x3FA4] =	sst s6  }
0xf: {  	[smem:$0x3FA5] =	sst s7  }
0x10: {  	[smem:$0x3FA6] =	sst s8  }
0x11: {  	[smem:$0x3FA7] =	sst s9;
	s0 =	simm.s32 @!p0 $0x0  }
0x12: {  	s1 =	sld [smem:$0x3F8D];
	s0 =	simm.s32 @p0 $0x1  }
0x13: {  	[smem:$0x3FA8] =	sst s0;
	s0 =	simm.s32 @!p1 $0x0  }
0x14: {  	s2 =	sld [smem:$0x3F8C];
	s0 =	simm.s32 @p1 $0x1  }
0x15: {  	[smem:$0x3FA9] =	sst s0;
	s0 =	simm.s32 @!p2 $0x0  }
0x16: {  	s3 =	sld [smem:$0x3FDB];
	s0 =	simm.s32 @p2 $0x1  }
0x17: {  	s4 =	simm.s32 $0x1BF5;
	[smem:$0x3FAB] =	sst s0  }
0x18: {  	s0 =	sld [smem:$0x3F8E];
	_ =	swait.ge [sflag:s4], $0x0  }
0x19: {  	s7 =	sld [smem:$0x3F8F]  }
0x1a: {  	s8 =	sadd.s32 $0xFFFFE003, lr  }
0x1b: {  	s9 =	sadd.s32 $0xFFFFFEF7, lr;
	s5 =	simm.s32 $0xFFFFFFFF;
	p2 =	slt.u32 s8, $0xFFFFF086  }
0x1c: {  	p1 =	slt.u32 s9, $0xF7A;
	s5 =	simm.s32 @!p2 $0x0  }
0x1d: {  	s5 =	simm.s32 @p1 $0x1;
	p0 =	seq.s32 s7, s2  }
0x1e: {  	s7 =	smul.u32 @!p0 $0xF7A, s2;
	p2 =	seq.s32 @!p0 s5, $0x0  }
0x1f: {  	s9 =	smul.u32 $0xF7A, s1;
	s8 =	simm.s32 @!p0 $0x1BF5;
	p2 =	por !p2, p0  }
0x20: {  	[sflag:s8] =	ssyncset.s32 @!p0 $0xFFFFF086;
	s6 =	sadd.s32 @!p0 s3, s7;
	s7 =	simm.s32 @!p0 $0x108  }
0x21: {  	s3 =	sadd.s32 s3, s9;
	s6 =	sadd.s32 @!p0 $0x88, s6;
	s7 =	simm.s32 @p2 $0x1082  }
0x22: {  	[simem:s7], [sflag:s8] =	dma.local @!p0 [hbm:s6], $0xF7A  }
0x23: {  	s9 =	sor.u32 $0xD0000000, s2;
	s6 =	simm.s32 $0x108;
	_ =	swait.ge @!p0 [sflag:s8], $0x0  }
0x24: {  	s3 =	sadd.s32 $0x88, s3;
	s6 =	simm.s32 @!p1 $0x1082;
	[sflag:s4] =	ssyncset.s32 $0xFFFFF086  }
0x25: {  	[simem:s6], [sflag:s4] =	dma.local [hbm:s3], $0xF7A  }
0x26: {  	[smem:$0x3F8F] =	sst s1;
	(tag) =	ssettag s2;
	_ =	strace s9  }
0x27: {  	s1 =	sld [smem:$0x3F9F]  }
0x28: {  	s2 =	sld [smem:$0x3FA0]  }
0x29: {  	s4 =	sld [smem:$0x3FA2]  }
0x2a: {  	p0 =	seq.s32 s5, $0x0;
	s5 =	sld [smem:$0x3FA3]  }
0x2b: {  	s6 =	sld [smem:$0x3FA4]  }
0x2c: {  	s7 =	sld [smem:$0x3FA5]  }
0x2d: {  	s3 =	simm.s32 $0x108;
	s8 =	sld [smem:$0x3FA6]  }
0x2e: {  	s3 =	simm.s32 @!p0 $0x1082;
	s9 =	sld [smem:$0x3FA7]  }
0x2f: {  	lr =	sadd.s32 s0, s3;
	s0 =	sld [smem:$0x3F9E]  }
0x30: {  	s3 =	sld [smem:$0x3FA1]  }
0x31: {  	[smem:$0x3FAA] =	sst s10  }
0x32: {  	s10 =	sld [smem:$0x3FA8];
	_ =	sdelay $0x3  }
0x33: {  	p0 =	seq.s32 s10, $0x1;
	s10 =	sld [smem:$0x3FAA];
	_ =	sdelay $0x3  }
0x34: {  	[smem:$0x3FAA] =	sst s10  }
0x35: {  	s10 =	sld [smem:$0x3FA9];
	_ =	sdelay $0x3  }
0x36: {  	p1 =	seq.s32 s10, $0x1;
	s10 =	sld [smem:$0x3FAA];
	_ =	sdelay $0x3  }
0x37: {  	[smem:$0x3FAA] =	sst s10  }
0x38: {  	s10 =	sld [smem:$0x3FAB]  }
0x39: {  	_ = 	snop;
	(pc) =	sbr.ind lr, $3  }
0x3a: {  	_ = 	snop  }
0x3b: {  	_ = 	snop  }
0x3c: {  	p2 =	seq.s32 s10, $0x1;
	s10 =	sld [smem:$0x3FAA]  }
0x3d: {  	_ =	shalt  }
0x3e: {  	_ =	shalt  }
0x3f: {  	_ =	shalt  }
0x40: {  	_ =	shalt  }
0x41: {  	_ =	shalt  }
0x42: {  	_ =	shalt  }
0x43: {  	_ =	shalt  }
0x44: {  	_ =	shalt  }
0x45: {  	_ =	shalt  }
0x46: {  	_ =	shalt  }
0x47: {  	_ =	shalt  }
0x48: {  	_ =	shalt  }
0x49: {  	_ =	shalt  }
0x4a: {  	_ =	shalt  }
0x4b: {  	_ =	shalt  }
0x4c: {  	_ =	shalt  }
0x4d: {  	_ =	shalt  }
0x4e: {  	_ =	shalt  }
0x4f: {  	_ =	shalt  }
0x50: {  	_ =	shalt  }
0x51: {  	_ =	shalt  }
0x52: {  	_ =	shalt  }
0x53: {  	_ =	shalt  }
0x54: {  	_ =	shalt  }
0x55: {  	_ =	shalt  }
0x56: {  	_ =	shalt  }
0x57: {  	_ =	shalt  }
0x58: {  	_ =	shalt  }
0x59: {  	_ =	shalt  }
0x5a: {  	_ =	shalt  }
0x5b: {  	_ =	shalt  }
0x5c: {  	_ =	shalt  }
0x5d: {  	_ =	shalt  }
0x5e: {  	_ =	shalt  }
0x5f: {  	_ =	shalt  }
0x60: {  	_ =	shalt  }
0x61: {  	_ =	shalt  }
0x62: {  	_ =	shalt  }
0x63: {  	_ =	shalt  }
0x64: {  	_ =	shalt  }
0x65: {  	_ =	shalt  }
0x66: {  	_ =	shalt  }
0x67: {  	_ =	shalt  }
0x68: {  	_ =	shalt  }
0x69: {  	_ =	shalt  }
0x6a: {  	_ =	shalt  }
0x6b: {  	_ =	shalt  }
0x6c: {  	_ =	shalt  }
0x6d: {  	_ =	shalt  }
0x6e: {  	_ =	shalt  }
0x6f: {  	_ =	shalt  }
0x70: {  	_ =	shalt  }
0x71: {  	_ =	shalt  }
0x72: {  	_ =	shalt  }
0x73: {  	_ =	shalt  }
0x74: {  	_ =	shalt  }
0x75: {  	_ =	shalt  }
0x76: {  	_ =	shalt  }
0x77: {  	_ =	shalt  }
0x78: {  	_ =	shalt  }
0x79: {  	_ =	shalt  }
0x7a: {  	_ =	shalt  }
0x7b: {  	_ =	shalt  }
0x7c: {  	_ =	shalt  }
0x7d: {  	_ =	shalt  }
0x7e: {  	_ =	shalt  }
0x7f: {  	_ =	shalt  }
0x80: {  	_ =	shalt  }
0x81: {  	_ =	shalt  }
0x82: {  	_ =	shalt  }
0x83: {  	_ =	shalt  }
0x84: {  	_ =	shalt  }
0x85: {  	_ =	shalt  }
0x86: {  	_ =	shalt  }
0x87: {  	_ =	shalt  }
.Lfunc_end0:
.L_simem_size_0:
called_computation_lowered:
.L_overlay_start_0:
0x88: {  	s2 =	sld [smem:$0x3FD9]  }
0x89: {  	s3 =	sld [smem:$0x3FFE];
	_ =	sdelay $0x1  }
0x8a: {  	s1 =	srdreg.scid  }
0x8b: {  	s0 =	sand.u32 $0x1, s1  }
0x8c: {  	s17 =	sshll.u32 s0, $0xA;
	s2 =	sadd.s32 s3, s2  }
0x8d: {  	s2 =	sadd.s32 s2, s17  }
0x8e: {  	[smem:$0x3FB6] =	sst s2  }
0x8f: {  	_ = 	snop  }
0x90: {  	s2 =	sld [smem:$0x3FD0];
	(tm) =	ssettm $0x1  }
0x91: {  	s18 =	sld [smem:$0x3FFB];
	_ =	sdelay $0x3  }
0x92: {  	_ =	strace s18  }
0x93: {  	s3 =	sld [smem:$0x3FFC];
	_ =	sdelay $0x3  }
0x94: {  	_ =	strace s3  }
0x95: {  	s3 =	sld [smem:$0x3FFD];
	_ =	sdelay $0x3  }
0x96: {  	_ =	strace s3  }
0x97: {  	_ =	strace $0x8FFFFFFF  }
0x98: {  	s19 =	sld [smem:$0x3FDB];
	_ =	sdelay $0x1  }
0x99: {  	s4 =	simm.s32 $_scs_section_size  }
0x9a: {  	s5 =	simm.s32 $_size__tile_overlayer_lowered;
	s6 =	simm.s32 $_tile_overlayer_lowered  }
0x9b: {  	s22 =	simm.s32 $0x1BFF;
	s21 =	sshll.u32 s6, $0x1;
	s3 =	sadd.s32 s4, s19  }
0x9c: {  	s7 =	simm.s32 $0x0;
	s20 =	sshll.u32 s5, $0x1;
	s5 =	sadd.s32 s21, s3  }
0x9d: {  	[timem:s7], [sflag:s22] =	dma.local [hbm:s5], s20  }
0x9e: {  	_ =	swait.ge [sflag:s22], s20  }
0x9f: {  	s4 =	ssub.s32 $0x0, s20;
	[sflag:s22] =	ssyncset.done $0x0  }
0xa0: {  	[sflag:s22] =	ssyncadd.s32 s4;
	_ =	sdelay $0x1  }
0xa1: {  	s23 =	simm.s32 $0x1B8B  }
0xa2: {  	_ =	swait.ge [sflag:s23], $0x1  }
0xa3: {  	[sflag:s23] =	ssyncset.done $0x0  }
0xa4: {  	s25 =	simm.s32 $0x1B8E;
	s24 =	sld [smem:$0x3FFE];
	[sflag:s23] =	ssyncadd.s32 $0xFFFFFFFF  }
0xa5: {  	s26 =	simm.s32 $execute0_lowered;
	[smem:$0x3FD2] =	sst s25  }
0xa6: {  	s5 =	sshll.u32 s26, $0x1;
	_ =	strace $0x80000046;
	[dreg:$0x1] =	wrdreg $0xFFFFFFFF  }
0xa7: {  	s28 =	simm.s32 $_size_execute0_lowered;
	s3 =	sadd.s32 s3, s5;
	[dreg:$0x0] =	wrdreg $0x0  }
0xa8: {  	s5 =	sshll.u32 s28, $0x1;
	[dreg:$0x2] =	wrdreg s3  }
0xa9: {  	[dreg:$0x3] =	wrdreg s5  }
0xaa: {  	[dreg:$0x4] =	wrdreg $0xC0  }
0xab: {  	_ =	task [dreg:s7], $0x5FFFF  }
0xac: {  	[dreg:$0x1] =	wrdreg $0xFFFFFFFF  }
0xad: {  	[dreg:$0x0] =	wrdreg $0x60  }
0xae: {  	[dreg:$0x2] =	wrdreg s24  }
0xaf: {  	[dreg:$0x3] =	wrdreg s2  }
0xb0: {  	[dreg:$0x4] =	wrdreg $0xA2000  }
0xb1: {  	[dreg:$0x5] =	wrdreg $0x9  }
0xb2: {  	_ =	task.clear_ibuf [dreg:s7], $0x6FFFF;
	_ =	strace $0x90000046  }
0xb3: {  	s29 =	simm.s32 $0x9;
	_ =	strace $0x80000048  }
0xb4: {  	_ =	swait.ge [sflag:s29], $0x1  }
0xb5: {  	[sflag:s29] =	ssyncadd.s32 $0xFFFFFFFF  }
0xb6: {  	_ =	strace $0x90000048  }
0xb7: {  	_ =	sfence  }
0xb8: {  	s30 =	sld [smem:$0x0];
	_ =	sdelay $0x2  }
0xb9: {  	s31 =	sshll.u32 s1, $0xD;
	s1 =	sshrl.u32 s1, $0x2  }
0xba: {  	s3 =	sand.u32 $0x4000, s31;
	s1 =	sadd.s32 s1, s30  }
0xbb: {  	s0 =	sor.u32 s3, s0;
	s1 =	sshll.u32 s1, $0x11  }
0xbc: {  	s0 =	sor.u32 s1, s0  }
0xbd: {  	s0 =	sadd.s32 $0x8F2B, s0  }
0xbe: {  	[sflag:s0] =	ssyncadd.remote.s32 $0x1  }
0xbf: {  	_ =	sfence.sel $0xFFFF  }
0xc0: {  	[dreg:$0x0] =	wrdreg $0xFFFFFFFF;
	(pc) =	sbr.abs _section_cstart, $3  }
0xc1: {  	[dreg:$0x1] =	wrdreg $0xFFFFFFFF  }
0xc2: {  	_ =	task.clear_ibuf [dreg:s7], $0x2FFFF;
	_ =	strace $0x9FFFFFFF  }
0xc3: {  	(tm) =	ssettm $0x7FFFFFFF  }
tec
execute0_lowered:
.L_overlay_start_1:
0x0: {  	(tag) =	ssettag $0x1  }
0x1: {  	s0 =	rddreg [dreg:$0x0]  }
0x2: {  	s2 =	rddreg [dreg:$0x1]  }
0x3: {  	s1 =	rddreg [dreg:$0x2];
	s3 =	simm.s32 $0x0  }
0x4: {  	s5 =	srdreg.scid;
	s13 =	stileid.u32;
	s29 =	simm.s32 $0x200  }
0x5: {  	s28 =	simm.s32 $0x9;
	s31 =	simm.s32 $0x100;
	s30 =	simm.s32 $0x0  }
0x6: {  	[smem:$0x7FF] =	sst s3;
	s4 =	sadd.s32 $0x16E00, s0;
	s8 =	sand.u32 $0x1, s5  }
0x7: {  	s9 =	smul.u32 $0x4E000, s13;
	s5 =	sadd.s32 $0x3E000, s0;
	s6 =	sadd.s32 $0xD000, s0  }
0x8: {  	s7 =	sadd.s32 $0x3200, s0;
	s21 =	smul.u32 $0x13800, s13;
	p0 =	sne.s32 s13, $0xF  }
0x9: {  	_ =	strace $0x80000047;
	s10 =	smul.u32 $0x7D0, s8;
	s23 =	ssub.s32 $0x2, s8  }
0xa: {  	s8 =	smul.u32 $0x138800, s8;
	s9 =	sshrl.u32 s9, $0x2;
	s11 =	sshrl.u32 s23, $0x1  }
0xb: {  	s24 =	sadd.s32 s9, s1;
	s9 =	sor.u32 s13, s10;
	s0 =	ssub.s32 s23, s11  }
0xc: {  	s23 =	sadd.s32 s21, s8;
	s25 =	sadd.s32 $0x2800, s24;
	[dreg:$0x4] =	wrdreg s24  }
0xd: {  	s8 =	sshrl.u32 s8, $0x3;
	s15 =	sadd.s32 $0x5000, s24;
	[dreg:$0x5] =	wrdreg s25  }
0xe: {  	s13 =	simm.s32 $0x2A00;
	s16 =	sadd.s32 $0x7800, s24;
	[dreg:$0x6] =	wrdreg s15  }
0xf: {  	s26 =	smul.u32 $0xA, s9;
	s12 =	sadd.s32 $0xA000, s24;
	[dreg:$0x7] =	wrdreg s16  }
0x10: {  	s17 =	smul.u32 $0x500, s9;
	s18 =	sadd.s32 $0xC800, s24;
	[dreg:$0x8] =	wrdreg s12  }
0x11: {  	s19 =	sadd.s32 $0xF000, s24;
	s0 =	smax.u32 s0, $0x1;
	[dreg:$0x9] =	wrdreg s18  }
0x12: {  	[dreg:$0xa] =	wrdreg s19;
	s18 =	sadd.s32 $0x10, s9;
	s25 =	sshrl.u32 s23, $0x3  }
0x13: {  	s23 =	sadd.s32 $0x30, s9;
	[dreg:$0x12] =	wrdreg s0;
	s0 =	simm.s32 $0x1  }
0x14: {  	s12 =	simm.s32 $0x2;
	s15 =	simm.s32 $0x3;
	s16 =	simm.s32 $0x5  }
0x15: {  	s19 =	simm.s32 $0x4;
	s20 =	sadd.s32 s6, s26;
	s14 =	sadd.s32 s7, s26  }
0x16: {  	s11 =	sadd.s32 s5, s17;
	s10 =	sadd.s32 $0xA0, s26;
	[dreg:$0xb] =	wrdreg s20  }
0x17: {  	s26 =	sadd.s32 $0x11800, s24;
	s17 =	simm.s32 $0x7;
	[dreg:$0xc] =	wrdreg s14  }
0x18: {  	[dreg:$0xd] =	wrdreg s11;
	s22 =	sadd.s32 s6, s10;
	s10 =	sadd.s32 s7, s10  }
0x19: {  	[dreg:$0x13] =	wrdreg s26;
	s26 =	sadd.s32 $0x138000, s1;
	s11 =	simm.s32 $0x180  }
0x1a: {  	s14 =	simm.s32 $0x7A00;
	s20 =	simm.s32 $0x6;
	[dreg:$0xe] =	wrdreg s22  }
0x1b: {  	[dreg:$0xf] =	wrdreg s10;
	s10 =	sadd.s32 s2, s25;
	s2 =	sadd.s32 s2, s8  }
0x1c: {  	s22 =	sadd.s32 $0x20, s9;
	s9 =	simm.s32 $0x5200;
	[dreg:$0x14] =	wrdreg s26  }
0x1d: {  	s25 =	simm.s32 $0x0;
	[dreg:$0x10] =	wrdreg s10;
	s2 =	sadd.s32 $0x27000, s2  }
0x1e: {  	v0 =	vimm.f32 $0.0e+00;
	s10 =	simm.s32 $0x80;
	[dreg:$0x11] =	wrdreg s2;
	s2 =	simm.s32 $0x50  }
.LBB2_1:
0x1f: {  	[dreg:$0x15] =	wrdreg s25;
	s8 =	simm.s32 $0x0;
	s21 =	simm.s32 $0x200  }
.LBB2_2:
0x20: {  	p1 =	sne.s32 s21, $0x9E00;
	[tilespmem:s8+$0x270] =	vst v0  }
0x21: {  	[tilespmem:s8+$0x200] =	vst v0  }
0x22: {  	[tilespmem:s8+$0x210] =	vst v0  }
.Ltmp0:
0x23: {  	[tilespmem:s8+$0x220] =	vst v0;
	(pc) =	sbr.rel @p1 .LBB2_2-.Ltmp0, $4  }
0x24: {  	[tilespmem:s8+$0x230] =	vst v0  }
0x25: {  	[tilespmem:s8+$0x240] =	vst v0  }
0x26: {  	[tilespmem:s8+$0x250] =	vst v0  }
0x27: {  	[tilespmem:s8+$0x260] =	vst v0;
	s8 =	sshra.s32 s21, $0x2;
	s21 =	sadd.s32 $0x200, s21  }
0x28: {  	[tilespmem:s8+$0x270] =	vst v0  }
0x29: {  	[tilespmem:s8+$0x200] =	vst v0  }
0x2a: {  	[tilespmem:s8+$0x210] =	vst v0  }
0x2b: {  	[tilespmem:s8+$0x220] =	vst v0  }
0x2c: {  	[tilespmem:s8+$0x230] =	vst v0  }
0x2d: {  	[tilespmem:s8+$0x240] =	vst v0  }
0x2e: {  	[tilespmem:s8+$0x250] =	vst v0  }
0x2f: {  	[tilespmem:s8+$0x260] =	vst v0  }
0x30: {  	[spmem:s24] =	stream.linear.scatter [tilespmem:s29], [sflag:$0x9], $0x2800, $0x38;
	[tilespmem:$0x1DA80] =	vst v63  }
0x31: {  	_ =	swait.ge [sflag:s28], $0x2800  }
0x32: {  	[sflag:s28] =	ssyncset.done $0x0  }
0x33: {  	s25 =	rddreg [dreg:$0x5];
	[sflag:s28] =	ssyncadd.s32 $0xFFFFD800  }
0x34: {  	[spmem:s25] =	stream.linear.scatter [tilespmem:s29], [sflag:$0x9], $0x2800, $0x38;
	[tilespmem:$0x1DA80] =	vst v63  }
0x35: {  	_ =	swait.ge [sflag:s28], $0x2800  }
0x36: {  	[sflag:s28] =	ssyncset.done $0x0  }
0x37: {  	s21 =	rddreg [dreg:$0x6];
	[sflag:s28] =	ssyncadd.s32 $0xFFFFD800  }
0x38: {  	[spmem:s21] =	stream.linear.scatter [tilespmem:s29], [sflag:$0x9], $0x2800, $0x38;
	[tilespmem:$0x1DA80] =	vst v63  }
0x39: {  	_ =	swait.ge [sflag:s28], $0x2800  }
0x3a: {  	[sflag:s28] =	ssyncset.done $0x0  }
0x3b: {  	s24 =	rddreg [dreg:$0x7];
	[sflag:s28] =	ssyncadd.s32 $0xFFFFD800  }
0x3c: {  	[spmem:s24] =	stream.linear.scatter [tilespmem:s29], [sflag:$0x9], $0x2800, $0x38;
	[tilespmem:$0x1DA80] =	vst v63  }
0x3d: {  	_ =	swait.ge [sflag:s28], $0x2800  }
0x3e: {  	[sflag:s28] =	ssyncset.done $0x0  }
0x3f: {  	s25 =	rddreg [dreg:$0x8];
	[sflag:s28] =	ssyncadd.s32 $0xFFFFD800  }
0x40: {  	[spmem:s25] =	stream.linear.scatter [tilespmem:s29], [sflag:$0x9], $0x2800, $0x38;
	[tilespmem:$0x1DA80] =	vst v63  }
0x41: {  	_ =	swait.ge [sflag:s28], $0x2800  }
0x42: {  	[sflag:s28] =	ssyncset.done $0x0  }
0x43: {  	s21 =	rddreg [dreg:$0x9];
	[sflag:s28] =	ssyncadd.s32 $0xFFFFD800  }
0x44: {  	[spmem:s21] =	stream.linear.scatter [tilespmem:s29], [sflag:$0x9], $0x2800, $0x38;
	[tilespmem:$0x1DA80] =	vst v63  }
0x45: {  	_ =	swait.ge [sflag:s28], $0x2800  }
0x46: {  	[sflag:s28] =	ssyncset.done $0x0  }
0x47: {  	s24 =	rddreg [dreg:$0xa];
	[sflag:s28] =	ssyncadd.s32 $0xFFFFD800  }
0x48: {  	[spmem:s24] =	stream.linear.scatter [tilespmem:s29], [sflag:$0x9], $0x2800, $0x38;
	[tilespmem:$0x1DA80] =	vst v63  }
0x49: {  	_ =	swait.ge [sflag:s28], $0x2800  }
0x4a: {  	[sflag:s28] =	ssyncset.done $0x0  }
0x4b: {  	s25 =	rddreg [dreg:$0x13];
	[sflag:s28] =	ssyncadd.s32 $0xFFFFD800  }
0x4c: {  	[spmem:s25] =	stream.linear.scatter [tilespmem:s29], [sflag:$0x9], $0x2000, $0x38;
	[tilespmem:$0x1DA80] =	vst v63  }
0x4d: {  	_ =	swait.ge [sflag:s28], $0x2000  }
0x4e: {  	[sflag:s28] =	ssyncset.done $0x0  }
0x4f: {  	s8 =	simm.s32 @!p0 $0x200;
	[sflag:s28] =	ssyncadd.s32 $0xFFFFE000  }
0x50: {  	[spmem:s26] =	stream.linear.scatter @!p0 [tilespmem:s8], [sflag:$0x9], $0x800, $0x38;
	[tilespmem:$0x1DA80] =	vst v63  }
0x51: {  	s8 =	simm.s32 @!p0 $0x9  }
0x52: {  	_ =	swait.ge @!p0 [sflag:s8], $0x800  }
0x53: {  	[sflag:s8] =	ssyncset.done @!p0 $0x0  }
0x54: {  	[sflag:s8] =	ssyncadd.s32 @!p0 $0xFFFFF800  }
0x55: {  	[bflag:$0x0] =	sbarrier.arrive $0xFFFF  }
0x56: {  	s25 =	simm.s32 $0x0;
	s28 =	rddreg [dreg:$0xb]  }
0x57: {  	[tilespmem:s25], [sflag:$0x1] =	stream.linear.gather [hbm4b:s28+s25], $0x50, $0x38;
	[tilespmem:$0x1DA80] =	vst v63  }
0x58: {  	s21 =	rddreg [dreg:$0xc]  }
0x59: {  	[tilespmem:s31], [sflag:$0x1] =	stream.linear.gather [hbm4b:s21+s25], $0x50, $0x38;
	[tilespmem:$0x1DA80] =	vst v63  }
0x5a: {  	_ =	swait.ge [sflag:s0], $0x50  }
0x5b: {  	[sflag:s0] =	ssyncset.done $0x0  }
0x5c: {  	[sflag:s0] =	ssyncadd.s32 $0xFFFFFFB0  }
0x5d: {  	_ =	swait.ge [sflag:s0], $0x50  }
0x5e: {  	[sflag:s0] =	ssyncset.done $0x0  }
0x5f: {  	[sflag:s0] =	ssyncadd.s32 $0xFFFFFFB0  }
0x60: {  	[tilespmem:s29], [sflag:$0x3] =	stream.indirect.gather [hbm4b:s4+s2], $0x80, s25, s2, $0xb8;
	[tilespmem:$0x1DA80] =	vst v63  }
0x61: {  	s24 =	rddreg [dreg:$0xd]  }
0x62: {  	[tilespmem:s9], [sflag:$0x5] =	stream.linear.gather [hbm4b:s24+s25], $0x2800, $0x38;
	[tilespmem:$0x1DA80] =	vst v63  }
0x63: {  	s26 =	rddreg [dreg:$0xe]  }
0x64: {  	[tilespmem:s10], [sflag:$0x2] =	stream.linear.gather [hbm4b:s26+s25], $0x50, $0x38;
	[tilespmem:$0x1DA80] =	vst v63  }
0x65: {  	s28 =	rddreg [dreg:$0xf];
	s26 =	simm.s32 $0x0  }
0x66: {  	[tilespmem:s11], [sflag:$0x2] =	stream.linear.gather [hbm4b:s28+s25], $0x50, $0x38;
	[tilespmem:$0x1DA80] =	vst v63  }
.LBB2_4:
0x67: {  	_ =	swait.ge [sflag:s12], $0x50  }
0x68: {  	[sflag:s12] =	ssyncset.done $0x0  }
0x69: {  	[sflag:s12] =	ssyncadd.s32 $0xFFFFFFB0  }
0x6a: {  	_ =	swait.ge [sflag:s12], $0x50  }
0x6b: {  	p1 =	seq.s32 s26, $0x0;
	[sflag:s12] =	ssyncset.done $0x0  }
0x6c: {  	s8 =	simm.s32 @!p1 $0x8;
	[sflag:s12] =	ssyncadd.s32 $0xFFFFFFB0  }
0x6d: {  	s21 =	sshll.u32 s26, $0x5;
	_ =	swait.ge @!p1 [sflag:s8], $0x2800  }
0x6e: {  	s28 =	sadd.s32 s21, s18;
	[sflag:s8] =	ssyncset.done @!p1 $0x0  }
0x6f: {  	s24 =	smul.u32 $0x500, s28;
	[sflag:s8] =	ssyncadd.s32 @!p1 $0xFFFFD800  }
0x70: {  	[tilespmem:s13], [sflag:$0x4] =	stream.indirect.gather [hbm4b:s4+s2], $0x80, s10, s2, $0xb8;
	[tilespmem:$0x1DA80] =	vst v63  }
0x71: {  	s8 =	sadd.s32 s5, s24  }
0x72: {  	[tilespmem:s14], [sflag:$0x6] =	stream.linear.gather [hbm4b:s8+s25], $0x2800, $0x38;
	[tilespmem:$0x1DA80] =	vst v63  }
0x73: {  	_ =	swait.ge [sflag:s15], $0x2800  }
0x74: {  	[sflag:s15] =	ssyncset.done $0x0  }
0x75: {  	[sflag:s15] =	ssyncadd.s32 $0xFFFFD800  }
0x76: {  	_ =	swait.ge [sflag:s16], $0x2800  }
0x77: {  	[sflag:s16] =	ssyncset.done $0x0  }
0x78: {  	s28 =	simm.s32 $0x0;
	[sflag:s16] =	ssyncadd.s32 $0xFFFFD800  }
0x79: {  	v7 =	vld [tilespmem:s28+$0x200]  }
0x7a: {  	v12 =	vld [tilespmem:s28+$0x210]  }
0x7b: {  	v6 =	vld [tilespmem:s28+$0x220]  }
0x7c: {  	v5 =	vld [tilespmem:s28+$0x230]  }
0x7d: {  	v4 =	vld [tilespmem:s28+$0x240]  }
0x7e: {  	v3 =	vld [tilespmem:s28+$0x250]  }
0x7f: {  	v2 =	vld [tilespmem:s28+$0x260]  }
0x80: {  	v1 =	vld [tilespmem:s28+$0x270]  }
0x81: {  	v13 =	vld [tilespmem:s28+$0x5200]  }
0x82: {  	v14 =	vld [tilespmem:s28+$0x5210]  }
0x83: {  	v11 =	vld [tilespmem:s28+$0x5220]  }
0x84: {  	v10 =	vld [tilespmem:s28+$0x5230]  }
0x85: {  	v9 =	vld [tilespmem:s28+$0x5240]  }
0x86: {  	v8 =	vld [tilespmem:s28+$0x5250];
	v13 =	vadd.f32 v13, v7  }
0x87: {  	s8 =	simm.s32 $0x200;
	v12 =	vadd.f32 v14, v12;
	v7 =	vld [tilespmem:s28+$0x5260]  }
.LBB2_5:
0x88: {  	s24 =	sshra.s32 s8, $0x2;
	p1 =	sne.s32 s8, $0x9E00;
	v13 =	vmax.f32 v13, $0.0e+00;
	v6 =	vadd.f32 v11, v6;
	v11 =	vld [tilespmem:s28+$0x5270]  }
0x89: {  	v14 =	vld [tilespmem:s24+$0x200];
	[tilespmem:s28+$0x5200] =	vst v13;
	v12 =	vmax.f32 v12, $0.0e+00;
	v5 =	vadd.f32 v10, v5  }
0x8a: {  	v15 =	vld [tilespmem:s24+$0x210];
	[tilespmem:s28+$0x5210] =	vst v12;
	v10 =	vmax.f32 v6, $0.0e+00;
	v4 =	vadd.f32 v9, v4  }
0x8b: {  	v6 =	vld [tilespmem:s24+$0x220];
	[tilespmem:s28+$0x5220] =	vst v10;
	v9 =	vmax.f32 v5, $0.0e+00;
	v3 =	vadd.f32 v8, v3  }
0x8c: {  	v5 =	vld [tilespmem:s24+$0x230];
	[tilespmem:s28+$0x5230] =	vst v9;
	v8 =	vmax.f32 v4, $0.0e+00;
	v2 =	vadd.f32 v7, v2  }
0x8d: {  	v4 =	vld [tilespmem:s24+$0x240];
	[tilespmem:s28+$0x5240] =	vst v8;
	v7 =	vmax.f32 v3, $0.0e+00;
	v1 =	vadd.f32 v11, v1  }
0x8e: {  	v3 =	vld [tilespmem:s24+$0x250];
	[tilespmem:s28+$0x5250] =	vst v7;
	v7 =	vmax.f32 v2, $0.0e+00  }
0x8f: {  	v2 =	vld [tilespmem:s24+$0x260];
	[tilespmem:s28+$0x5260] =	vst v7;
	v7 =	vmax.f32 v1, $0.0e+00  }
0x90: {  	v1 =	vld [tilespmem:s24+$0x270];
	[tilespmem:s28+$0x5270] =	vst v7;
	s28 =	smov.u32 s24  }
0x91: {  	v7 =	vld [tilespmem:s28+$0x5200]  }
0x92: {  	v12 =	vld [tilespmem:s28+$0x5210]  }
.Ltmp1:
0x93: {  	v11 =	vld [tilespmem:s28+$0x5220];
	(pc) =	sbr.rel @p1 .LBB2_5-.Ltmp1, $4  }
0x94: {  	v10 =	vld [tilespmem:s28+$0x5230]  }
0x95: {  	v9 =	vld [tilespmem:s28+$0x5240]  }
0x96: {  	v13 =	vadd.f32 v7, v14;
	v8 =	vld [tilespmem:s28+$0x5250]  }
0x97: {  	s8 =	sadd.s32 $0x200, s8;
	v12 =	vadd.f32 v12, v15;
	v7 =	vld [tilespmem:s28+$0x5260]  }
0x98: {  	v13 =	vmax.f32 v13, $0.0e+00;
	v6 =	vadd.f32 v11, v6;
	v11 =	vld [tilespmem:s28+$0x5270]  }
0x99: {  	[tilespmem:s28+$0x5200] =	vst v13;
	v12 =	vmax.f32 v12, $0.0e+00;
	v5 =	vadd.f32 v10, v5  }
0x9a: {  	[tilespmem:s28+$0x5210] =	vst v12;
	v6 =	vmax.f32 v6, $0.0e+00;
	v4 =	vadd.f32 v9, v4  }
0x9b: {  	[tilespmem:s28+$0x5220] =	vst v6;
	v5 =	vmax.f32 v5, $0.0e+00;
	v3 =	vadd.f32 v8, v3  }
0x9c: {  	[tilespmem:s28+$0x5230] =	vst v5;
	v4 =	vmax.f32 v4, $0.0e+00;
	v2 =	vadd.f32 v7, v2  }
0x9d: {  	[tilespmem:s28+$0x5240] =	vst v4;
	v3 =	vmax.f32 v3, $0.0e+00;
	v1 =	vadd.f32 v11, v1  }
0x9e: {  	[tilespmem:s28+$0x5250] =	vst v3;
	v2 =	vmax.f32 v2, $0.0e+00  }
0x9f: {  	s8 =	sadd.s32 s21, s22;
	[tilespmem:s28+$0x5260] =	vst v2;
	v1 =	vmax.f32 v1, $0.0e+00  }
0xa0: {  	s24 =	smul.u32 $0xA, s8;
	[tilespmem:s28+$0x5270] =	vst v1  }
0xa1: {  	[spmem:s1] =	stream.indirect.scatter.add.f32 [tilespmem:s9], [sflag:$0x7], $0x80, s31, s2, $0xb8;
	[tilespmem:$0x1DA80] =	vst v63  }
0xa2: {  	s28 =	sadd.s32 s6, s24  }
0xa3: {  	[tilespmem:s30], [sflag:$0x1] =	stream.linear.gather [hbm4b:s28+s30], $0x50, $0x38;
	[tilespmem:$0x1DA80] =	vst v63  }
0xa4: {  	s24 =	sadd.s32 s7, s24  }
0xa5: {  	[tilespmem:s31], [sflag:$0x1] =	stream.linear.gather [hbm4b:s24+s30], $0x50, $0x38;
	[tilespmem:$0x1DA80] =	vst v63  }
0xa6: {  	_ =	swait.ge [sflag:s0], $0x50  }
0xa7: {  	[sflag:s0] =	ssyncset.done $0x0  }
0xa8: {  	[sflag:s0] =	ssyncadd.s32 $0xFFFFFFB0  }
0xa9: {  	_ =	swait.ge [sflag:s0], $0x50  }
0xaa: {  	[sflag:s0] =	ssyncset.done $0x0  }
0xab: {  	[sflag:s0] =	ssyncadd.s32 $0xFFFFFFB0  }
0xac: {  	_ =	swait.ge [sflag:s17], $0x2800  }
0xad: {  	[sflag:s17] =	ssyncset.done $0x0  }
0xae: {  	s8 =	smul.u32 $0x500, s8;
	[sflag:s17] =	ssyncadd.s32 $0xFFFFD800  }
0xaf: {  	[tilespmem:s29], [sflag:$0x3] =	stream.indirect.gather [hbm4b:s4+s2], $0x80, s30, s2, $0xb8;
	[tilespmem:$0x1DA80] =	vst v63  }
0xb0: {  	s8 =	sadd.s32 s5, s8  }
0xb1: {  	[tilespmem:s9], [sflag:$0x5] =	stream.linear.gather [hbm4b:s8+s30], $0x2800, $0x38;
	[tilespmem:$0x1DA80] =	vst v63  }
0xb2: {  	_ =	swait.ge [sflag:s19], $0x2800  }
0xb3: {  	[sflag:s19] =	ssyncset.done $0x0  }
0xb4: {  	[sflag:s19] =	ssyncadd.s32 $0xFFFFD800  }
0xb5: {  	_ =	swait.ge [sflag:s20], $0x2800  }
0xb6: {  	[sflag:s20] =	ssyncset.done $0x0  }
0xb7: {  	s28 =	simm.s32 $0x0;
	[sflag:s20] =	ssyncadd.s32 $0xFFFFD800  }
0xb8: {  	v7 =	vld [tilespmem:s28+$0x2A00]  }
0xb9: {  	v12 =	vld [tilespmem:s28+$0x2A10]  }
0xba: {  	v6 =	vld [tilespmem:s28+$0x2A20]  }
0xbb: {  	v5 =	vld [tilespmem:s28+$0x2A30]  }
0xbc: {  	v4 =	vld [tilespmem:s28+$0x2A40]  }
0xbd: {  	v3 =	vld [tilespmem:s28+$0x2A50]  }
0xbe: {  	v2 =	vld [tilespmem:s28+$0x2A60]  }
0xbf: {  	v1 =	vld [tilespmem:s28+$0x2A70]  }
0xc0: {  	v13 =	vld [tilespmem:s28+$0x7A00]  }
0xc1: {  	v14 =	vld [tilespmem:s28+$0x7A10]  }
0xc2: {  	v11 =	vld [tilespmem:s28+$0x7A20]  }
0xc3: {  	v10 =	vld [tilespmem:s28+$0x7A30]  }
0xc4: {  	v9 =	vld [tilespmem:s28+$0x7A40]  }
0xc5: {  	v8 =	vld [tilespmem:s28+$0x7A50];
	v13 =	vadd.f32 v13, v7  }
0xc6: {  	s8 =	simm.s32 $0x200;
	v12 =	vadd.f32 v14, v12;
	v7 =	vld [tilespmem:s28+$0x7A60]  }
.LBB2_7:
0xc7: {  	s24 =	sshra.s32 s8, $0x2;
	p1 =	sne.s32 s8, $0x9E00;
	v13 =	vmax.f32 v13, $0.0e+00;
	v6 =	vadd.f32 v11, v6;
	v11 =	vld [tilespmem:s28+$0x7A70]  }
0xc8: {  	v14 =	vld [tilespmem:s24+$0x2A00];
	[tilespmem:s28+$0x7A00] =	vst v13;
	v12 =	vmax.f32 v12, $0.0e+00;
	v5 =	vadd.f32 v10, v5  }
0xc9: {  	v15 =	vld [tilespmem:s24+$0x2A10];
	[tilespmem:s28+$0x7A10] =	vst v12;
	v10 =	vmax.f32 v6, $0.0e+00;
	v4 =	vadd.f32 v9, v4  }
0xca: {  	v6 =	vld [tilespmem:s24+$0x2A20];
	[tilespmem:s28+$0x7A20] =	vst v10;
	v9 =	vmax.f32 v5, $0.0e+00;
	v3 =	vadd.f32 v8, v3  }
0xcb: {  	v5 =	vld [tilespmem:s24+$0x2A30];
	[tilespmem:s28+$0x7A30] =	vst v9;
	v8 =	vmax.f32 v4, $0.0e+00;
	v2 =	vadd.f32 v7, v2  }
0xcc: {  	v4 =	vld [tilespmem:s24+$0x2A40];
	[tilespmem:s28+$0x7A40] =	vst v8;
	v7 =	vmax.f32 v3, $0.0e+00;
	v1 =	vadd.f32 v11, v1  }
0xcd: {  	v3 =	vld [tilespmem:s24+$0x2A50];
	[tilespmem:s28+$0x7A50] =	vst v7;
	v7 =	vmax.f32 v2, $0.0e+00  }
0xce: {  	v2 =	vld [tilespmem:s24+$0x2A60];
	[tilespmem:s28+$0x7A60] =	vst v7;
	v7 =	vmax.f32 v1, $0.0e+00  }
0xcf: {  	v1 =	vld [tilespmem:s24+$0x2A70];
	[tilespmem:s28+$0x7A70] =	vst v7;
	s28 =	smov.u32 s24  }
0xd0: {  	v7 =	vld [tilespmem:s28+$0x7A00]  }
0xd1: {  	v12 =	vld [tilespmem:s28+$0x7A10]  }
.Ltmp2:
0xd2: {  	v11 =	vld [tilespmem:s28+$0x7A20];
	(pc) =	sbr.rel @p1 .LBB2_7-.Ltmp2, $4  }
0xd3: {  	v10 =	vld [tilespmem:s28+$0x7A30]  }
0xd4: {  	v9 =	vld [tilespmem:s28+$0x7A40]  }
0xd5: {  	v13 =	vadd.f32 v7, v14;
	v8 =	vld [tilespmem:s28+$0x7A50]  }
0xd6: {  	s8 =	sadd.s32 $0x200, s8;
	v12 =	vadd.f32 v12, v15;
	v7 =	vld [tilespmem:s28+$0x7A60]  }
0xd7: {  	v13 =	vmax.f32 v13, $0.0e+00;
	v6 =	vadd.f32 v11, v6;
	v63 =	vld [tilespmem:s28+$0x7A70]  }
0xd8: {  	[tilespmem:s28+$0x7A00] =	vst v13;
	v12 =	vmax.f32 v12, $0.0e+00;
	v5 =	vadd.f32 v10, v5  }
0xd9: {  	[tilespmem:s28+$0x7A10] =	vst v12;
	v6 =	vmax.f32 v6, $0.0e+00;
	v4 =	vadd.f32 v9, v4  }
0xda: {  	[tilespmem:s28+$0x7A20] =	vst v6;
	v5 =	vmax.f32 v5, $0.0e+00;
	v3 =	vadd.f32 v8, v3  }
0xdb: {  	p1 =	seq.s32 s26, $0x3D;
	[tilespmem:s28+$0x7A30] =	vst v5;
	v4 =	vmax.f32 v4, $0.0e+00;
	v2 =	vadd.f32 v7, v2  }
.Ltmp3:
0xdc: {  	[tilespmem:s28+$0x7A40] =	vst v4;
	v3 =	vmax.f32 v3, $0.0e+00;
	v1 =	vadd.f32 v63, v1;
	(pc) =	sbr.rel @p1 .LBB2_10-.Ltmp3, $4  }
0xdd: {  	[tilespmem:s28+$0x7A50] =	vst v3;
	v2 =	vmax.f32 v2, $0.0e+00  }
0xde: {  	[tilespmem:s28+$0x7A60] =	vst v2;
	v1 =	vmax.f32 v1, $0.0e+00  }
0xdf: {  	[tilespmem:s28+$0x7A70] =	vst v1  }
0xe0: {  	[spmem:s1] =	stream.indirect.scatter.add.f32 [tilespmem:s14], [sflag:$0x8], $0x80, s11, s2, $0xb8;
	[tilespmem:$0x1DA80] =	vst v63  }
0xe1: {  	s8 =	sadd.s32 s21, s23  }
0xe2: {  	s8 =	smul.u32 $0xA, s8  }
.Ltmp4:
0xe3: {  	_ = 	snop;
	(pc) =	sbr.rel .LBB2_4-.Ltmp4, $4  }
0xe4: {  	s28 =	sadd.s32 s6, s8  }
0xe5: {  	[tilespmem:s10], [sflag:$0x2] =	stream.linear.gather [hbm4b:s28+s3], $0x50, $0x38;
	[tilespmem:$0x1DA80] =	vst v63  }
0xe6: {  	s26 =	sadd.s32 $0x1, s26;
	s8 =	sadd.s32 s7, s8  }
0xe7: {  	[tilespmem:s11], [sflag:$0x2] =	stream.linear.gather [hbm4b:s8+s3], $0x50, $0x38;
	[tilespmem:$0x1DA80] =	vst v63  }
.LBB2_10:
0xe8: {  	s8 =	simm.s32 $0x8  }
0xe9: {  	_ =	swait.ge [sflag:s8], $0x2800  }
0xea: {  	[sflag:s8] =	ssyncset.done $0x0  }
0xeb: {  	[sflag:s8] =	ssyncadd.s32 $0xFFFFD800  }
0xec: {  	_ =	swait.ge [sflag:s15], $0x2800  }
0xed: {  	[sflag:s15] =	ssyncset.done $0x0  }
0xee: {  	[sflag:s15] =	ssyncadd.s32 $0xFFFFD800  }
0xef: {  	_ =	swait.ge [sflag:s16], $0x2800  }
0xf0: {  	[sflag:s16] =	ssyncset.done $0x0  }
0xf1: {  	s21 =	simm.s32 $0x0;
	[sflag:s16] =	ssyncadd.s32 $0xFFFFD800  }
0xf2: {  	v7 =	vld [tilespmem:s21+$0x200]  }
0xf3: {  	v12 =	vld [tilespmem:s21+$0x210]  }
0xf4: {  	v6 =	vld [tilespmem:s21+$0x220]  }
0xf5: {  	v5 =	vld [tilespmem:s21+$0x230]  }
0xf6: {  	v4 =	vld [tilespmem:s21+$0x240]  }
0xf7: {  	v3 =	vld [tilespmem:s21+$0x250]  }
0xf8: {  	v2 =	vld [tilespmem:s21+$0x260]  }
0xf9: {  	v1 =	vld [tilespmem:s21+$0x270]  }
0xfa: {  	v13 =	vld [tilespmem:s21+$0x5200]  }
0xfb: {  	v14 =	vld [tilespmem:s21+$0x5210]  }
0xfc: {  	v11 =	vld [tilespmem:s21+$0x5220]  }
0xfd: {  	v10 =	vld [tilespmem:s21+$0x5230]  }
0xfe: {  	v9 =	vld [tilespmem:s21+$0x5240]  }
0xff: {  	v8 =	vld [tilespmem:s21+$0x5250];
	v13 =	vadd.f32 v13, v7  }
0x100: {  	s8 =	simm.s32 $0x200;
	v12 =	vadd.f32 v14, v12;
	v7 =	vld [tilespmem:s21+$0x5260]  }
.LBB2_11:
0x101: {  	s24 =	sshra.s32 s8, $0x2;
	p1 =	sne.s32 s8, $0x9E00;
	v13 =	vmax.f32 v13, $0.0e+00;
	v6 =	vadd.f32 v11, v6;
	v11 =	vld [tilespmem:s21+$0x5270]  }
0x102: {  	v14 =	vld [tilespmem:s24+$0x200];
	[tilespmem:s21+$0x5200] =	vst v13;
	v12 =	vmax.f32 v12, $0.0e+00;
	v5 =	vadd.f32 v10, v5  }
0x103: {  	v15 =	vld [tilespmem:s24+$0x210];
	[tilespmem:s21+$0x5210] =	vst v12;
	v10 =	vmax.f32 v6, $0.0e+00;
	v4 =	vadd.f32 v9, v4  }
0x104: {  	v6 =	vld [tilespmem:s24+$0x220];
	[tilespmem:s21+$0x5220] =	vst v10;
	v9 =	vmax.f32 v5, $0.0e+00;
	v3 =	vadd.f32 v8, v3  }
0x105: {  	v5 =	vld [tilespmem:s24+$0x230];
	[tilespmem:s21+$0x5230] =	vst v9;
	v8 =	vmax.f32 v4, $0.0e+00;
	v2 =	vadd.f32 v7, v2  }
0x106: {  	v4 =	vld [tilespmem:s24+$0x240];
	[tilespmem:s21+$0x5240] =	vst v8;
	v7 =	vmax.f32 v3, $0.0e+00;
	v1 =	vadd.f32 v11, v1  }
0x107: {  	v3 =	vld [tilespmem:s24+$0x250];
	[tilespmem:s21+$0x5250] =	vst v7;
	v7 =	vmax.f32 v2, $0.0e+00  }
0x108: {  	v2 =	vld [tilespmem:s24+$0x260];
	[tilespmem:s21+$0x5260] =	vst v7;
	v7 =	vmax.f32 v1, $0.0e+00  }
0x109: {  	v1 =	vld [tilespmem:s24+$0x270];
	[tilespmem:s21+$0x5270] =	vst v7;
	s21 =	smov.u32 s24  }
0x10a: {  	v7 =	vld [tilespmem:s21+$0x5200]  }
0x10b: {  	v12 =	vld [tilespmem:s21+$0x5210]  }
.Ltmp5:
0x10c: {  	v11 =	vld [tilespmem:s21+$0x5220];
	(pc) =	sbr.rel @p1 .LBB2_11-.Ltmp5, $4  }
0x10d: {  	v10 =	vld [tilespmem:s21+$0x5230]  }
0x10e: {  	v9 =	vld [tilespmem:s21+$0x5240]  }
0x10f: {  	v13 =	vadd.f32 v7, v14;
	v8 =	vld [tilespmem:s21+$0x5250]  }
0x110: {  	s8 =	sadd.s32 $0x200, s8;
	v12 =	vadd.f32 v12, v15;
	v7 =	vld [tilespmem:s21+$0x5260]  }
0x111: {  	v13 =	vmax.f32 v13, $0.0e+00;
	v6 =	vadd.f32 v11, v6;
	v63 =	vld [tilespmem:s21+$0x5270]  }
0x112: {  	[tilespmem:s21+$0x5200] =	vst v13;
	v12 =	vmax.f32 v12, $0.0e+00;
	v5 =	vadd.f32 v10, v5  }
0x113: {  	[tilespmem:s21+$0x5210] =	vst v12;
	v6 =	vmax.f32 v6, $0.0e+00;
	v4 =	vadd.f32 v9, v4  }
0x114: {  	[tilespmem:s21+$0x5220] =	vst v6;
	v5 =	vmax.f32 v5, $0.0e+00;
	v3 =	vadd.f32 v8, v3  }
0x115: {  	[tilespmem:s21+$0x5230] =	vst v5;
	v4 =	vmax.f32 v4, $0.0e+00;
	v2 =	vadd.f32 v7, v2  }
0x116: {  	[tilespmem:s21+$0x5240] =	vst v4;
	v3 =	vmax.f32 v3, $0.0e+00;
	v1 =	vadd.f32 v63, v1  }
0x117: {  	[tilespmem:s21+$0x5250] =	vst v3;
	v2 =	vmax.f32 v2, $0.0e+00  }
0x118: {  	[tilespmem:s21+$0x5260] =	vst v2;
	v1 =	vmax.f32 v1, $0.0e+00  }
0x119: {  	s28 =	simm.s32 $0x9;
	[tilespmem:s21+$0x5270] =	vst v1  }
0x11a: {  	[spmem:s1] =	stream.indirect.scatter.add.f32 [tilespmem:s9], [sflag:$0x9], $0x80, s31, s2, $0xb8;
	[tilespmem:$0x1DA80] =	vst v63  }
0x11b: {  	_ =	swait.ge [sflag:s28], $0x2800  }
0x11c: {  	[sflag:s28] =	ssyncset.done $0x0  }
0x11d: {  	[sflag:s28] =	ssyncadd.s32 $0xFFFFD800  }
0x11e: {  	s8 =	stileid.u32;
	[bflag:$0x0] =	sbarrier.arrive $0xFFFF  }
0x11f: {  	s8 =	sshll.u32 s8, $0x6;
	s24 =	rddreg [dreg:$0x4]  }
0x120: {  	s8 =	sor.u32 $0x1C09, s8;
	s25 =	rddreg [dreg:$0x10];
	s26 =	sshrl.u32 s24, $0x3  }
0x121: {  	[hbm:s25], [sflag:s8] =	dma.local [spmem:s26], $0x2700  }
0x122: {  	_ =	swait.ge [sflag:s28], $0x2700  }
0x123: {  	[sflag:s28] =	ssyncset.done $0x0;
	s26 =	rddreg [dreg:$0x14]  }
0x124: {  	s25 =	rddreg [dreg:$0x11];
	[sflag:s28] =	ssyncadd.s32 $0xFFFFD900;
	s21 =	sshrl.u32 @!p0 s26, $0x3  }
0x125: {  	[hbm:s25], [sflag:s8] =	dma.local @!p0 [spmem:s21], $0x100  }
0x126: {  	s8 =	simm.s32 @!p0 $0x9  }
0x127: {  	_ =	swait.ge @!p0 [sflag:s8], $0x100  }
0x128: {  	s21 =	rddreg [dreg:$0x15]  }
0x129: {  	s25 =	sadd.s32 $0x1, s21;
	s21 =	rddreg [dreg:$0x12]  }
0x12a: {  	p1 =	sne.s32 s25, s21  }
.Ltmp6:
0x12b: {  	_ = 	snop;
	(pc) =	sbr.rel @p1 .LBB2_1-.Ltmp6, $3  }
0x12c: {  	_ =	sdelay $0x1  }
0x12d: {  	[sflag:s8] =	ssyncset.done @!p0 $0x0  }
0x12e: {  	[sflag:s8] =	ssyncadd.s32 @!p0 $0xFFFFFF00  }
0x12f: {  	_ =	sfence.sel $0x180000  }
0x130: {  	[bflag:$0x0] =	sbarrier.arrive $0xFFFF  }
0x131: {  	_ =	strace $0x90000047  }
0x132: {  	s0 =	stileid.u32;
	[bflag:$0x2] =	sbarrier.arrive $0xFFFF  }
0x133: {  	p0 =	sne.s32 s0, $0x0;
	s0 =	rddreg [dreg:$0x3]  }
0x134: {  	s0 =	sadd.s32 @!p0 $0x100000, s0  }
0x135: {  	[sflag:s0] =	ssyncadd.tile.s32 @!p0 $0x1;
	_ =	shalt  }
.Lfunc_end2:
_tile_overlayer_lowered:
.L_overlay_start_2:
0x136: {  	(tag) =	ssettag $0x2  }
0x137: {  	s0 =	rddreg [dreg:$0x0];
	s2 =	stileid.u32  }
0x138: {  	s1 =	rddreg [dreg:$0x1];
	p0 =	sne.s32 s2, $0x0  }
0x139: {  	s3 =	rddreg [dreg:$0x2];
	[bflag:$0x3] =	sbarrier.arrive $0xFFFF;
	s2 =	simm.s32 @!p0 $0x1C09  }
0x13a: {  	[timem:s3], [sflag:s2] =	dma.local @!p0 [hbm:s0], s1  }
0x13b: {  	s0 =	simm.s32 @!p0 $0x9  }
0x13c: {  	_ =	swait.ge @!p0 [sflag:s0], s1  }
0x13d: {  	s1 =	ssub.s32 @!p0 $0x0, s1;
	[sflag:s0] =	ssyncset.done @!p0 $0x0  }
0x13e: {  	[sflag:s0] =	ssyncadd.s32 @!p0 s1  }
0x13f: {  	[bflag:$0x3] =	sbarrier.arrive $0xFFFF  }
0x140: {  	_ =	shalt  }

</sc_bundles>
